<compile_context>
chip_gen: v7x
topology: tpu7x:2x2x1
jax: 0.10.2.dev20260603
libtpu: 0.0.44.dev20260713+nightly
codegen_flags: <defaults>
</compile_context>

<pallas_src>
import functools

import jax
import jax.numpy as jnp
from jax import lax
from jax.experimental import pallas as pl
from jax.experimental.pallas import tpu as pltpu
from jax.experimental.pallas import tpu_sc as plsc

_B, _W, _N, _H = 16, 32, 400, 256
_BW = _B * _W
_TOPK = 10
_KPAD = 16
_KROW = 128
_EPS = 1e-5
_R1 = 32
_R2 = _W
_NC, _NS, _L = 2, 16, 16
_NW = _NC * _NS
_ROWS_PER_SUBCORE = _BW // _NW
_INV_SQRT2 = 0.7071067811865476


def _readout_body(x_ref, out_ref):
    xb = x_ref[...]
    out_ref[...] = jnp.mean(xb, axis=1) + jnp.max(xb, axis=1)


def _middle_body(xr_ref, we_ref, be_ref, g_ref, bt_ref, wa_ref, ba_ref,
                 att_ref, attT_ref, idx_ref, w_ref):
    xr = xr_ref[...]
    h = jnp.dot(xr, we_ref[...], preferred_element_type=jnp.float32) + be_ref[...]
    mu = jnp.mean(h, axis=0, keepdims=True)
    var = jnp.mean((h - mu) ** 2, axis=0, keepdims=True)
    h = (h - mu) / jnp.sqrt(var + _EPS) * g_ref[...] + bt_ref[...]
    h = 0.5 * h * (1.0 + lax.erf(h * _INV_SQRT2))
    logits = jnp.dot(h, wa_ref[...], preferred_element_type=jnp.float32) + ba_ref[...]
    att = jax.nn.sigmoid(logits)
    att_ref[...] = att
    attT_ref[...] = jnp.transpose(att.reshape(_B, _W, _N), (1, 0, 2))

    iota_n = lax.broadcasted_iota(jnp.int32, (_BW, _N), 1)
    row_base = lax.broadcasted_iota(jnp.int32, (_BW, 1), 0) * _N
    a = att
    idx_cols = []
    w_cols = []
    for _ in range(_TOPK):
        m = jnp.max(a, axis=1, keepdims=True)
        sel = jnp.min(jnp.where(a == m, iota_n, _N), axis=1, keepdims=True)
        idx_cols.append(row_base + sel)
        w_cols.append(m)
        a = jnp.where(iota_n == sel, -1.0, a)
    for _ in range(_KPAD - _TOPK):
        idx_cols.append(row_base)
        w_cols.append(jnp.zeros((_BW, 1), jnp.float32))
    idx_ref[...] = jnp.concatenate(
        idx_cols + [jnp.zeros((_BW, _KROW - _KPAD), jnp.int32)], axis=1)
    w_ref[...] = jnp.concatenate(
        w_cols + [jnp.zeros((_BW, _KROW - _KPAD), jnp.float32)], axis=1)


def _selected_sc(x_flat, idx_flat, w_flat):
    mesh = plsc.VectorSubcoreMesh(core_axis_name="c", subcore_axis_name="s")
    nidx = _ROWS_PER_SUBCORE * _KPAD
    nraw = _ROWS_PER_SUBCORE * _KROW
    half = nidx // 2

    @functools.partial(
        pl.kernel,
        mesh=mesh,
        out_type=jax.ShapeDtypeStruct((_BW, _H), jnp.float32),
        scratch_types=[
            pltpu.VMEM((nraw,), jnp.int32),
            pltpu.VMEM((nraw,), jnp.float32),
            pltpu.VMEM((nidx,), jnp.int32),
            pltpu.VMEM((nidx,), jnp.float32),
            pltpu.VMEM((nidx, _H), jnp.float32),
            pltpu.VMEM((_ROWS_PER_SUBCORE, _H), jnp.float32),
            pltpu.SemaphoreType.DMA,
            pltpu.SemaphoreType.DMA,
        ],
    )
    def k(x_hbm, idx_hbm, w_hbm, out_hbm, idxr_v, wr_v, idx_v, w_v, rows_v,
          out_v, sem0, sem1):
        wid = lax.axis_index("s") * _NC + lax.axis_index("c")
        base = wid * _ROWS_PER_SUBCORE
        cpi = pltpu.async_copy(idx_hbm.at[pl.ds(base * _KROW, nraw)], idxr_v, sem0)
        cpw = pltpu.async_copy(w_hbm.at[pl.ds(base * _KROW, nraw)], wr_v, sem1)
        cpi.wait()
        cpw.wait()
        for r in range(_ROWS_PER_SUBCORE):
            idx_v[pl.ds(r * _KPAD, _KPAD)] = idxr_v[pl.ds(r * _KROW, _KPAD)]
            w_v[pl.ds(r * _KPAD, _KPAD)] = wr_v[pl.ds(r * _KROW, _KPAD)]
        cp0 = pltpu.async_copy(
            x_hbm.at[idx_v.at[pl.ds(0, half)]], rows_v.at[pl.ds(0, half)], sem0)
        cp1 = pltpu.async_copy(
            x_hbm.at[idx_v.at[pl.ds(half, half)]], rows_v.at[pl.ds(half, half)], sem1)
        cp0.wait()
        cp1.wait()

        def body(r, carry):
            w_vec = w_v[pl.ds(r * _KPAD, _L)]
            for hh in range(_H // _L):
                acc = rows_v[r * _KPAD, pl.ds(hh * _L, _L)] * w_vec[0]
                for kk in range(1, _TOPK):
                    acc = acc + rows_v[r * _KPAD + kk, pl.ds(hh * _L, _L)] * w_vec[kk]
                out_v[r, pl.ds(hh * _L, _L)] = acc
            return carry

        lax.fori_loop(0, _ROWS_PER_SUBCORE, body, 0)
        pltpu.sync_copy(out_v, out_hbm.at[pl.ds(base, _ROWS_PER_SUBCORE)])

    return k(x_flat, idx_flat, w_flat)


def _wmean_body(att_ref, x_ref, out_ref):
    out_ref[...] = lax.dot_general(
        att_ref[...], x_ref[...],
        dimension_numbers=(((1,), (1,)), ((0,), (0,))),
        preferred_element_type=jnp.float32) * (1.0 / _N)


def kernel(x, W_embed, b_embed, bn_gamma, bn_beta, W_attend, b_attend):
    xf = x.reshape(_BW, _N, _H)

    readout = pl.pallas_call(
        _readout_body,
        grid=(_BW // _R1,),
        in_specs=[pl.BlockSpec((_R1, _N, _H), lambda i: (i, 0, 0))],
        out_specs=pl.BlockSpec((_R1, _H), lambda i: (i, 0)),
        out_shape=jax.ShapeDtypeStruct((_BW, _H), jnp.float32),
    )(xf)

    att, att_t, idx, w = pl.pallas_call(
        _middle_body,
        out_shape=(
            jax.ShapeDtypeStruct((_BW, _N), jnp.float32),
            jax.ShapeDtypeStruct((_W, _B, _N), jnp.float32),
            jax.ShapeDtypeStruct((_BW, _KROW), jnp.int32),
            jax.ShapeDtypeStruct((_BW, _KROW), jnp.float32),
        ),
    )(readout, W_embed, b_embed.reshape(1, _H), bn_gamma.reshape(1, _H),
      bn_beta.reshape(1, _H), W_attend, b_attend.reshape(1, _N))

    selected = _selected_sc(x.reshape(_BW * _N, _H),
                            idx.reshape(_BW * _KROW),
                            w.reshape(_BW * _KROW))

    output = pl.pallas_call(
        _wmean_body,
        grid=(_B,),
        in_specs=[
            pl.BlockSpec((_R2, _N), lambda i: (i, 0)),
            pl.BlockSpec((_R2, _N, _H), lambda i: (i, 0, 0)),
        ],
        out_specs=pl.BlockSpec((_R2, _H), lambda i: (i, 0)),
        out_shape=jax.ShapeDtypeStruct((_BW, _H), jnp.float32),
    )(att, xf)

    return (output.reshape(_B, _W, _H),
            selected.reshape(_B, _W, _H),
            att_t)

# --- scband reference (transcript-rebuilt; emitter-appended) ---
"""Pipeline reference for scband-baro-89318139887969 (READ-ONLY COPY).

The authoritative reference and input builder live on the scoring server;
editing this copy changes nothing except your own understanding.
"""

import jax, jax.numpy as jnp
import numpy as np

B, W, N, H = 16, 32, 400, 256
TOPK = 10
EPS = 1e-5


def setup_inputs(seed: int = 0) -> dict:
    key = jax.random.key(seed)
    ks = jax.random.split(key, 6)
    x = jax.random.normal(ks[0], (B, W, N, H), dtype=jnp.float32)
    s = 1.0 / np.sqrt(H)
    W_embed = jax.random.uniform(ks[1], (H, H), minval=-s, maxval=s, dtype=jnp.float32)
    b_embed = jax.random.uniform(ks[2], (H,), minval=-s, maxval=s, dtype=jnp.float32)
    bn_gamma = jnp.ones((H,), dtype=jnp.float32)
    bn_beta = jnp.zeros((H,), dtype=jnp.float32)
    W_attend = jax.random.uniform(ks[3], (H, N), minval=-s, maxval=s, dtype=jnp.float32)
    b_attend = jax.random.uniform(ks[4], (N,), minval=-s, maxval=s, dtype=jnp.float32)
    return {"x": x, "W_embed": W_embed, "b_embed": b_embed, "bn_gamma": bn_gamma,
            "bn_beta": bn_beta, "W_attend": W_attend, "b_attend": b_attend}


def reference(x, W_embed, b_embed, bn_gamma, bn_beta, W_attend, b_attend):
    # readouts over the region axis (dim 2)
    x_readout = x.mean(axis=2) + x.max(axis=2)           # [B, W, H]
    xr = x_readout.reshape(-1, H)                        # [B*W, H]
    # embed: Linear -> BatchNorm1d (train mode, batch stats) -> GELU (exact)
    h = xr @ W_embed + b_embed
    mu = h.mean(axis=0)
    var = h.var(axis=0)  # biased variance, as torch BN uses for normalization
    h = (h - mu) / jnp.sqrt(var + EPS) * bn_gamma + bn_beta
    h = jax.nn.gelu(h, approximate=False)
    att = jax.nn.sigmoid(h @ W_attend + b_attend).reshape(B, W, N)  # [B, W, N]
    xa = x * att[..., None]                              # [B, W, N, H]
    output = xa.mean(axis=2)                             # [B, W, H]
    _, topk_idx = jax.lax.top_k(att, TOPK)               # [B, W, K]
    selected = jnp.take_along_axis(xa, topk_idx[..., None], axis=2)  # [B, W, K, H]
    selected = selected.sum(axis=2)                      # [B, W, H]
    return output, selected, jnp.transpose(att, (1, 0, 2))


if False:  # reference __main__ guard neutralized (emitter)
    out = reference(**setup_inputs())
    print([o.shape for o in out])

if __name__ == "__main__":
    import jax
    _d = setup_inputs()
    print(jax.jit(kernel)(*tuple(_d.values())))

</pallas_src>

<mosaic_0001>
#map = affine_map<(d0, d1) -> (0, 0)>
#map1 = affine_map<(d0, d1) -> (0)>
module attributes {stable_mosaic.version = 14 : i64} {
  func.func @k(%arg0: i32, %arg1: i32, %arg2: memref<204800x256xf32, #tpu.memory_space<hbm>>, %arg3: memref<65536xi32, #tpu.memory_space<hbm>>, %arg4: memref<65536xf32, #tpu.memory_space<hbm>>, %arg5: memref<512x256xf32, #tpu.memory_space<hbm>>, %arg6: memref<2048xi32, #tpu.memory_space<vmem>>, %arg7: memref<2048xf32, #tpu.memory_space<vmem>>, %arg8: memref<256xi32, #tpu.memory_space<vmem>>, %arg9: memref<256xf32, #tpu.memory_space<vmem>>, %arg10: memref<256x256xf32, #tpu.memory_space<vmem>>, %arg11: memref<16x256xf32, #tpu.memory_space<vmem>>, %arg12: memref<!tpu.dma_semaphore, #tpu.memory_space<semaphore_mem>>, %arg13: memref<!tpu.dma_semaphore, #tpu.memory_space<semaphore_mem>>) attributes {dimension_semantics = [#tpu.dimension_semantics<core_parallel>, #tpu.dimension_semantics<subcore_parallel>], iteration_bounds = array<i64: 2, 16>, scalar_prefetch = 0 : i64, scratch_operands = 8 : i64, tpu.core_type = #tpu.core_type<sc_vector_subcore>, window_params = [{transform_indices = #map}, {transform_indices = #map1}, {transform_indices = #map1}, {transform_indices = #map}]} {
    %mul3A = arith.constant 2 : i32
    %mul3A_0 = arith.muli %arg1, %mul3A : i32
    %add3A = arith.addi %mul3A_0, %arg0 : i32
    %mul3A_1 = arith.constant 16 : i32
    %mul3A_2 = arith.muli %add3A, %mul3A_1 : i32
    %mul3A_3 = arith.constant 128 : i32
    %mul3A_4 = arith.muli %mul3A_2, %mul3A_3 : i32
    %dma_start3A = tpu.memref_slice %arg3[%mul3A_4] : memref<65536xi32, #tpu.memory_space<hbm>> -> memref<2048xi32, #tpu.memory_space<hbm>>
    %dma_start3A_5 = tpu.memref_slice %arg3[%mul3A_4] : memref<65536xi32, #tpu.memory_space<hbm>> -> memref<2048xi32, #tpu.memory_space<hbm>>
    tpu.enqueue_dma source(%dma_start3A_5 : memref<2048xi32, #tpu.memory_space<hbm>>) target(%arg6 : memref<2048xi32, #tpu.memory_space<vmem>>) target_semaphore(%arg12 : memref<!tpu.dma_semaphore, #tpu.memory_space<semaphore_mem>>)
    %mul3A_6 = arith.constant 128 : i32
    %mul3A_7 = arith.muli %mul3A_2, %mul3A_6 : i32
    %dma_start3A_8 = tpu.memref_slice %arg4[%mul3A_7] : memref<65536xf32, #tpu.memory_space<hbm>> -> memref<2048xf32, #tpu.memory_space<hbm>>
    %dma_start3A_9 = tpu.memref_slice %arg4[%mul3A_7] : memref<65536xf32, #tpu.memory_space<hbm>> -> memref<2048xf32, #tpu.memory_space<hbm>>
    tpu.enqueue_dma source(%dma_start3A_9 : memref<2048xf32, #tpu.memory_space<hbm>>) target(%arg7 : memref<2048xf32, #tpu.memory_space<vmem>>) target_semaphore(%arg13 : memref<!tpu.dma_semaphore, #tpu.memory_space<semaphore_mem>>)
    %dma_wait3A = tpu.memref_slice %arg3[%mul3A_4] : memref<65536xi32, #tpu.memory_space<hbm>> -> memref<2048xi32, #tpu.memory_space<hbm>>
    %dma_wait3A_10 = tpu.memref_slice %arg3[%mul3A_4] : memref<65536xi32, #tpu.memory_space<hbm>> -> memref<2048xi32, #tpu.memory_space<hbm>>
    tpu.wait_dma2 semaphore(%arg12 : memref<!tpu.dma_semaphore, #tpu.memory_space<semaphore_mem>>) src(%dma_wait3A_10 : memref<2048xi32, #tpu.memory_space<hbm>>) dst(%arg6 : memref<2048xi32, #tpu.memory_space<vmem>>)
    %dma_wait3A_11 = tpu.memref_slice %arg4[%mul3A_7] : memref<65536xf32, #tpu.memory_space<hbm>> -> memref<2048xf32, #tpu.memory_space<hbm>>
    %dma_wait3A_12 = tpu.memref_slice %arg4[%mul3A_7] : memref<65536xf32, #tpu.memory_space<hbm>> -> memref<2048xf32, #tpu.memory_space<hbm>>
    tpu.wait_dma2 semaphore(%arg13 : memref<!tpu.dma_semaphore, #tpu.memory_space<semaphore_mem>>) src(%dma_wait3A_12 : memref<2048xf32, #tpu.memory_space<hbm>>) dst(%arg7 : memref<2048xf32, #tpu.memory_space<vmem>>)
    %get3A = arith.constant 0 : index
    %get3A_13 = tpu.vector_load %arg6[%get3A] {strides = array<i32>} : memref<2048xi32, #tpu.memory_space<vmem>>, vector<16xi32>,
    %get3A_14 = vector.shape_cast %get3A_13 : vector<16xi32> to vector<16xi32>
    %swap3A = arith.constant 0 : index
    %swap3A_15 = tpu.vector_load %arg8[%swap3A] {strides = array<i32>} : memref<256xi32, #tpu.memory_space<vmem>>, vector<16xi32>,
    %swap3A_16 = vector.shape_cast %swap3A_15 : vector<16xi32> to vector<16xi32>
    %swap3A_17 = vector.shape_cast %get3A_14 : vector<16xi32> to vector<16xi32>
    tpu.vector_store %arg8[%swap3A], %swap3A_17 {strides = array<i32>} : memref<256xi32, #tpu.memory_space<vmem>>, vector<16xi32>,
    %get3A_18 = arith.constant 0 : index
    %get3A_19 = tpu.vector_load %arg7[%get3A_18] {strides = array<i32>} : memref<2048xf32, #tpu.memory_space<vmem>>, vector<16xf32>,
    %get3A_20 = vector.shape_cast %get3A_19 : vector<16xf32> to vector<16xf32>
    %swap3A_21 = arith.constant 0 : index
    %swap3A_22 = tpu.vector_load %arg9[%swap3A_21] {strides = array<i32>} : memref<256xf32, #tpu.memory_space<vmem>>, vector<16xf32>,
    %swap3A_23 = vector.shape_cast %swap3A_22 : vector<16xf32> to vector<16xf32>
    %swap3A_24 = vector.shape_cast %get3A_20 : vector<16xf32> to vector<16xf32>
    tpu.vector_store %arg9[%swap3A_21], %swap3A_24 {strides = array<i32>} : memref<256xf32, #tpu.memory_space<vmem>>, vector<16xf32>,
    %get3A_25 = arith.constant 128 : index
    %get3A_26 = tpu.vector_load %arg6[%get3A_25] {strides = array<i32>} : memref<2048xi32, #tpu.memory_space<vmem>>, vector<16xi32>,
    %get3A_27 = vector.shape_cast %get3A_26 : vector<16xi32> to vector<16xi32>
    %swap3A_28 = arith.constant 16 : index
    %swap3A_29 = tpu.vector_load %arg8[%swap3A_28] {strides = array<i32>} : memref<256xi32, #tpu.memory_space<vmem>>, vector<16xi32>,
    %swap3A_30 = vector.shape_cast %swap3A_29 : vector<16xi32> to vector<16xi32>
    %swap3A_31 = vector.shape_cast %get3A_27 : vector<16xi32> to vector<16xi32>
    tpu.vector_store %arg8[%swap3A_28], %swap3A_31 {strides = array<i32>} : memref<256xi32, #tpu.memory_space<vmem>>, vector<16xi32>,
    %get3A_32 = arith.constant 128 : index
    %get3A_33 = tpu.vector_load %arg7[%get3A_32] {strides = array<i32>} : memref<2048xf32, #tpu.memory_space<vmem>>, vector<16xf32>,
    %get3A_34 = vector.shape_cast %get3A_33 : vector<16xf32> to vector<16xf32>
    %swap3A_35 = arith.constant 16 : index
    %swap3A_36 = tpu.vector_load %arg9[%swap3A_35] {strides = array<i32>} : memref<256xf32, #tpu.memory_space<vmem>>, vector<16xf32>,
    %swap3A_37 = vector.shape_cast %swap3A_36 : vector<16xf32> to vector<16xf32>
    %swap3A_38 = vector.shape_cast %get3A_34 : vector<16xf32> to vector<16xf32>
    tpu.vector_store %arg9[%swap3A_35], %swap3A_38 {strides = array<i32>} : memref<256xf32, #tpu.memory_space<vmem>>, vector<16xf32>,
    %get3A_39 = arith.constant 256 : index
    %get3A_40 = tpu.vector_load %arg6[%get3A_39] {strides = array<i32>} : memref<2048xi32, #tpu.memory_space<vmem>>, vector<16xi32>,
    %get3A_41 = vector.shape_cast %get3A_40 : vector<16xi32> to vector<16xi32>
    %swap3A_42 = arith.constant 32 : index
    %swap3A_43 = tpu.vector_load %arg8[%swap3A_42] {strides = array<i32>} : memref<256xi32, #tpu.memory_space<vmem>>, vector<16xi32>,
    %swap3A_44 = vector.shape_cast %swap3A_43 : vector<16xi32> to vector<16xi32>
    %swap3A_45 = vector.shape_cast %get3A_41 : vector<16xi32> to vector<16xi32>
    tpu.vector_store %arg8[%swap3A_42], %swap3A_45 {strides = array<i32>} : memref<256xi32, #tpu.memory_space<vmem>>, vector<16xi32>,
    %get3A_46 = arith.constant 256 : index
    %get3A_47 = tpu.vector_load %arg7[%get3A_46] {strides = array<i32>} : memref<2048xf32, #tpu.memory_space<vmem>>, vector<16xf32>,
    %get3A_48 = vector.shape_cast %get3A_47 : vector<16xf32> to vector<16xf32>
    %swap3A_49 = arith.constant 32 : index
    %swap3A_50 = tpu.vector_load %arg9[%swap3A_49] {strides = array<i32>} : memref<256xf32, #tpu.memory_space<vmem>>, vector<16xf32>,
    %swap3A_51 = vector.shape_cast %swap3A_50 : vector<16xf32> to vector<16xf32>
    %swap3A_52 = vector.shape_cast %get3A_48 : vector<16xf32> to vector<16xf32>
    tpu.vector_store %arg9[%swap3A_49], %swap3A_52 {strides = array<i32>} : memref<256xf32, #tpu.memory_space<vmem>>, vector<16xf32>,
    %get3A_53 = arith.constant 384 : index
    %get3A_54 = tpu.vector_load %arg6[%get3A_53] {strides = array<i32>} : memref<2048xi32, #tpu.memory_space<vmem>>, vector<16xi32>,
    %get3A_55 = vector.shape_cast %get3A_54 : vector<16xi32> to vector<16xi32>
    %swap3A_56 = arith.constant 48 : index
    %swap3A_57 = tpu.vector_load %arg8[%swap3A_56] {strides = array<i32>} : memref<256xi32, #tpu.memory_space<vmem>>, vector<16xi32>,
    %swap3A_58 = vector.shape_cast %swap3A_57 : vector<16xi32> to vector<16xi32>
    %swap3A_59 = vector.shape_cast %get3A_55 : vector<16xi32> to vector<16xi32>
    tpu.vector_store %arg8[%swap3A_56], %swap3A_59 {strides = array<i32>} : memref<256xi32, #tpu.memory_space<vmem>>, vector<16xi32>,
    %get3A_60 = arith.constant 384 : index
    %get3A_61 = tpu.vector_load %arg7[%get3A_60] {strides = array<i32>} : memref<2048xf32, #tpu.memory_space<vmem>>, vector<16xf32>,
    %get3A_62 = vector.shape_cast %get3A_61 : vector<16xf32> to vector<16xf32>
    %swap3A_63 = arith.constant 48 : index
    %swap3A_64 = tpu.vector_load %arg9[%swap3A_63] {strides = array<i32>} : memref<256xf32, #tpu.memory_space<vmem>>, vector<16xf32>,
    %swap3A_65 = vector.shape_cast %swap3A_64 : vector<16xf32> to vector<16xf32>
    %swap3A_66 = vector.shape_cast %get3A_62 : vector<16xf32> to vector<16xf32>
    tpu.vector_store %arg9[%swap3A_63], %swap3A_66 {strides = array<i32>} : memref<256xf32, #tpu.memory_space<vmem>>, vector<16xf32>,
    %get3A_67 = arith.constant 512 : index
    %get3A_68 = tpu.vector_load %arg6[%get3A_67] {strides = array<i32>} : memref<2048xi32, #tpu.memory_space<vmem>>, vector<16xi32>,
    %get3A_69 = vector.shape_cast %get3A_68 : vector<16xi32> to vector<16xi32>
    %swap3A_70 = arith.constant 64 : index
    %swap3A_71 = tpu.vector_load %arg8[%swap3A_70] {strides = array<i32>} : memref<256xi32, #tpu.memory_space<vmem>>, vector<16xi32>,
    %swap3A_72 = vector.shape_cast %swap3A_71 : vector<16xi32> to vector<16xi32>
    %swap3A_73 = vector.shape_cast %get3A_69 : vector<16xi32> to vector<16xi32>
    tpu.vector_store %arg8[%swap3A_70], %swap3A_73 {strides = array<i32>} : memref<256xi32, #tpu.memory_space<vmem>>, vector<16xi32>,
    %get3A_74 = arith.constant 512 : index
    %get3A_75 = tpu.vector_load %arg7[%get3A_74] {strides = array<i32>} : memref<2048xf32, #tpu.memory_space<vmem>>, vector<16xf32>,
    %get3A_76 = vector.shape_cast %get3A_75 : vector<16xf32> to vector<16xf32>
    %swap3A_77 = arith.constant 64 : index
    %swap3A_78 = tpu.vector_load %arg9[%swap3A_77] {strides = array<i32>} : memref<256xf32, #tpu.memory_space<vmem>>, vector<16xf32>,
    %swap3A_79 = vector.shape_cast %swap3A_78 : vector<16xf32> to vector<16xf32>
    %swap3A_80 = vector.shape_cast %get3A_76 : vector<16xf32> to vector<16xf32>
    tpu.vector_store %arg9[%swap3A_77], %swap3A_80 {strides = array<i32>} : memref<256xf32, #tpu.memory_space<vmem>>, vector<16xf32>,
    %get3A_81 = arith.constant 640 : index
    %get3A_82 = tpu.vector_load %arg6[%get3A_81] {strides = array<i32>} : memref<2048xi32, #tpu.memory_space<vmem>>, vector<16xi32>,
    %get3A_83 = vector.shape_cast %get3A_82 : vector<16xi32> to vector<16xi32>
    %swap3A_84 = arith.constant 80 : index
    %swap3A_85 = tpu.vector_load %arg8[%swap3A_84] {strides = array<i32>} : memref<256xi32, #tpu.memory_space<vmem>>, vector<16xi32>,
    %swap3A_86 = vector.shape_cast %swap3A_85 : vector<16xi32> to vector<16xi32>
    %swap3A_87 = vector.shape_cast %get3A_83 : vector<16xi32> to vector<16xi32>
    tpu.vector_store %arg8[%swap3A_84], %swap3A_87 {strides = array<i32>} : memref<256xi32, #tpu.memory_space<vmem>>, vector<16xi32>,
    %get3A_88 = arith.constant 640 : index
    %get3A_89 = tpu.vector_load %arg7[%get3A_88] {strides = array<i32>} : memref<2048xf32, #tpu.memory_space<vmem>>, vector<16xf32>,
    %get3A_90 = vector.shape_cast %get3A_89 : vector<16xf32> to vector<16xf32>
    %swap3A_91 = arith.constant 80 : index
    %swap3A_92 = tpu.vector_load %arg9[%swap3A_91] {strides = array<i32>} : memref<256xf32, #tpu.memory_space<vmem>>, vector<16xf32>,
    %swap3A_93 = vector.shape_cast %swap3A_92 : vector<16xf32> to vector<16xf32>
    %swap3A_94 = vector.shape_cast %get3A_90 : vector<16xf32> to vector<16xf32>
    tpu.vector_store %arg9[%swap3A_91], %swap3A_94 {strides = array<i32>} : memref<256xf32, #tpu.memory_space<vmem>>, vector<16xf32>,
    %get3A_95 = arith.constant 768 : index
    %get3A_96 = tpu.vector_load %arg6[%get3A_95] {strides = array<i32>} : memref<2048xi32, #tpu.memory_space<vmem>>, vector<16xi32>,
    %get3A_97 = vector.shape_cast %get3A_96 : vector<16xi32> to vector<16xi32>
    %swap3A_98 = arith.constant 96 : index
    %swap3A_99 = tpu.vector_load %arg8[%swap3A_98] {strides = array<i32>} : memref<256xi32, #tpu.memory_space<vmem>>, vector<16xi32>,
    %swap3A_100 = vector.shape_cast %swap3A_99 : vector<16xi32> to vector<16xi32>
    %swap3A_101 = vector.shape_cast %get3A_97 : vector<16xi32> to vector<16xi32>
    tpu.vector_store %arg8[%swap3A_98], %swap3A_101 {strides = array<i32>} : memref<256xi32, #tpu.memory_space<vmem>>, vector<16xi32>,
    %get3A_102 = arith.constant 768 : index
    %get3A_103 = tpu.vector_load %arg7[%get3A_102] {strides = array<i32>} : memref<2048xf32, #tpu.memory_space<vmem>>, vector<16xf32>,
    %get3A_104 = vector.shape_cast %get3A_103 : vector<16xf32> to vector<16xf32>
    %swap3A_105 = arith.constant 96 : index
    %swap3A_106 = tpu.vector_load %arg9[%swap3A_105] {strides = array<i32>} : memref<256xf32, #tpu.memory_space<vmem>>, vector<16xf32>,
    %swap3A_107 = vector.shape_cast %swap3A_106 : vector<16xf32> to vector<16xf32>
    %swap3A_108 = vector.shape_cast %get3A_104 : vector<16xf32> to vector<16xf32>
    tpu.vector_store %arg9[%swap3A_105], %swap3A_108 {strides = array<i32>} : memref<256xf32, #tpu.memory_space<vmem>>, vector<16xf32>,
    %get3A_109 = arith.constant 896 : index
    %get3A_110 = tpu.vector_load %arg6[%get3A_109] {strides = array<i32>} : memref<2048xi32, #tpu.memory_space<vmem>>, vector<16xi32>,
    %get3A_111 = vector.shape_cast %get3A_110 : vector<16xi32> to vector<16xi32>
    %swap3A_112 = arith.constant 112 : index
    %swap3A_113 = tpu.vector_load %arg8[%swap3A_112] {strides = array<i32>} : memref<256xi32, #tpu.memory_space<vmem>>, vector<16xi32>,
    %swap3A_114 = vector.shape_cast %swap3A_113 : vector<16xi32> to vector<16xi32>
    %swap3A_115 = vector.shape_cast %get3A_111 : vector<16xi32> to vector<16xi32>
    tpu.vector_store %arg8[%swap3A_112], %swap3A_115 {strides = array<i32>} : memref<256xi32, #tpu.memory_space<vmem>>, vector<16xi32>,
    %get3A_116 = arith.constant 896 : index
    %get3A_117 = tpu.vector_load %arg7[%get3A_116] {strides = array<i32>} : memref<2048xf32, #tpu.memory_space<vmem>>, vector<16xf32>,
    %get3A_118 = vector.shape_cast %get3A_117 : vector<16xf32> to vector<16xf32>
    %swap3A_119 = arith.constant 112 : index
    %swap3A_120 = tpu.vector_load %arg9[%swap3A_119] {strides = array<i32>} : memref<256xf32, #tpu.memory_space<vmem>>, vector<16xf32>,
    %swap3A_121 = vector.shape_cast %swap3A_120 : vector<16xf32> to vector<16xf32>
    %swap3A_122 = vector.shape_cast %get3A_118 : vector<16xf32> to vector<16xf32>
    tpu.vector_store %arg9[%swap3A_119], %swap3A_122 {strides = array<i32>} : memref<256xf32, #tpu.memory_space<vmem>>, vector<16xf32>,
    %get3A_123 = arith.constant 1024 : index
    %get3A_124 = tpu.vector_load %arg6[%get3A_123] {strides = array<i32>} : memref<2048xi32, #tpu.memory_space<vmem>>, vector<16xi32>,
    %get3A_125 = vector.shape_cast %get3A_124 : vector<16xi32> to vector<16xi32>
    %swap3A_126 = arith.constant 128 : index
    %swap3A_127 = tpu.vector_load %arg8[%swap3A_126] {strides = array<i32>} : memref<256xi32, #tpu.memory_space<vmem>>, vector<16xi32>,
    %swap3A_128 = vector.shape_cast %swap3A_127 : vector<16xi32> to vector<16xi32>
    %swap3A_129 = vector.shape_cast %get3A_125 : vector<16xi32> to vector<16xi32>
    tpu.vector_store %arg8[%swap3A_126], %swap3A_129 {strides = array<i32>} : memref<256xi32, #tpu.memory_space<vmem>>, vector<16xi32>,
    %get3A_130 = arith.constant 1024 : index
    %get3A_131 = tpu.vector_load %arg7[%get3A_130] {strides = array<i32>} : memref<2048xf32, #tpu.memory_space<vmem>>, vector<16xf32>,
    %get3A_132 = vector.shape_cast %get3A_131 : vector<16xf32> to vector<16xf32>
    %swap3A_133 = arith.constant 128 : index
    %swap3A_134 = tpu.vector_load %arg9[%swap3A_133] {strides = array<i32>} : memref<256xf32, #tpu.memory_space<vmem>>, vector<16xf32>,
    %swap3A_135 = vector.shape_cast %swap3A_134 : vector<16xf32> to vector<16xf32>
    %swap3A_136 = vector.shape_cast %get3A_132 : vector<16xf32> to vector<16xf32>
    tpu.vector_store %arg9[%swap3A_133], %swap3A_136 {strides = array<i32>} : memref<256xf32, #tpu.memory_space<vmem>>, vector<16xf32>,
    %get3A_137 = arith.constant 1152 : index
    %get3A_138 = tpu.vector_load %arg6[%get3A_137] {strides = array<i32>} : memref<2048xi32, #tpu.memory_space<vmem>>, vector<16xi32>,
    %get3A_139 = vector.shape_cast %get3A_138 : vector<16xi32> to vector<16xi32>
    %swap3A_140 = arith.constant 144 : index
    %swap3A_141 = tpu.vector_load %arg8[%swap3A_140] {strides = array<i32>} : memref<256xi32, #tpu.memory_space<vmem>>, vector<16xi32>,
    %swap3A_142 = vector.shape_cast %swap3A_141 : vector<16xi32> to vector<16xi32>
    %swap3A_143 = vector.shape_cast %get3A_139 : vector<16xi32> to vector<16xi32>
    tpu.vector_store %arg8[%swap3A_140], %swap3A_143 {strides = array<i32>} : memref<256xi32, #tpu.memory_space<vmem>>, vector<16xi32>,
    %get3A_144 = arith.constant 1152 : index
    %get3A_145 = tpu.vector_load %arg7[%get3A_144] {strides = array<i32>} : memref<2048xf32, #tpu.memory_space<vmem>>, vector<16xf32>,
    %get3A_146 = vector.shape_cast %get3A_145 : vector<16xf32> to vector<16xf32>
    %swap3A_147 = arith.constant 144 : index
    %swap3A_148 = tpu.vector_load %arg9[%swap3A_147] {strides = array<i32>} : memref<256xf32, #tpu.memory_space<vmem>>, vector<16xf32>,
    %swap3A_149 = vector.shape_cast %swap3A_148 : vector<16xf32> to vector<16xf32>
    %swap3A_150 = vector.shape_cast %get3A_146 : vector<16xf32> to vector<16xf32>
    tpu.vector_store %arg9[%swap3A_147], %swap3A_150 {strides = array<i32>} : memref<256xf32, #tpu.memory_space<vmem>>, vector<16xf32>,
    %get3A_151 = arith.constant 1280 : index
    %get3A_152 = tpu.vector_load %arg6[%get3A_151] {strides = array<i32>} : memref<2048xi32, #tpu.memory_space<vmem>>, vector<16xi32>,
    %get3A_153 = vector.shape_cast %get3A_152 : vector<16xi32> to vector<16xi32>
    %swap3A_154 = arith.constant 160 : index
    %swap3A_155 = tpu.vector_load %arg8[%swap3A_154] {strides = array<i32>} : memref<256xi32, #tpu.memory_space<vmem>>, vector<16xi32>,
    %swap3A_156 = vector.shape_cast %swap3A_155 : vector<16xi32> to vector<16xi32>
    %swap3A_157 = vector.shape_cast %get3A_153 : vector<16xi32> to vector<16xi32>
    tpu.vector_store %arg8[%swap3A_154], %swap3A_157 {strides = array<i32>} : memref<256xi32, #tpu.memory_space<vmem>>, vector<16xi32>,
    %get3A_158 = arith.constant 1280 : index
    %get3A_159 = tpu.vector_load %arg7[%get3A_158] {strides = array<i32>} : memref<2048xf32, #tpu.memory_space<vmem>>, vector<16xf32>,
    %get3A_160 = vector.shape_cast %get3A_159 : vector<16xf32> to vector<16xf32>
    %swap3A_161 = arith.constant 160 : index
    %swap3A_162 = tpu.vector_load %arg9[%swap3A_161] {strides = array<i32>} : memref<256xf32, #tpu.memory_space<vmem>>, vector<16xf32>,
    %swap3A_163 = vector.shape_cast %swap3A_162 : vector<16xf32> to vector<16xf32>
    %swap3A_164 = vector.shape_cast %get3A_160 : vector<16xf32> to vector<16xf32>
    tpu.vector_store %arg9[%swap3A_161], %swap3A_164 {strides = array<i32>} : memref<256xf32, #tpu.memory_space<vmem>>, vector<16xf32>,
    %get3A_165 = arith.constant 1408 : index
    %get3A_166 = tpu.vector_load %arg6[%get3A_165] {strides = array<i32>} : memref<2048xi32, #tpu.memory_space<vmem>>, vector<16xi32>,
    %get3A_167 = vector.shape_cast %get3A_166 : vector<16xi32> to vector<16xi32>
    %swap3A_168 = arith.constant 176 : index
    %swap3A_169 = tpu.vector_load %arg8[%swap3A_168] {strides = array<i32>} : memref<256xi32, #tpu.memory_space<vmem>>, vector<16xi32>,
    %swap3A_170 = vector.shape_cast %swap3A_169 : vector<16xi32> to vector<16xi32>
    %swap3A_171 = vector.shape_cast %get3A_167 : vector<16xi32> to vector<16xi32>
    tpu.vector_store %arg8[%swap3A_168], %swap3A_171 {strides = array<i32>} : memref<256xi32, #tpu.memory_space<vmem>>, vector<16xi32>,
    %get3A_172 = arith.constant 1408 : index
    %get3A_173 = tpu.vector_load %arg7[%get3A_172] {strides = array<i32>} : memref<2048xf32, #tpu.memory_space<vmem>>, vector<16xf32>,
    %get3A_174 = vector.shape_cast %get3A_173 : vector<16xf32> to vector<16xf32>
    %swap3A_175 = arith.constant 176 : index
    %swap3A_176 = tpu.vector_load %arg9[%swap3A_175] {strides = array<i32>} : memref<256xf32, #tpu.memory_space<vmem>>, vector<16xf32>,
    %swap3A_177 = vector.shape_cast %swap3A_176 : vector<16xf32> to vector<16xf32>
    %swap3A_178 = vector.shape_cast %get3A_174 : vector<16xf32> to vector<16xf32>
    tpu.vector_store %arg9[%swap3A_175], %swap3A_178 {strides = array<i32>} : memref<256xf32, #tpu.memory_space<vmem>>, vector<16xf32>,
    %get3A_179 = arith.constant 1536 : index
    %get3A_180 = tpu.vector_load %arg6[%get3A_179] {strides = array<i32>} : memref<2048xi32, #tpu.memory_space<vmem>>, vector<16xi32>,
    %get3A_181 = vector.shape_cast %get3A_180 : vector<16xi32> to vector<16xi32>
    %swap3A_182 = arith.constant 192 : index
    %swap3A_183 = tpu.vector_load %arg8[%swap3A_182] {strides = array<i32>} : memref<256xi32, #tpu.memory_space<vmem>>, vector<16xi32>,
    %swap3A_184 = vector.shape_cast %swap3A_183 : vector<16xi32> to vector<16xi32>
    %swap3A_185 = vector.shape_cast %get3A_181 : vector<16xi32> to vector<16xi32>
    tpu.vector_store %arg8[%swap3A_182], %swap3A_185 {strides = array<i32>} : memref<256xi32, #tpu.memory_space<vmem>>, vector<16xi32>,
    %get3A_186 = arith.constant 1536 : index
    %get3A_187 = tpu.vector_load %arg7[%get3A_186] {strides = array<i32>} : memref<2048xf32, #tpu.memory_space<vmem>>, vector<16xf32>,
    %get3A_188 = vector.shape_cast %get3A_187 : vector<16xf32> to vector<16xf32>
    %swap3A_189 = arith.constant 192 : index
    %swap3A_190 = tpu.vector_load %arg9[%swap3A_189] {strides = array<i32>} : memref<256xf32, #tpu.memory_space<vmem>>, vector<16xf32>,
    %swap3A_191 = vector.shape_cast %swap3A_190 : vector<16xf32> to vector<16xf32>
    %swap3A_192 = vector.shape_cast %get3A_188 : vector<16xf32> to vector<16xf32>
    tpu.vector_store %arg9[%swap3A_189], %swap3A_192 {strides = array<i32>} : memref<256xf32, #tpu.memory_space<vmem>>, vector<16xf32>,
    %get3A_193 = arith.constant 1664 : index
    %get3A_194 = tpu.vector_load %arg6[%get3A_193] {strides = array<i32>} : memref<2048xi32, #tpu.memory_space<vmem>>, vector<16xi32>,
    %get3A_195 = vector.shape_cast %get3A_194 : vector<16xi32> to vector<16xi32>
    %swap3A_196 = arith.constant 208 : index
    %swap3A_197 = tpu.vector_load %arg8[%swap3A_196] {strides = array<i32>} : memref<256xi32, #tpu.memory_space<vmem>>, vector<16xi32>,
    %swap3A_198 = vector.shape_cast %swap3A_197 : vector<16xi32> to vector<16xi32>
    %swap3A_199 = vector.shape_cast %get3A_195 : vector<16xi32> to vector<16xi32>
    tpu.vector_store %arg8[%swap3A_196], %swap3A_199 {strides = array<i32>} : memref<256xi32, #tpu.memory_space<vmem>>, vector<16xi32>,
    %get3A_200 = arith.constant 1664 : index
    %get3A_201 = tpu.vector_load %arg7[%get3A_200] {strides = array<i32>} : memref<2048xf32, #tpu.memory_space<vmem>>, vector<16xf32>,
    %get3A_202 = vector.shape_cast %get3A_201 : vector<16xf32> to vector<16xf32>
    %swap3A_203 = arith.constant 208 : index
    %swap3A_204 = tpu.vector_load %arg9[%swap3A_203] {strides = array<i32>} : memref<256xf32, #tpu.memory_space<vmem>>, vector<16xf32>,
    %swap3A_205 = vector.shape_cast %swap3A_204 : vector<16xf32> to vector<16xf32>
    %swap3A_206 = vector.shape_cast %get3A_202 : vector<16xf32> to vector<16xf32>
    tpu.vector_store %arg9[%swap3A_203], %swap3A_206 {strides = array<i32>} : memref<256xf32, #tpu.memory_space<vmem>>, vector<16xf32>,
    %get3A_207 = arith.constant 1792 : index
    %get3A_208 = tpu.vector_load %arg6[%get3A_207] {strides = array<i32>} : memref<2048xi32, #tpu.memory_space<vmem>>, vector<16xi32>,
    %get3A_209 = vector.shape_cast %get3A_208 : vector<16xi32> to vector<16xi32>
    %swap3A_210 = arith.constant 224 : index
    %swap3A_211 = tpu.vector_load %arg8[%swap3A_210] {strides = array<i32>} : memref<256xi32, #tpu.memory_space<vmem>>, vector<16xi32>,
    %swap3A_212 = vector.shape_cast %swap3A_211 : vector<16xi32> to vector<16xi32>
    %swap3A_213 = vector.shape_cast %get3A_209 : vector<16xi32> to vector<16xi32>
    tpu.vector_store %arg8[%swap3A_210], %swap3A_213 {strides = array<i32>} : memref<256xi32, #tpu.memory_space<vmem>>, vector<16xi32>,
    %get3A_214 = arith.constant 1792 : index
    %get3A_215 = tpu.vector_load %arg7[%get3A_214] {strides = array<i32>} : memref<2048xf32, #tpu.memory_space<vmem>>, vector<16xf32>,
    %get3A_216 = vector.shape_cast %get3A_215 : vector<16xf32> to vector<16xf32>
    %swap3A_217 = arith.constant 224 : index
    %swap3A_218 = tpu.vector_load %arg9[%swap3A_217] {strides = array<i32>} : memref<256xf32, #tpu.memory_space<vmem>>, vector<16xf32>,
    %swap3A_219 = vector.shape_cast %swap3A_218 : vector<16xf32> to vector<16xf32>
    %swap3A_220 = vector.shape_cast %get3A_216 : vector<16xf32> to vector<16xf32>
    tpu.vector_store %arg9[%swap3A_217], %swap3A_220 {strides = array<i32>} : memref<256xf32, #tpu.memory_space<vmem>>, vector<16xf32>,
    %get3A_221 = arith.constant 1920 : index
    %get3A_222 = tpu.vector_load %arg6[%get3A_221] {strides = array<i32>} : memref<2048xi32, #tpu.memory_space<vmem>>, vector<16xi32>,
    %get3A_223 = vector.shape_cast %get3A_222 : vector<16xi32> to vector<16xi32>
    %swap3A_224 = arith.constant 240 : index
    %swap3A_225 = tpu.vector_load %arg8[%swap3A_224] {strides = array<i32>} : memref<256xi32, #tpu.memory_space<vmem>>, vector<16xi32>,
    %swap3A_226 = vector.shape_cast %swap3A_225 : vector<16xi32> to vector<16xi32>
    %swap3A_227 = vector.shape_cast %get3A_223 : vector<16xi32> to vector<16xi32>
    tpu.vector_store %arg8[%swap3A_224], %swap3A_227 {strides = array<i32>} : memref<256xi32, #tpu.memory_space<vmem>>, vector<16xi32>,
    %get3A_228 = arith.constant 1920 : index
    %get3A_229 = tpu.vector_load %arg7[%get3A_228] {strides = array<i32>} : memref<2048xf32, #tpu.memory_space<vmem>>, vector<16xf32>,
    %get3A_230 = vector.shape_cast %get3A_229 : vector<16xf32> to vector<16xf32>
    %swap3A_231 = arith.constant 240 : index
    %swap3A_232 = tpu.vector_load %arg9[%swap3A_231] {strides = array<i32>} : memref<256xf32, #tpu.memory_space<vmem>>, vector<16xf32>,
    %swap3A_233 = vector.shape_cast %swap3A_232 : vector<16xf32> to vector<16xf32>
    %swap3A_234 = vector.shape_cast %get3A_230 : vector<16xf32> to vector<16xf32>
    tpu.vector_store %arg9[%swap3A_231], %swap3A_234 {strides = array<i32>} : memref<256xf32, #tpu.memory_space<vmem>>, vector<16xf32>,
    %dma_start3A_235 = arith.constant 0 : i32
    %dma_start3A_236 = arith.constant 0 : i32
    %dma_start3A_237 = tpu.memref_slice %arg10[%dma_start3A_235, %dma_start3A_236] : memref<256x256xf32, #tpu.memory_space<vmem>> -> memref<128x256xf32, #tpu.memory_space<vmem>>
    %dma_start3A_238 = arith.constant 0 : i32
    %dma_start3A_239 = tpu.memref_slice %arg8[%dma_start3A_238] : memref<256xi32, #tpu.memory_space<vmem>> -> memref<128xi32, #tpu.memory_space<vmem>>
    %dma_start3A_240 = arith.constant 0 : i32
    %dma_start3A_241 = arith.constant 0 : i32
    %dma_start3A_242 = tpu.memref_slice %arg2[%dma_start3A_240, %dma_start3A_241] : memref<204800x256xf32, #tpu.memory_space<hbm>> -> memref<204800x256xf32, #tpu.memory_space<hbm>>
    tpu.enqueue_indirect_dma source(%dma_start3A_242 : memref<204800x256xf32, #tpu.memory_space<hbm>>) target(%dma_start3A_237 : memref<128x256xf32, #tpu.memory_space<vmem>>) offsets(%dma_start3A_239 : memref<128xi32, #tpu.memory_space<vmem>>) semaphore(%arg12 : memref<!tpu.dma_semaphore, #tpu.memory_space<semaphore_mem>>)
    %dma_start3A_243 = arith.constant 128 : i32
    %dma_start3A_244 = arith.constant 0 : i32
    %dma_start3A_245 = tpu.memref_slice %arg10[%dma_start3A_243, %dma_start3A_244] : memref<256x256xf32, #tpu.memory_space<vmem>> -> memref<128x256xf32, #tpu.memory_space<vmem>>
    %dma_start3A_246 = arith.constant 128 : i32
    %dma_start3A_247 = tpu.memref_slice %arg8[%dma_start3A_246] : memref<256xi32, #tpu.memory_space<vmem>> -> memref<128xi32, #tpu.memory_space<vmem>>
    %dma_start3A_248 = arith.constant 0 : i32
    %dma_start3A_249 = arith.constant 0 : i32
    %dma_start3A_250 = tpu.memref_slice %arg2[%dma_start3A_248, %dma_start3A_249] : memref<204800x256xf32, #tpu.memory_space<hbm>> -> memref<204800x256xf32, #tpu.memory_space<hbm>>
    tpu.enqueue_indirect_dma source(%dma_start3A_250 : memref<204800x256xf32, #tpu.memory_space<hbm>>) target(%dma_start3A_245 : memref<128x256xf32, #tpu.memory_space<vmem>>) offsets(%dma_start3A_247 : memref<128xi32, #tpu.memory_space<vmem>>) semaphore(%arg13 : memref<!tpu.dma_semaphore, #tpu.memory_space<semaphore_mem>>)
    %dma_wait3A_251 = arith.constant 0 : i32
    %dma_wait3A_252 = arith.constant 0 : i32
    %dma_wait3A_253 = tpu.memref_slice %arg10[%dma_wait3A_251, %dma_wait3A_252] : memref<256x256xf32, #tpu.memory_space<vmem>> -> memref<128x256xf32, #tpu.memory_space<vmem>>
    %dma_wait3A_254 = arith.constant 0 : i32
    %dma_wait3A_255 = tpu.memref_slice %arg8[%dma_wait3A_254] : memref<256xi32, #tpu.memory_space<vmem>> -> memref<128xi32, #tpu.memory_space<vmem>>
    %dma_wait3A_256 = arith.constant 0 : i32
    %dma_wait3A_257 = arith.constant 0 : i32
    %dma_wait3A_258 = tpu.memref_slice %arg2[%dma_wait3A_256, %dma_wait3A_257] : memref<204800x256xf32, #tpu.memory_space<hbm>> -> memref<204800x256xf32, #tpu.memory_space<hbm>>
    tpu.wait_indirect_dma semaphore(%arg12 : memref<!tpu.dma_semaphore, #tpu.memory_space<semaphore_mem>>) src(%dma_wait3A_258 : memref<204800x256xf32, #tpu.memory_space<hbm>>) dst(%dma_wait3A_253 : memref<128x256xf32, #tpu.memory_space<vmem>>)
    %dma_wait3A_259 = arith.constant 128 : i32
    %dma_wait3A_260 = arith.constant 0 : i32
    %dma_wait3A_261 = tpu.memref_slice %arg10[%dma_wait3A_259, %dma_wait3A_260] : memref<256x256xf32, #tpu.memory_space<vmem>> -> memref<128x256xf32, #tpu.memory_space<vmem>>
    %dma_wait3A_262 = arith.constant 128 : i32
    %dma_wait3A_263 = tpu.memref_slice %arg8[%dma_wait3A_262] : memref<256xi32, #tpu.memory_space<vmem>> -> memref<128xi32, #tpu.memory_space<vmem>>
    %dma_wait3A_264 = arith.constant 0 : i32
    %dma_wait3A_265 = arith.constant 0 : i32
    %dma_wait3A_266 = tpu.memref_slice %arg2[%dma_wait3A_264, %dma_wait3A_265] : memref<204800x256xf32, #tpu.memory_space<hbm>> -> memref<204800x256xf32, #tpu.memory_space<hbm>>
    tpu.wait_indirect_dma semaphore(%arg13 : memref<!tpu.dma_semaphore, #tpu.memory_space<semaphore_mem>>) src(%dma_wait3A_266 : memref<204800x256xf32, #tpu.memory_space<hbm>>) dst(%dma_wait3A_261 : memref<128x256xf32, #tpu.memory_space<vmem>>)
    %scan3A = arith.constant 0 : i32
    %scan3A_267 = arith.constant 0 : i32
    %scan3A_268 = arith.constant 16 : i32
    %scan3A_269 = arith.addi %scan3A_267, %scan3A_268 : i32
    %scan3A_270 = arith.constant 1 : i32
    scf.for %scan3A_272 = %scan3A_267 to %scan3A_269 step %scan3A_270  : i32 {
      %mul3A_273 = arith.constant 16 : i32
      %mul3A_274 = arith.muli %scan3A_272, %mul3A_273 : i32
      %get3A_275 = arith.index_cast %mul3A_274 : i32 to index
      %get3A_276 = tpu.vector_load %arg9[%get3A_275] {strides = array<i32>} : memref<256xf32, #tpu.memory_space<vmem>>, vector<16xf32>,
      %get3A_277 = vector.shape_cast %get3A_276 : vector<16xf32> to vector<16xf32>
      %mul3A_278 = arith.constant 16 : i32
      %mul3A_279 = arith.muli %scan3A_272, %mul3A_278 : i32
      %get3A_280 = arith.index_cast %mul3A_279 : i32 to index
      %get3A_281 = arith.constant 0 : index
      %get3A_282 = tpu.vector_load %arg10[%get3A_280, %get3A_281] {strides = array<i32>} : memref<256x256xf32, #tpu.memory_space<vmem>>, vector<1x16xf32>,
      %get3A_283 = vector.shape_cast %get3A_282 : vector<1x16xf32> to vector<16xf32>
      %slice3A = vector.extract_strided_slice %get3A_277 {offsets = [0], sizes = [1], strides = [1]} : vector<16xf32> to vector<1xf32>
      %squeeze3A = vector.extract %slice3A[0] : f32 from vector<1xf32>
      %mul3A_284 = vector.broadcast %squeeze3A : f32 to vector<16xf32>
      %mul3A_285 = arith.mulf %get3A_283, %mul3A_284 : vector<16xf32>
      %mul3A_286 = arith.constant 16 : i32
      %mul3A_287 = arith.muli %scan3A_272, %mul3A_286 : i32
      %add3A_288 = arith.constant 1 : i32
      %add3A_289 = arith.addi %mul3A_287, %add3A_288 : i32
      %get3A_290 = arith.index_cast %add3A_289 : i32 to index
      %get3A_291 = arith.constant 0 : index
      %get3A_292 = tpu.vector_load %arg10[%get3A_290, %get3A_291] {strides = array<i32>} : memref<256x256xf32, #tpu.memory_space<vmem>>, vector<1x16xf32>,
      %get3A_293 = vector.shape_cast %get3A_292 : vector<1x16xf32> to vector<16xf32>
      %slice3A_294 = vector.extract_strided_slice %get3A_277 {offsets = [1], sizes = [1], strides = [1]} : vector<16xf32> to vector<1xf32>
      %squeeze3A_295 = vector.extract %slice3A_294[0] : f32 from vector<1xf32>
      %mul3A_296 = vector.broadcast %squeeze3A_295 : f32 to vector<16xf32>
      %mul3A_297 = arith.mulf %get3A_293, %mul3A_296 : vector<16xf32>
      %add3A_298 = arith.addf %mul3A_285, %mul3A_297 : vector<16xf32>
      %mul3A_299 = arith.constant 16 : i32
      %mul3A_300 = arith.muli %scan3A_272, %mul3A_299 : i32
      %add3A_301 = arith.constant 2 : i32
      %add3A_302 = arith.addi %mul3A_300, %add3A_301 : i32
      %get3A_303 = arith.index_cast %add3A_302 : i32 to index
      %get3A_304 = arith.constant 0 : index
      %get3A_305 = tpu.vector_load %arg10[%get3A_303, %get3A_304] {strides = array<i32>} : memref<256x256xf32, #tpu.memory_space<vmem>>, vector<1x16xf32>,
      %get3A_306 = vector.shape_cast %get3A_305 : vector<1x16xf32> to vector<16xf32>
      %slice3A_307 = vector.extract_strided_slice %get3A_277 {offsets = [2], sizes = [1], strides = [1]} : vector<16xf32> to vector<1xf32>
      %squeeze3A_308 = vector.extract %slice3A_307[0] : f32 from vector<1xf32>
      %mul3A_309 = vector.broadcast %squeeze3A_308 : f32 to vector<16xf32>
      %mul3A_310 = arith.mulf %get3A_306, %mul3A_309 : vector<16xf32>
      %add3A_311 = arith.addf %add3A_298, %mul3A_310 : vector<16xf32>
      %mul3A_312 = arith.constant 16 : i32
      %mul3A_313 = arith.muli %scan3A_272, %mul3A_312 : i32
      %add3A_314 = arith.constant 3 : i32
      %add3A_315 = arith.addi %mul3A_313, %add3A_314 : i32
      %get3A_316 = arith.index_cast %add3A_315 : i32 to index
      %get3A_317 = arith.constant 0 : index
      %get3A_318 = tpu.vector_load %arg10[%get3A_316, %get3A_317] {strides = array<i32>} : memref<256x256xf32, #tpu.memory_space<vmem>>, vector<1x16xf32>,
      %get3A_319 = vector.shape_cast %get3A_318 : vector<1x16xf32> to vector<16xf32>
      %slice3A_320 = vector.extract_strided_slice %get3A_277 {offsets = [3], sizes = [1], strides = [1]} : vector<16xf32> to vector<1xf32>
      %squeeze3A_321 = vector.extract %slice3A_320[0] : f32 from vector<1xf32>
      %mul3A_322 = vector.broadcast %squeeze3A_321 : f32 to vector<16xf32>
      %mul3A_323 = arith.mulf %get3A_319, %mul3A_322 : vector<16xf32>
      %add3A_324 = arith.addf %add3A_311, %mul3A_323 : vector<16xf32>
      %mul3A_325 = arith.constant 16 : i32
      %mul3A_326 = arith.muli %scan3A_272, %mul3A_325 : i32
      %add3A_327 = arith.constant 4 : i32
      %add3A_328 = arith.addi %mul3A_326, %add3A_327 : i32
      %get3A_329 = arith.index_cast %add3A_328 : i32 to index
      %get3A_330 = arith.constant 0 : index
      %get3A_331 = tpu.vector_load %arg10[%get3A_329, %get3A_330] {strides = array<i32>} : memref<256x256xf32, #tpu.memory_space<vmem>>, vector<1x16xf32>,
      %get3A_332 = vector.shape_cast %get3A_331 : vector<1x16xf32> to vector<16xf32>
      %slice3A_333 = vector.extract_strided_slice %get3A_277 {offsets = [4], sizes = [1], strides = [1]} : vector<16xf32> to vector<1xf32>
      %squeeze3A_334 = vector.extract %slice3A_333[0] : f32 from vector<1xf32>
      %mul3A_335 = vector.broadcast %squeeze3A_334 : f32 to vector<16xf32>
      %mul3A_336 = arith.mulf %get3A_332, %mul3A_335 : vector<16xf32>
      %add3A_337 = arith.addf %add3A_324, %mul3A_336 : vector<16xf32>
      %mul3A_338 = arith.constant 16 : i32
      %mul3A_339 = arith.muli %scan3A_272, %mul3A_338 : i32
      %add3A_340 = arith.constant 5 : i32
      %add3A_341 = arith.addi %mul3A_339, %add3A_340 : i32
      %get3A_342 = arith.index_cast %add3A_341 : i32 to index
      %get3A_343 = arith.constant 0 : index
      %get3A_344 = tpu.vector_load %arg10[%get3A_342, %get3A_343] {strides = array<i32>} : memref<256x256xf32, #tpu.memory_space<vmem>>, vector<1x16xf32>,
      %get3A_345 = vector.shape_cast %get3A_344 : vector<1x16xf32> to vector<16xf32>
      %slice3A_346 = vector.extract_strided_slice %get3A_277 {offsets = [5], sizes = [1], strides = [1]} : vector<16xf32> to vector<1xf32>
      %squeeze3A_347 = vector.extract %slice3A_346[0] : f32 from vector<1xf32>
      %mul3A_348 = vector.broadcast %squeeze3A_347 : f32 to vector<16xf32>
      %mul3A_349 = arith.mulf %get3A_345, %mul3A_348 : vector<16xf32>
      %add3A_350 = arith.addf %add3A_337, %mul3A_349 : vector<16xf32>
      %mul3A_351 = arith.constant 16 : i32
      %mul3A_352 = arith.muli %scan3A_272, %mul3A_351 : i32
      %add3A_353 = arith.constant 6 : i32
      %add3A_354 = arith.addi %mul3A_352, %add3A_353 : i32
      %get3A_355 = arith.index_cast %add3A_354 : i32 to index
      %get3A_356 = arith.constant 0 : index
      %get3A_357 = tpu.vector_load %arg10[%get3A_355, %get3A_356] {strides = array<i32>} : memref<256x256xf32, #tpu.memory_space<vmem>>, vector<1x16xf32>,
      %get3A_358 = vector.shape_cast %get3A_357 : vector<1x16xf32> to vector<16xf32>
      %slice3A_359 = vector.extract_strided_slice %get3A_277 {offsets = [6], sizes = [1], strides = [1]} : vector<16xf32> to vector<1xf32>
      %squeeze3A_360 = vector.extract %slice3A_359[0] : f32 from vector<1xf32>
      %mul3A_361 = vector.broadcast %squeeze3A_360 : f32 to vector<16xf32>
      %mul3A_362 = arith.mulf %get3A_358, %mul3A_361 : vector<16xf32>
      %add3A_363 = arith.addf %add3A_350, %mul3A_362 : vector<16xf32>
      %mul3A_364 = arith.constant 16 : i32
      %mul3A_365 = arith.muli %scan3A_272, %mul3A_364 : i32
      %add3A_366 = arith.constant 7 : i32
      %add3A_367 = arith.addi %mul3A_365, %add3A_366 : i32
      %get3A_368 = arith.index_cast %add3A_367 : i32 to index
      %get3A_369 = arith.constant 0 : index
      %get3A_370 = tpu.vector_load %arg10[%get3A_368, %get3A_369] {strides = array<i32>} : memref<256x256xf32, #tpu.memory_space<vmem>>, vector<1x16xf32>,
      %get3A_371 = vector.shape_cast %get3A_370 : vector<1x16xf32> to vector<16xf32>
      %slice3A_372 = vector.extract_strided_slice %get3A_277 {offsets = [7], sizes = [1], strides = [1]} : vector<16xf32> to vector<1xf32>
      %squeeze3A_373 = vector.extract %slice3A_372[0] : f32 from vector<1xf32>
      %mul3A_374 = vector.broadcast %squeeze3A_373 : f32 to vector<16xf32>
      %mul3A_375 = arith.mulf %get3A_371, %mul3A_374 : vector<16xf32>
      %add3A_376 = arith.addf %add3A_363, %mul3A_375 : vector<16xf32>
      %mul3A_377 = arith.constant 16 : i32
      %mul3A_378 = arith.muli %scan3A_272, %mul3A_377 : i32
      %add3A_379 = arith.constant 8 : i32
      %add3A_380 = arith.addi %mul3A_378, %add3A_379 : i32
      %get3A_381 = arith.index_cast %add3A_380 : i32 to index
      %get3A_382 = arith.constant 0 : index
      %get3A_383 = tpu.vector_load %arg10[%get3A_381, %get3A_382] {strides = array<i32>} : memref<256x256xf32, #tpu.memory_space<vmem>>, vector<1x16xf32>,
      %get3A_384 = vector.shape_cast %get3A_383 : vector<1x16xf32> to vector<16xf32>
      %slice3A_385 = vector.extract_strided_slice %get3A_277 {offsets = [8], sizes = [1], strides = [1]} : vector<16xf32> to vector<1xf32>
      %squeeze3A_386 = vector.extract %slice3A_385[0] : f32 from vector<1xf32>
      %mul3A_387 = vector.broadcast %squeeze3A_386 : f32 to vector<16xf32>
      %mul3A_388 = arith.mulf %get3A_384, %mul3A_387 : vector<16xf32>
      %add3A_389 = arith.addf %add3A_376, %mul3A_388 : vector<16xf32>
      %mul3A_390 = arith.constant 16 : i32
      %mul3A_391 = arith.muli %scan3A_272, %mul3A_390 : i32
      %add3A_392 = arith.constant 9 : i32
      %add3A_393 = arith.addi %mul3A_391, %add3A_392 : i32
      %get3A_394 = arith.index_cast %add3A_393 : i32 to index
      %get3A_395 = arith.constant 0 : index
      %get3A_396 = tpu.vector_load %arg10[%get3A_394, %get3A_395] {strides = array<i32>} : memref<256x256xf32, #tpu.memory_space<vmem>>, vector<1x16xf32>,
      %get3A_397 = vector.shape_cast %get3A_396 : vector<1x16xf32> to vector<16xf32>
      %slice3A_398 = vector.extract_strided_slice %get3A_277 {offsets = [9], sizes = [1], strides = [1]} : vector<16xf32> to vector<1xf32>
      %squeeze3A_399 = vector.extract %slice3A_398[0] : f32 from vector<1xf32>
      %mul3A_400 = vector.broadcast %squeeze3A_399 : f32 to vector<16xf32>
      %mul3A_401 = arith.mulf %get3A_397, %mul3A_400 : vector<16xf32>
      %add3A_402 = arith.addf %add3A_389, %mul3A_401 : vector<16xf32>
      %swap3A_403 = arith.index_cast %scan3A_272 : i32 to index
      %swap3A_404 = arith.constant 0 : index
      %swap3A_405 = tpu.vector_load %arg11[%swap3A_403, %swap3A_404] {strides = array<i32>} : memref<16x256xf32, #tpu.memory_space<vmem>>, vector<1x16xf32>,
      %swap3A_406 = vector.shape_cast %swap3A_405 : vector<1x16xf32> to vector<16xf32>
      %swap3A_407 = vector.shape_cast %add3A_402 : vector<16xf32> to vector<1x16xf32>
      tpu.vector_store %arg11[%swap3A_403, %swap3A_404], %swap3A_407 {strides = array<i32>} : memref<16x256xf32, #tpu.memory_space<vmem>>, vector<1x16xf32>,
      %mul3A_408 = arith.constant 16 : i32
      %mul3A_409 = arith.muli %scan3A_272, %mul3A_408 : i32
      %get3A_410 = arith.index_cast %mul3A_409 : i32 to index
      %get3A_411 = arith.constant 16 : index
      %get3A_412 = tpu.vector_load %arg10[%get3A_410, %get3A_411] {strides = array<i32>} : memref<256x256xf32, #tpu.memory_space<vmem>>, vector<1x16xf32>,
      %get3A_413 = vector.shape_cast %get3A_412 : vector<1x16xf32> to vector<16xf32>
      %slice3A_414 = vector.extract_strided_slice %get3A_277 {offsets = [0], sizes = [1], strides = [1]} : vector<16xf32> to vector<1xf32>
      %squeeze3A_415 = vector.extract %slice3A_414[0] : f32 from vector<1xf32>
      %mul3A_416 = vector.broadcast %squeeze3A_415 : f32 to vector<16xf32>
      %mul3A_417 = arith.mulf %get3A_413, %mul3A_416 : vector<16xf32>
      %mul3A_418 = arith.constant 16 : i32
      %mul3A_419 = arith.muli %scan3A_272, %mul3A_418 : i32
      %add3A_420 = arith.constant 1 : i32
      %add3A_421 = arith.addi %mul3A_419, %add3A_420 : i32
      %get3A_422 = arith.index_cast %add3A_421 : i32 to index
      %get3A_423 = arith.constant 16 : index
      %get3A_424 = tpu.vector_load %arg10[%get3A_422, %get3A_423] {strides = array<i32>} : memref<256x256xf32, #tpu.memory_space<vmem>>, vector<1x16xf32>,
      %get3A_425 = vector.shape_cast %get3A_424 : vector<1x16xf32> to vector<16xf32>
      %slice3A_426 = vector.extract_strided_slice %get3A_277 {offsets = [1], sizes = [1], strides = [1]} : vector<16xf32> to vector<1xf32>
      %squeeze3A_427 = vector.extract %slice3A_426[0] : f32 from vector<1xf32>
      %mul3A_428 = vector.broadcast %squeeze3A_427 : f32 to vector<16xf32>
      %mul3A_429 = arith.mulf %get3A_425, %mul3A_428 : vector<16xf32>
      %add3A_430 = arith.addf %mul3A_417, %mul3A_429 : vector<16xf32>
      %mul3A_431 = arith.constant 16 : i32
      %mul3A_432 = arith.muli %scan3A_272, %mul3A_431 : i32
      %add3A_433 = arith.constant 2 : i32
      %add3A_434 = arith.addi %mul3A_432, %add3A_433 : i32
      %get3A_435 = arith.index_cast %add3A_434 : i32 to index
      %get3A_436 = arith.constant 16 : index
      %get3A_437 = tpu.vector_load %arg10[%get3A_435, %get3A_436] {strides = array<i32>} : memref<256x256xf32, #tpu.memory_space<vmem>>, vector<1x16xf32>,
      %get3A_438 = vector.shape_cast %get3A_437 : vector<1x16xf32> to vector<16xf32>
      %slice3A_439 = vector.extract_strided_slice %get3A_277 {offsets = [2], sizes = [1], strides = [1]} : vector<16xf32> to vector<1xf32>
      %squeeze3A_440 = vector.extract %slice3A_439[0] : f32 from vector<1xf32>
      %mul3A_441 = vector.broadcast %squeeze3A_440 : f32 to vector<16xf32>
      %mul3A_442 = arith.mulf %get3A_438, %mul3A_441 : vector<16xf32>
      %add3A_443 = arith.addf %add3A_430, %mul3A_442 : vector<16xf32>
      %mul3A_444 = arith.constant 16 : i32
      %mul3A_445 = arith.muli %scan3A_272, %mul3A_444 : i32
      %add3A_446 = arith.constant 3 : i32
      %add3A_447 = arith.addi %mul3A_445, %add3A_446 : i32
      %get3A_448 = arith.index_cast %add3A_447 : i32 to index
      %get3A_449 = arith.constant 16 : index
      %get3A_450 = tpu.vector_load %arg10[%get3A_448, %get3A_449] {strides = array<i32>} : memref<256x256xf32, #tpu.memory_space<vmem>>, vector<1x16xf32>,
      %get3A_451 = vector.shape_cast %get3A_450 : vector<1x16xf32> to vector<16xf32>
      %slice3A_452 = vector.extract_strided_slice %get3A_277 {offsets = [3], sizes = [1], strides = [1]} : vector<16xf32> to vector<1xf32>
      %squeeze3A_453 = vector.extract %slice3A_452[0] : f32 from vector<1xf32>
      %mul3A_454 = vector.broadcast %squeeze3A_453 : f32 to vector<16xf32>
      %mul3A_455 = arith.mulf %get3A_451, %mul3A_454 : vector<16xf32>
      %add3A_456 = arith.addf %add3A_443, %mul3A_455 : vector<16xf32>
      %mul3A_457 = arith.constant 16 : i32
      %mul3A_458 = arith.muli %scan3A_272, %mul3A_457 : i32
      %add3A_459 = arith.constant 4 : i32
      %add3A_460 = arith.addi %mul3A_458, %add3A_459 : i32
      %get3A_461 = arith.index_cast %add3A_460 : i32 to index
      %get3A_462 = arith.constant 16 : index
      %get3A_463 = tpu.vector_load %arg10[%get3A_461, %get3A_462] {strides = array<i32>} : memref<256x256xf32, #tpu.memory_space<vmem>>, vector<1x16xf32>,
      %get3A_464 = vector.shape_cast %get3A_463 : vector<1x16xf32> to vector<16xf32>
      %slice3A_465 = vector.extract_strided_slice %get3A_277 {offsets = [4], sizes = [1], strides = [1]} : vector<16xf32> to vector<1xf32>
      %squeeze3A_466 = vector.extract %slice3A_465[0] : f32 from vector<1xf32>
      %mul3A_467 = vector.broadcast %squeeze3A_466 : f32 to vector<16xf32>
      %mul3A_468 = arith.mulf %get3A_464, %mul3A_467 : vector<16xf32>
      %add3A_469 = arith.addf %add3A_456, %mul3A_468 : vector<16xf32>
      %mul3A_470 = arith.constant 16 : i32
      %mul3A_471 = arith.muli %scan3A_272, %mul3A_470 : i32
      %add3A_472 = arith.constant 5 : i32
      %add3A_473 = arith.addi %mul3A_471, %add3A_472 : i32
      %get3A_474 = arith.index_cast %add3A_473 : i32 to index
      %get3A_475 = arith.constant 16 : index
      %get3A_476 = tpu.vector_load %arg10[%get3A_474, %get3A_475] {strides = array<i32>} : memref<256x256xf32, #tpu.memory_space<vmem>>, vector<1x16xf32>,
      %get3A_477 = vector.shape_cast %get3A_476 : vector<1x16xf32> to vector<16xf32>
      %slice3A_478 = vector.extract_strided_slice %get3A_277 {offsets = [5], sizes = [1], strides = [1]} : vector<16xf32> to vector<1xf32>
      %squeeze3A_479 = vector.extract %slice3A_478[0] : f32 from vector<1xf32>
      %mul3A_480 = vector.broadcast %squeeze3A_479 : f32 to vector<16xf32>
      %mul3A_481 = arith.mulf %get3A_477, %mul3A_480 : vector<16xf32>
      %add3A_482 = arith.addf %add3A_469, %mul3A_481 : vector<16xf32>
      %mul3A_483 = arith.constant 16 : i32
      %mul3A_484 = arith.muli %scan3A_272, %mul3A_483 : i32
      %add3A_485 = arith.constant 6 : i32
      %add3A_486 = arith.addi %mul3A_484, %add3A_485 : i32
      %get3A_487 = arith.index_cast %add3A_486 : i32 to index
      %get3A_488 = arith.constant 16 : index
      %get3A_489 = tpu.vector_load %arg10[%get3A_487, %get3A_488] {strides = array<i32>} : memref<256x256xf32, #tpu.memory_space<vmem>>, vector<1x16xf32>,
      %get3A_490 = vector.shape_cast %get3A_489 : vector<1x16xf32> to vector<16xf32>
      %slice3A_491 = vector.extract_strided_slice %get3A_277 {offsets = [6], sizes = [1], strides = [1]} : vector<16xf32> to vector<1xf32>
      %squeeze3A_492 = vector.extract %slice3A_491[0] : f32 from vector<1xf32>
      %mul3A_493 = vector.broadcast %squeeze3A_492 : f32 to vector<16xf32>
      %mul3A_494 = arith.mulf %get3A_490, %mul3A_493 : vector<16xf32>
      %add3A_495 = arith.addf %add3A_482, %mul3A_494 : vector<16xf32>
      %mul3A_496 = arith.constant 16 : i32
      %mul3A_497 = arith.muli %scan3A_272, %mul3A_496 : i32
      %add3A_498 = arith.constant 7 : i32
      %add3A_499 = arith.addi %mul3A_497, %add3A_498 : i32
      %get3A_500 = arith.index_cast %add3A_499 : i32 to index
      %get3A_501 = arith.constant 16 : index
      %get3A_502 = tpu.vector_load %arg10[%get3A_500, %get3A_501] {strides = array<i32>} : memref<256x256xf32, #tpu.memory_space<vmem>>, vector<1x16xf32>,
      %get3A_503 = vector.shape_cast %get3A_502 : vector<1x16xf32> to vector<16xf32>
      %slice3A_504 = vector.extract_strided_slice %get3A_277 {offsets = [7], sizes = [1], strides = [1]} : vector<16xf32> to vector<1xf32>
      %squeeze3A_505 = vector.extract %slice3A_504[0] : f32 from vector<1xf32>
      %mul3A_506 = vector.broadcast %squeeze3A_505 : f32 to vector<16xf32>
      %mul3A_507 = arith.mulf %get3A_503, %mul3A_506 : vector<16xf32>
      %add3A_508 = arith.addf %add3A_495, %mul3A_507 : vector<16xf32>
      %mul3A_509 = arith.constant 16 : i32
      %mul3A_510 = arith.muli %scan3A_272, %mul3A_509 : i32
      %add3A_511 = arith.constant 8 : i32
      %add3A_512 = arith.addi %mul3A_510, %add3A_511 : i32
      %get3A_513 = arith.index_cast %add3A_512 : i32 to index
      %get3A_514 = arith.constant 16 : index
      %get3A_515 = tpu.vector_load %arg10[%get3A_513, %get3A_514] {strides = array<i32>} : memref<256x256xf32, #tpu.memory_space<vmem>>, vector<1x16xf32>,
      %get3A_516 = vector.shape_cast %get3A_515 : vector<1x16xf32> to vector<16xf32>
      %slice3A_517 = vector.extract_strided_slice %get3A_277 {offsets = [8], sizes = [1], strides = [1]} : vector<16xf32> to vector<1xf32>
      %squeeze3A_518 = vector.extract %slice3A_517[0] : f32 from vector<1xf32>
      %mul3A_519 = vector.broadcast %squeeze3A_518 : f32 to vector<16xf32>
      %mul3A_520 = arith.mulf %get3A_516, %mul3A_519 : vector<16xf32>
      %add3A_521 = arith.addf %add3A_508, %mul3A_520 : vector<16xf32>
      %mul3A_522 = arith.constant 16 : i32
      %mul3A_523 = arith.muli %scan3A_272, %mul3A_522 : i32
      %add3A_524 = arith.constant 9 : i32
      %add3A_525 = arith.addi %mul3A_523, %add3A_524 : i32
      %get3A_526 = arith.index_cast %add3A_525 : i32 to index
      %get3A_527 = arith.constant 16 : index
      %get3A_528 = tpu.vector_load %arg10[%get3A_526, %get3A_527] {strides = array<i32>} : memref<256x256xf32, #tpu.memory_space<vmem>>, vector<1x16xf32>,
      %get3A_529 = vector.shape_cast %get3A_528 : vector<1x16xf32> to vector<16xf32>
      %slice3A_530 = vector.extract_strided_slice %get3A_277 {offsets = [9], sizes = [1], strides = [1]} : vector<16xf32> to vector<1xf32>
      %squeeze3A_531 = vector.extract %slice3A_530[0] : f32 from vector<1xf32>
      %mul3A_532 = vector.broadcast %squeeze3A_531 : f32 to vector<16xf32>
      %mul3A_533 = arith.mulf %get3A_529, %mul3A_532 : vector<16xf32>
      %add3A_534 = arith.addf %add3A_521, %mul3A_533 : vector<16xf32>
      %swap3A_535 = arith.index_cast %scan3A_272 : i32 to index
      %swap3A_536 = arith.constant 16 : index
      %swap3A_537 = tpu.vector_load %arg11[%swap3A_535, %swap3A_536] {strides = array<i32>} : memref<16x256xf32, #tpu.memory_space<vmem>>, vector<1x16xf32>,
      %swap3A_538 = vector.shape_cast %swap3A_537 : vector<1x16xf32> to vector<16xf32>
      %swap3A_539 = vector.shape_cast %add3A_534 : vector<16xf32> to vector<1x16xf32>
      tpu.vector_store %arg11[%swap3A_535, %swap3A_536], %swap3A_539 {strides = array<i32>} : memref<16x256xf32, #tpu.memory_space<vmem>>, vector<1x16xf32>,
      %mul3A_540 = arith.constant 16 : i32
      %mul3A_541 = arith.muli %scan3A_272, %mul3A_540 : i32
      %get3A_542 = arith.index_cast %mul3A_541 : i32 to index
      %get3A_543 = arith.constant 32 : index
      %get3A_544 = tpu.vector_load %arg10[%get3A_542, %get3A_543] {strides = array<i32>} : memref<256x256xf32, #tpu.memory_space<vmem>>, vector<1x16xf32>,
      %get3A_545 = vector.shape_cast %get3A_544 : vector<1x16xf32> to vector<16xf32>
      %slice3A_546 = vector.extract_strided_slice %get3A_277 {offsets = [0], sizes = [1], strides = [1]} : vector<16xf32> to vector<1xf32>
      %squeeze3A_547 = vector.extract %slice3A_546[0] : f32 from vector<1xf32>
      %mul3A_548 = vector.broadcast %squeeze3A_547 : f32 to vector<16xf32>
      %mul3A_549 = arith.mulf %get3A_545, %mul3A_548 : vector<16xf32>
      %mul3A_550 = arith.constant 16 : i32
      %mul3A_551 = arith.muli %scan3A_272, %mul3A_550 : i32
      %add3A_552 = arith.constant 1 : i32
      %add3A_553 = arith.addi %mul3A_551, %add3A_552 : i32
      %get3A_554 = arith.index_cast %add3A_553 : i32 to index
      %get3A_555 = arith.constant 32 : index
      %get3A_556 = tpu.vector_load %arg10[%get3A_554, %get3A_555] {strides = array<i32>} : memref<256x256xf32, #tpu.memory_space<vmem>>, vector<1x16xf32>,
      %get3A_557 = vector.shape_cast %get3A_556 : vector<1x16xf32> to vector<16xf32>
      %slice3A_558 = vector.extract_strided_slice %get3A_277 {offsets = [1], sizes = [1], strides = [1]} : vector<16xf32> to vector<1xf32>
      %squeeze3A_559 = vector.extract %slice3A_558[0] : f32 from vector<1xf32>
      %mul3A_560 = vector.broadcast %squeeze3A_559 : f32 to vector<16xf32>
      %mul3A_561 = arith.mulf %get3A_557, %mul3A_560 : vector<16xf32>
      %add3A_562 = arith.addf %mul3A_549, %mul3A_561 : vector<16xf32>
      %mul3A_563 = arith.constant 16 : i32
      %mul3A_564 = arith.muli %scan3A_272, %mul3A_563 : i32
      %add3A_565 = arith.constant 2 : i32
      %add3A_566 = arith.addi %mul3A_564, %add3A_565 : i32
      %get3A_567 = arith.index_cast %add3A_566 : i32 to index
      %get3A_568 = arith.constant 32 : index
      %get3A_569 = tpu.vector_load %arg10[%get3A_567, %get3A_568] {strides = array<i32>} : memref<256x256xf32, #tpu.memory_space<vmem>>, vector<1x16xf32>,
      %get3A_570 = vector.shape_cast %get3A_569 : vector<1x16xf32> to vector<16xf32>
      %slice3A_571 = vector.extract_strided_slice %get3A_277 {offsets = [2], sizes = [1], strides = [1]} : vector<16xf32> to vector<1xf32>
      %squeeze3A_572 = vector.extract %slice3A_571[0] : f32 from vector<1xf32>
      %mul3A_573 = vector.broadcast %squeeze3A_572 : f32 to vector<16xf32>
      %mul3A_574 = arith.mulf %get3A_570, %mul3A_573 : vector<16xf32>
      %add3A_575 = arith.addf %add3A_562, %mul3A_574 : vector<16xf32>
      %mul3A_576 = arith.constant 16 : i32
      %mul3A_577 = arith.muli %scan3A_272, %mul3A_576 : i32
      %add3A_578 = arith.constant 3 : i32
      %add3A_579 = arith.addi %mul3A_577, %add3A_578 : i32
      %get3A_580 = arith.index_cast %add3A_579 : i32 to index
      %get3A_581 = arith.constant 32 : index
      %get3A_582 = tpu.vector_load %arg10[%get3A_580, %get3A_581] {strides = array<i32>} : memref<256x256xf32, #tpu.memory_space<vmem>>, vector<1x16xf32>,
      %get3A_583 = vector.shape_cast %get3A_582 : vector<1x16xf32> to vector<16xf32>
      %slice3A_584 = vector.extract_strided_slice %get3A_277 {offsets = [3], sizes = [1], strides = [1]} : vector<16xf32> to vector<1xf32>
      %squeeze3A_585 = vector.extract %slice3A_584[0] : f32 from vector<1xf32>
      %mul3A_586 = vector.broadcast %squeeze3A_585 : f32 to vector<16xf32>
      %mul3A_587 = arith.mulf %get3A_583, %mul3A_586 : vector<16xf32>
      %add3A_588 = arith.addf %add3A_575, %mul3A_587 : vector<16xf32>
      %mul3A_589 = arith.constant 16 : i32
      %mul3A_590 = arith.muli %scan3A_272, %mul3A_589 : i32
      %add3A_591 = arith.constant 4 : i32
      %add3A_592 = arith.addi %mul3A_590, %add3A_591 : i32
      %get3A_593 = arith.index_cast %add3A_592 : i32 to index
      %get3A_594 = arith.constant 32 : index
      %get3A_595 = tpu.vector_load %arg10[%get3A_593, %get3A_594] {strides = array<i32>} : memref<256x256xf32, #tpu.memory_space<vmem>>, vector<1x16xf32>,
      %get3A_596 = vector.shape_cast %get3A_595 : vector<1x16xf32> to vector<16xf32>
      %slice3A_597 = vector.extract_strided_slice %get3A_277 {offsets = [4], sizes = [1], strides = [1]} : vector<16xf32> to vector<1xf32>
      %squeeze3A_598 = vector.extract %slice3A_597[0] : f32 from vector<1xf32>
      %mul3A_599 = vector.broadcast %squeeze3A_598 : f32 to vector<16xf32>
      %mul3A_600 = arith.mulf %get3A_596, %mul3A_599 : vector<16xf32>
      %add3A_601 = arith.addf %add3A_588, %mul3A_600 : vector<16xf32>
      %mul3A_602 = arith.constant 16 : i32
      %mul3A_603 = arith.muli %scan3A_272, %mul3A_602 : i32
      %add3A_604 = arith.constant 5 : i32
      %add3A_605 = arith.addi %mul3A_603, %add3A_604 : i32
      %get3A_606 = arith.index_cast %add3A_605 : i32 to index
      %get3A_607 = arith.constant 32 : index
      %get3A_608 = tpu.vector_load %arg10[%get3A_606, %get3A_607] {strides = array<i32>} : memref<256x256xf32, #tpu.memory_space<vmem>>, vector<1x16xf32>,
      %get3A_609 = vector.shape_cast %get3A_608 : vector<1x16xf32> to vector<16xf32>
      %slice3A_610 = vector.extract_strided_slice %get3A_277 {offsets = [5], sizes = [1], strides = [1]} : vector<16xf32> to vector<1xf32>
      %squeeze3A_611 = vector.extract %slice3A_610[0] : f32 from vector<1xf32>
      %mul3A_612 = vector.broadcast %squeeze3A_611 : f32 to vector<16xf32>
      %mul3A_613 = arith.mulf %get3A_609, %mul3A_612 : vector<16xf32>
      %add3A_614 = arith.addf %add3A_601, %mul3A_613 : vector<16xf32>
      %mul3A_615 = arith.constant 16 : i32
      %mul3A_616 = arith.muli %scan3A_272, %mul3A_615 : i32
      %add3A_617 = arith.constant 6 : i32
      %add3A_618 = arith.addi %mul3A_616, %add3A_617 : i32
      %get3A_619 = arith.index_cast %add3A_618 : i32 to index
      %get3A_620 = arith.constant 32 : index
      %get3A_621 = tpu.vector_load %arg10[%get3A_619, %get3A_620] {strides = array<i32>} : memref<256x256xf32, #tpu.memory_space<vmem>>, vector<1x16xf32>,
      %get3A_622 = vector.shape_cast %get3A_621 : vector<1x16xf32> to vector<16xf32>
      %slice3A_623 = vector.extract_strided_slice %get3A_277 {offsets = [6], sizes = [1], strides = [1]} : vector<16xf32> to vector<1xf32>
      %squeeze3A_624 = vector.extract %slice3A_623[0] : f32 from vector<1xf32>
      %mul3A_625 = vector.broadcast %squeeze3A_624 : f32 to vector<16xf32>
      %mul3A_626 = arith.mulf %get3A_622, %mul3A_625 : vector<16xf32>
      %add3A_627 = arith.addf %add3A_614, %mul3A_626 : vector<16xf32>
      %mul3A_628 = arith.constant 16 : i32
      %mul3A_629 = arith.muli %scan3A_272, %mul3A_628 : i32
      %add3A_630 = arith.constant 7 : i32
      %add3A_631 = arith.addi %mul3A_629, %add3A_630 : i32
      %get3A_632 = arith.index_cast %add3A_631 : i32 to index
      %get3A_633 = arith.constant 32 : index
      %get3A_634 = tpu.vector_load %arg10[%get3A_632, %get3A_633] {strides = array<i32>} : memref<256x256xf32, #tpu.memory_space<vmem>>, vector<1x16xf32>,
      %get3A_635 = vector.shape_cast %get3A_634 : vector<1x16xf32> to vector<16xf32>
      %slice3A_636 = vector.extract_strided_slice %get3A_277 {offsets = [7], sizes = [1], strides = [1]} : vector<16xf32> to vector<1xf32>
      %squeeze3A_637 = vector.extract %slice3A_636[0] : f32 from vector<1xf32>
      %mul3A_638 = vector.broadcast %squeeze3A_637 : f32 to vector<16xf32>
      %mul3A_639 = arith.mulf %get3A_635, %mul3A_638 : vector<16xf32>
      %add3A_640 = arith.addf %add3A_627, %mul3A_639 : vector<16xf32>
      %mul3A_641 = arith.constant 16 : i32
      %mul3A_642 = arith.muli %scan3A_272, %mul3A_641 : i32
      %add3A_643 = arith.constant 8 : i32
      %add3A_644 = arith.addi %mul3A_642, %add3A_643 : i32
      %get3A_645 = arith.index_cast %add3A_644 : i32 to index
      %get3A_646 = arith.constant 32 : index
      %get3A_647 = tpu.vector_load %arg10[%get3A_645, %get3A_646] {strides = array<i32>} : memref<256x256xf32, #tpu.memory_space<vmem>>, vector<1x16xf32>,
      %get3A_648 = vector.shape_cast %get3A_647 : vector<1x16xf32> to vector<16xf32>
      %slice3A_649 = vector.extract_strided_slice %get3A_277 {offsets = [8], sizes = [1], strides = [1]} : vector<16xf32> to vector<1xf32>
      %squeeze3A_650 = vector.extract %slice3A_649[0] : f32 from vector<1xf32>
      %mul3A_651 = vector.broadcast %squeeze3A_650 : f32 to vector<16xf32>
      %mul3A_652 = arith.mulf %get3A_648, %mul3A_651 : vector<16xf32>
      %add3A_653 = arith.addf %add3A_640, %mul3A_652 : vector<16xf32>
      %mul3A_654 = arith.constant 16 : i32
      %mul3A_655 = arith.muli %scan3A_272, %mul3A_654 : i32
      %add3A_656 = arith.constant 9 : i32
      %add3A_657 = arith.addi %mul3A_655, %add3A_656 : i32
      %get3A_658 = arith.index_cast %add3A_657 : i32 to index
      %get3A_659 = arith.constant 32 : index
      %get3A_660 = tpu.vector_load %arg10[%get3A_658, %get3A_659] {strides = array<i32>} : memref<256x256xf32, #tpu.memory_space<vmem>>, vector<1x16xf32>,
      %get3A_661 = vector.shape_cast %get3A_660 : vector<1x16xf32> to vector<16xf32>
      %slice3A_662 = vector.extract_strided_slice %get3A_277 {offsets = [9], sizes = [1], strides = [1]} : vector<16xf32> to vector<1xf32>
      %squeeze3A_663 = vector.extract %slice3A_662[0] : f32 from vector<1xf32>
      %mul3A_664 = vector.broadcast %squeeze3A_663 : f32 to vector<16xf32>
      %mul3A_665 = arith.mulf %get3A_661, %mul3A_664 : vector<16xf32>
      %add3A_666 = arith.addf %add3A_653, %mul3A_665 : vector<16xf32>
      %swap3A_667 = arith.index_cast %scan3A_272 : i32 to index
      %swap3A_668 = arith.constant 32 : index
      %swap3A_669 = tpu.vector_load %arg11[%swap3A_667, %swap3A_668] {strides = array<i32>} : memref<16x256xf32, #tpu.memory_space<vmem>>, vector<1x16xf32>,
      %swap3A_670 = vector.shape_cast %swap3A_669 : vector<1x16xf32> to vector<16xf32>
      %swap3A_671 = vector.shape_cast %add3A_666 : vector<16xf32> to vector<1x16xf32>
      tpu.vector_store %arg11[%swap3A_667, %swap3A_668], %swap3A_671 {strides = array<i32>} : memref<16x256xf32, #tpu.memory_space<vmem>>, vector<1x16xf32>,
      %mul3A_672 = arith.constant 16 : i32
      %mul3A_673 = arith.muli %scan3A_272, %mul3A_672 : i32
      %get3A_674 = arith.index_cast %mul3A_673 : i32 to index
      %get3A_675 = arith.constant 48 : index
      %get3A_676 = tpu.vector_load %arg10[%get3A_674, %get3A_675] {strides = array<i32>} : memref<256x256xf32, #tpu.memory_space<vmem>>, vector<1x16xf32>,
      %get3A_677 = vector.shape_cast %get3A_676 : vector<1x16xf32> to vector<16xf32>
      %slice3A_678 = vector.extract_strided_slice %get3A_277 {offsets = [0], sizes = [1], strides = [1]} : vector<16xf32> to vector<1xf32>
      %squeeze3A_679 = vector.extract %slice3A_678[0] : f32 from vector<1xf32>
      %mul3A_680 = vector.broadcast %squeeze3A_679 : f32 to vector<16xf32>
      %mul3A_681 = arith.mulf %get3A_677, %mul3A_680 : vector<16xf32>
      %mul3A_682 = arith.constant 16 : i32
      %mul3A_683 = arith.muli %scan3A_272, %mul3A_682 : i32
      %add3A_684 = arith.constant 1 : i32
      %add3A_685 = arith.addi %mul3A_683, %add3A_684 : i32
      %get3A_686 = arith.index_cast %add3A_685 : i32 to index
      %get3A_687 = arith.constant 48 : index
      %get3A_688 = tpu.vector_load %arg10[%get3A_686, %get3A_687] {strides = array<i32>} : memref<256x256xf32, #tpu.memory_space<vmem>>, vector<1x16xf32>,
      %get3A_689 = vector.shape_cast %get3A_688 : vector<1x16xf32> to vector<16xf32>
      %slice3A_690 = vector.extract_strided_slice %get3A_277 {offsets = [1], sizes = [1], strides = [1]} : vector<16xf32> to vector<1xf32>
      %squeeze3A_691 = vector.extract %slice3A_690[0] : f32 from vector<1xf32>
      %mul3A_692 = vector.broadcast %squeeze3A_691 : f32 to vector<16xf32>
      %mul3A_693 = arith.mulf %get3A_689, %mul3A_692 : vector<16xf32>
      %add3A_694 = arith.addf %mul3A_681, %mul3A_693 : vector<16xf32>
      %mul3A_695 = arith.constant 16 : i32
      %mul3A_696 = arith.muli %scan3A_272, %mul3A_695 : i32
      %add3A_697 = arith.constant 2 : i32
      %add3A_698 = arith.addi %mul3A_696, %add3A_697 : i32
      %get3A_699 = arith.index_cast %add3A_698 : i32 to index
      %get3A_700 = arith.constant 48 : index
      %get3A_701 = tpu.vector_load %arg10[%get3A_699, %get3A_700] {strides = array<i32>} : memref<256x256xf32, #tpu.memory_space<vmem>>, vector<1x16xf32>,
      %get3A_702 = vector.shape_cast %get3A_701 : vector<1x16xf32> to vector<16xf32>
      %slice3A_703 = vector.extract_strided_slice %get3A_277 {offsets = [2], sizes = [1], strides = [1]} : vector<16xf32> to vector<1xf32>
      %squeeze3A_704 = vector.extract %slice3A_703[0] : f32 from vector<1xf32>
      %mul3A_705 = vector.broadcast %squeeze3A_704 : f32 to vector<16xf32>
      %mul3A_706 = arith.mulf %get3A_702, %mul3A_705 : vector<16xf32>
      %add3A_707 = arith.addf %add3A_694, %mul3A_706 : vector<16xf32>
      %mul3A_708 = arith.constant 16 : i32
      %mul3A_709 = arith.muli %scan3A_272, %mul3A_708 : i32
      %add3A_710 = arith.constant 3 : i32
      %add3A_711 = arith.addi %mul3A_709, %add3A_710 : i32
      %get3A_712 = arith.index_cast %add3A_711 : i32 to index
      %get3A_713 = arith.constant 48 : index
      %get3A_714 = tpu.vector_load %arg10[%get3A_712, %get3A_713] {strides = array<i32>} : memref<256x256xf32, #tpu.memory_space<vmem>>, vector<1x16xf32>,
      %get3A_715 = vector.shape_cast %get3A_714 : vector<1x16xf32> to vector<16xf32>
      %slice3A_716 = vector.extract_strided_slice %get3A_277 {offsets = [3], sizes = [1], strides = [1]} : vector<16xf32> to vector<1xf32>
      %squeeze3A_717 = vector.extract %slice3A_716[0] : f32 from vector<1xf32>
      %mul3A_718 = vector.broadcast %squeeze3A_717 : f32 to vector<16xf32>
      %mul3A_719 = arith.mulf %get3A_715, %mul3A_718 : vector<16xf32>
      %add3A_720 = arith.addf %add3A_707, %mul3A_719 : vector<16xf32>
      %mul3A_721 = arith.constant 16 : i32
      %mul3A_722 = arith.muli %scan3A_272, %mul3A_721 : i32
      %add3A_723 = arith.constant 4 : i32
      %add3A_724 = arith.addi %mul3A_722, %add3A_723 : i32
      %get3A_725 = arith.index_cast %add3A_724 : i32 to index
      %get3A_726 = arith.constant 48 : index
      %get3A_727 = tpu.vector_load %arg10[%get3A_725, %get3A_726] {strides = array<i32>} : memref<256x256xf32, #tpu.memory_space<vmem>>, vector<1x16xf32>,
      %get3A_728 = vector.shape_cast %get3A_727 : vector<1x16xf32> to vector<16xf32>
      %slice3A_729 = vector.extract_strided_slice %get3A_277 {offsets = [4], sizes = [1], strides = [1]} : vector<16xf32> to vector<1xf32>
      %squeeze3A_730 = vector.extract %slice3A_729[0] : f32 from vector<1xf32>
      %mul3A_731 = vector.broadcast %squeeze3A_730 : f32 to vector<16xf32>
      %mul3A_732 = arith.mulf %get3A_728, %mul3A_731 : vector<16xf32>
      %add3A_733 = arith.addf %add3A_720, %mul3A_732 : vector<16xf32>
      %mul3A_734 = arith.constant 16 : i32
      %mul3A_735 = arith.muli %scan3A_272, %mul3A_734 : i32
      %add3A_736 = arith.constant 5 : i32
      %add3A_737 = arith.addi %mul3A_735, %add3A_736 : i32
      %get3A_738 = arith.index_cast %add3A_737 : i32 to index
      %get3A_739 = arith.constant 48 : index
      %get3A_740 = tpu.vector_load %arg10[%get3A_738, %get3A_739] {strides = array<i32>} : memref<256x256xf32, #tpu.memory_space<vmem>>, vector<1x16xf32>,
      %get3A_741 = vector.shape_cast %get3A_740 : vector<1x16xf32> to vector<16xf32>
      %slice3A_742 = vector.extract_strided_slice %get3A_277 {offsets = [5], sizes = [1], strides = [1]} : vector<16xf32> to vector<1xf32>
      %squeeze3A_743 = vector.extract %slice3A_742[0] : f32 from vector<1xf32>
      %mul3A_744 = vector.broadcast %squeeze3A_743 : f32 to vector<16xf32>
      %mul3A_745 = arith.mulf %get3A_741, %mul3A_744 : vector<16xf32>
      %add3A_746 = arith.addf %add3A_733, %mul3A_745 : vector<16xf32>
      %mul3A_747 = arith.constant 16 : i32
      %mul3A_748 = arith.muli %scan3A_272, %mul3A_747 : i32
      %add3A_749 = arith.constant 6 : i32
      %add3A_750 = arith.addi %mul3A_748, %add3A_749 : i32
      %get3A_751 = arith.index_cast %add3A_750 : i32 to index
      %get3A_752 = arith.constant 48 : index
      %get3A_753 = tpu.vector_load %arg10[%get3A_751, %get3A_752] {strides = array<i32>} : memref<256x256xf32, #tpu.memory_space<vmem>>, vector<1x16xf32>,
      %get3A_754 = vector.shape_cast %get3A_753 : vector<1x16xf32> to vector<16xf32>
      %slice3A_755 = vector.extract_strided_slice %get3A_277 {offsets = [6], sizes = [1], strides = [1]} : vector<16xf32> to vector<1xf32>
      %squeeze3A_756 = vector.extract %slice3A_755[0] : f32 from vector<1xf32>
      %mul3A_757 = vector.broadcast %squeeze3A_756 : f32 to vector<16xf32>
      %mul3A_758 = arith.mulf %get3A_754, %mul3A_757 : vector<16xf32>
      %add3A_759 = arith.addf %add3A_746, %mul3A_758 : vector<16xf32>
      %mul3A_760 = arith.constant 16 : i32
      %mul3A_761 = arith.muli %scan3A_272, %mul3A_760 : i32
      %add3A_762 = arith.constant 7 : i32
      %add3A_763 = arith.addi %mul3A_761, %add3A_762 : i32
      %get3A_764 = arith.index_cast %add3A_763 : i32 to index
      %get3A_765 = arith.constant 48 : index
      %get3A_766 = tpu.vector_load %arg10[%get3A_764, %get3A_765] {strides = array<i32>} : memref<256x256xf32, #tpu.memory_space<vmem>>, vector<1x16xf32>,
      %get3A_767 = vector.shape_cast %get3A_766 : vector<1x16xf32> to vector<16xf32>
      %slice3A_768 = vector.extract_strided_slice %get3A_277 {offsets = [7], sizes = [1], strides = [1]} : vector<16xf32> to vector<1xf32>
      %squeeze3A_769 = vector.extract %slice3A_768[0] : f32 from vector<1xf32>
      %mul3A_770 = vector.broadcast %squeeze3A_769 : f32 to vector<16xf32>
      %mul3A_771 = arith.mulf %get3A_767, %mul3A_770 : vector<16xf32>
      %add3A_772 = arith.addf %add3A_759, %mul3A_771 : vector<16xf32>
      %mul3A_773 = arith.constant 16 : i32
      %mul3A_774 = arith.muli %scan3A_272, %mul3A_773 : i32
      %add3A_775 = arith.constant 8 : i32
      %add3A_776 = arith.addi %mul3A_774, %add3A_775 : i32
      %get3A_777 = arith.index_cast %add3A_776 : i32 to index
      %get3A_778 = arith.constant 48 : index
      %get3A_779 = tpu.vector_load %arg10[%get3A_777, %get3A_778] {strides = array<i32>} : memref<256x256xf32, #tpu.memory_space<vmem>>, vector<1x16xf32>,
      %get3A_780 = vector.shape_cast %get3A_779 : vector<1x16xf32> to vector<16xf32>
      %slice3A_781 = vector.extract_strided_slice %get3A_277 {offsets = [8], sizes = [1], strides = [1]} : vector<16xf32> to vector<1xf32>
      %squeeze3A_782 = vector.extract %slice3A_781[0] : f32 from vector<1xf32>
      %mul3A_783 = vector.broadcast %squeeze3A_782 : f32 to vector<16xf32>
      %mul3A_784 = arith.mulf %get3A_780, %mul3A_783 : vector<16xf32>
      %add3A_785 = arith.addf %add3A_772, %mul3A_784 : vector<16xf32>
      %mul3A_786 = arith.constant 16 : i32
      %mul3A_787 = arith.muli %scan3A_272, %mul3A_786 : i32
      %add3A_788 = arith.constant 9 : i32
      %add3A_789 = arith.addi %mul3A_787, %add3A_788 : i32
      %get3A_790 = arith.index_cast %add3A_789 : i32 to index
      %get3A_791 = arith.constant 48 : index
      %get3A_792 = tpu.vector_load %arg10[%get3A_790, %get3A_791] {strides = array<i32>} : memref<256x256xf32, #tpu.memory_space<vmem>>, vector<1x16xf32>,
      %get3A_793 = vector.shape_cast %get3A_792 : vector<1x16xf32> to vector<16xf32>
      %slice3A_794 = vector.extract_strided_slice %get3A_277 {offsets = [9], sizes = [1], strides = [1]} : vector<16xf32> to vector<1xf32>
      %squeeze3A_795 = vector.extract %slice3A_794[0] : f32 from vector<1xf32>
      %mul3A_796 = vector.broadcast %squeeze3A_795 : f32 to vector<16xf32>
      %mul3A_797 = arith.mulf %get3A_793, %mul3A_796 : vector<16xf32>
      %add3A_798 = arith.addf %add3A_785, %mul3A_797 : vector<16xf32>
      %swap3A_799 = arith.index_cast %scan3A_272 : i32 to index
      %swap3A_800 = arith.constant 48 : index
      %swap3A_801 = tpu.vector_load %arg11[%swap3A_799, %swap3A_800] {strides = array<i32>} : memref<16x256xf32, #tpu.memory_space<vmem>>, vector<1x16xf32>,
      %swap3A_802 = vector.shape_cast %swap3A_801 : vector<1x16xf32> to vector<16xf32>
      %swap3A_803 = vector.shape_cast %add3A_798 : vector<16xf32> to vector<1x16xf32>
      tpu.vector_store %arg11[%swap3A_799, %swap3A_800], %swap3A_803 {strides = array<i32>} : memref<16x256xf32, #tpu.memory_space<vmem>>, vector<1x16xf32>,
      %mul3A_804 = arith.constant 16 : i32
      %mul3A_805 = arith.muli %scan3A_272, %mul3A_804 : i32
      %get3A_806 = arith.index_cast %mul3A_805 : i32 to index
      %get3A_807 = arith.constant 64 : index
      %get3A_808 = tpu.vector_load %arg10[%get3A_806, %get3A_807] {strides = array<i32>} : memref<256x256xf32, #tpu.memory_space<vmem>>, vector<1x16xf32>,
      %get3A_809 = vector.shape_cast %get3A_808 : vector<1x16xf32> to vector<16xf32>
      %slice3A_810 = vector.extract_strided_slice %get3A_277 {offsets = [0], sizes = [1], strides = [1]} : vector<16xf32> to vector<1xf32>
      %squeeze3A_811 = vector.extract %slice3A_810[0] : f32 from vector<1xf32>
      %mul3A_812 = vector.broadcast %squeeze3A_811 : f32 to vector<16xf32>
      %mul3A_813 = arith.mulf %get3A_809, %mul3A_812 : vector<16xf32>
      %mul3A_814 = arith.constant 16 : i32
      %mul3A_815 = arith.muli %scan3A_272, %mul3A_814 : i32
      %add3A_816 = arith.constant 1 : i32
      %add3A_817 = arith.addi %mul3A_815, %add3A_816 : i32
      %get3A_818 = arith.index_cast %add3A_817 : i32 to index
      %get3A_819 = arith.constant 64 : index
      %get3A_820 = tpu.vector_load %arg10[%get3A_818, %get3A_819] {strides = array<i32>} : memref<256x256xf32, #tpu.memory_space<vmem>>, vector<1x16xf32>,
      %get3A_821 = vector.shape_cast %get3A_820 : vector<1x16xf32> to vector<16xf32>
      %slice3A_822 = vector.extract_strided_slice %get3A_277 {offsets = [1], sizes = [1], strides = [1]} : vector<16xf32> to vector<1xf32>
      %squeeze3A_823 = vector.extract %slice3A_822[0] : f32 from vector<1xf32>
      %mul3A_824 = vector.broadcast %squeeze3A_823 : f32 to vector<16xf32>
      %mul3A_825 = arith.mulf %get3A_821, %mul3A_824 : vector<16xf32>
      %add3A_826 = arith.addf %mul3A_813, %mul3A_825 : vector<16xf32>
      %mul3A_827 = arith.constant 16 : i32
      %mul3A_828 = arith.muli %scan3A_272, %mul3A_827 : i32
      %add3A_829 = arith.constant 2 : i32
      %add3A_830 = arith.addi %mul3A_828, %add3A_829 : i32
      %get3A_831 = arith.index_cast %add3A_830 : i32 to index
      %get3A_832 = arith.constant 64 : index
      %get3A_833 = tpu.vector_load %arg10[%get3A_831, %get3A_832] {strides = array<i32>} : memref<256x256xf32, #tpu.memory_space<vmem>>, vector<1x16xf32>,
      %get3A_834 = vector.shape_cast %get3A_833 : vector<1x16xf32> to vector<16xf32>
      %slice3A_835 = vector.extract_strided_slice %get3A_277 {offsets = [2], sizes = [1], strides = [1]} : vector<16xf32> to vector<1xf32>
      %squeeze3A_836 = vector.extract %slice3A_835[0] : f32 from vector<1xf32>
      %mul3A_837 = vector.broadcast %squeeze3A_836 : f32 to vector<16xf32>
      %mul3A_838 = arith.mulf %get3A_834, %mul3A_837 : vector<16xf32>
      %add3A_839 = arith.addf %add3A_826, %mul3A_838 : vector<16xf32>
      %mul3A_840 = arith.constant 16 : i32
      %mul3A_841 = arith.muli %scan3A_272, %mul3A_840 : i32
      %add3A_842 = arith.constant 3 : i32
      %add3A_843 = arith.addi %mul3A_841, %add3A_842 : i32
      %get3A_844 = arith.index_cast %add3A_843 : i32 to index
      %get3A_845 = arith.constant 64 : index
      %get3A_846 = tpu.vector_load %arg10[%get3A_844, %get3A_845] {strides = array<i32>} : memref<256x256xf32, #tpu.memory_space<vmem>>, vector<1x16xf32>,
      %get3A_847 = vector.shape_cast %get3A_846 : vector<1x16xf32> to vector<16xf32>
      %slice3A_848 = vector.extract_strided_slice %get3A_277 {offsets = [3], sizes = [1], strides = [1]} : vector<16xf32> to vector<1xf32>
      %squeeze3A_849 = vector.extract %slice3A_848[0] : f32 from vector<1xf32>
      %mul3A_850 = vector.broadcast %squeeze3A_849 : f32 to vector<16xf32>
      %mul3A_851 = arith.mulf %get3A_847, %mul3A_850 : vector<16xf32>
      %add3A_852 = arith.addf %add3A_839, %mul3A_851 : vector<16xf32>
      %mul3A_853 = arith.constant 16 : i32
      %mul3A_854 = arith.muli %scan3A_272, %mul3A_853 : i32
      %add3A_855 = arith.constant 4 : i32
      %add3A_856 = arith.addi %mul3A_854, %add3A_855 : i32
      %get3A_857 = arith.index_cast %add3A_856 : i32 to index
      %get3A_858 = arith.constant 64 : index
      %get3A_859 = tpu.vector_load %arg10[%get3A_857, %get3A_858] {strides = array<i32>} : memref<256x256xf32, #tpu.memory_space<vmem>>, vector<1x16xf32>,
      %get3A_860 = vector.shape_cast %get3A_859 : vector<1x16xf32> to vector<16xf32>
      %slice3A_861 = vector.extract_strided_slice %get3A_277 {offsets = [4], sizes = [1], strides = [1]} : vector<16xf32> to vector<1xf32>
      %squeeze3A_862 = vector.extract %slice3A_861[0] : f32 from vector<1xf32>
      %mul3A_863 = vector.broadcast %squeeze3A_862 : f32 to vector<16xf32>
      %mul3A_864 = arith.mulf %get3A_860, %mul3A_863 : vector<16xf32>
      %add3A_865 = arith.addf %add3A_852, %mul3A_864 : vector<16xf32>
      %mul3A_866 = arith.constant 16 : i32
      %mul3A_867 = arith.muli %scan3A_272, %mul3A_866 : i32
      %add3A_868 = arith.constant 5 : i32
      %add3A_869 = arith.addi %mul3A_867, %add3A_868 : i32
      %get3A_870 = arith.index_cast %add3A_869 : i32 to index
      %get3A_871 = arith.constant 64 : index
      %get3A_872 = tpu.vector_load %arg10[%get3A_870, %get3A_871] {strides = array<i32>} : memref<256x256xf32, #tpu.memory_space<vmem>>, vector<1x16xf32>,
      %get3A_873 = vector.shape_cast %get3A_872 : vector<1x16xf32> to vector<16xf32>
      %slice3A_874 = vector.extract_strided_slice %get3A_277 {offsets = [5], sizes = [1], strides = [1]} : vector<16xf32> to vector<1xf32>
      %squeeze3A_875 = vector.extract %slice3A_874[0] : f32 from vector<1xf32>
      %mul3A_876 = vector.broadcast %squeeze3A_875 : f32 to vector<16xf32>
      %mul3A_877 = arith.mulf %get3A_873, %mul3A_876 : vector<16xf32>
      %add3A_878 = arith.addf %add3A_865, %mul3A_877 : vector<16xf32>
      %mul3A_879 = arith.constant 16 : i32
      %mul3A_880 = arith.muli %scan3A_272, %mul3A_879 : i32
      %add3A_881 = arith.constant 6 : i32
      %add3A_882 = arith.addi %mul3A_880, %add3A_881 : i32
      %get3A_883 = arith.index_cast %add3A_882 : i32 to index
      %get3A_884 = arith.constant 64 : index
      %get3A_885 = tpu.vector_load %arg10[%get3A_883, %get3A_884] {strides = array<i32>} : memref<256x256xf32, #tpu.memory_space<vmem>>, vector<1x16xf32>,
      %get3A_886 = vector.shape_cast %get3A_885 : vector<1x16xf32> to vector<16xf32>
      %slice3A_887 = vector.extract_strided_slice %get3A_277 {offsets = [6], sizes = [1], strides = [1]} : vector<16xf32> to vector<1xf32>
      %squeeze3A_888 = vector.extract %slice3A_887[0] : f32 from vector<1xf32>
      %mul3A_889 = vector.broadcast %squeeze3A_888 : f32 to vector<16xf32>
      %mul3A_890 = arith.mulf %get3A_886, %mul3A_889 : vector<16xf32>
      %add3A_891 = arith.addf %add3A_878, %mul3A_890 : vector<16xf32>
      %mul3A_892 = arith.constant 16 : i32
      %mul3A_893 = arith.muli %scan3A_272, %mul3A_892 : i32
      %add3A_894 = arith.constant 7 : i32
      %add3A_895 = arith.addi %mul3A_893, %add3A_894 : i32
      %get3A_896 = arith.index_cast %add3A_895 : i32 to index
      %get3A_897 = arith.constant 64 : index
      %get3A_898 = tpu.vector_load %arg10[%get3A_896, %get3A_897] {strides = array<i32>} : memref<256x256xf32, #tpu.memory_space<vmem>>, vector<1x16xf32>,
      %get3A_899 = vector.shape_cast %get3A_898 : vector<1x16xf32> to vector<16xf32>
      %slice3A_900 = vector.extract_strided_slice %get3A_277 {offsets = [7], sizes = [1], strides = [1]} : vector<16xf32> to vector<1xf32>
      %squeeze3A_901 = vector.extract %slice3A_900[0] : f32 from vector<1xf32>
      %mul3A_902 = vector.broadcast %squeeze3A_901 : f32 to vector<16xf32>
      %mul3A_903 = arith.mulf %get3A_899, %mul3A_902 : vector<16xf32>
      %add3A_904 = arith.addf %add3A_891, %mul3A_903 : vector<16xf32>
      %mul3A_905 = arith.constant 16 : i32
      %mul3A_906 = arith.muli %scan3A_272, %mul3A_905 : i32
      %add3A_907 = arith.constant 8 : i32
      %add3A_908 = arith.addi %mul3A_906, %add3A_907 : i32
      %get3A_909 = arith.index_cast %add3A_908 : i32 to index
      %get3A_910 = arith.constant 64 : index
      %get3A_911 = tpu.vector_load %arg10[%get3A_909, %get3A_910] {strides = array<i32>} : memref<256x256xf32, #tpu.memory_space<vmem>>, vector<1x16xf32>,
      %get3A_912 = vector.shape_cast %get3A_911 : vector<1x16xf32> to vector<16xf32>
      %slice3A_913 = vector.extract_strided_slice %get3A_277 {offsets = [8], sizes = [1], strides = [1]} : vector<16xf32> to vector<1xf32>
      %squeeze3A_914 = vector.extract %slice3A_913[0] : f32 from vector<1xf32>
      %mul3A_915 = vector.broadcast %squeeze3A_914 : f32 to vector<16xf32>
      %mul3A_916 = arith.mulf %get3A_912, %mul3A_915 : vector<16xf32>
      %add3A_917 = arith.addf %add3A_904, %mul3A_916 : vector<16xf32>
      %mul3A_918 = arith.constant 16 : i32
      %mul3A_919 = arith.muli %scan3A_272, %mul3A_918 : i32
      %add3A_920 = arith.constant 9 : i32
      %add3A_921 = arith.addi %mul3A_919, %add3A_920 : i32
      %get3A_922 = arith.index_cast %add3A_921 : i32 to index
      %get3A_923 = arith.constant 64 : index
      %get3A_924 = tpu.vector_load %arg10[%get3A_922, %get3A_923] {strides = array<i32>} : memref<256x256xf32, #tpu.memory_space<vmem>>, vector<1x16xf32>,
      %get3A_925 = vector.shape_cast %get3A_924 : vector<1x16xf32> to vector<16xf32>
      %slice3A_926 = vector.extract_strided_slice %get3A_277 {offsets = [9], sizes = [1], strides = [1]} : vector<16xf32> to vector<1xf32>
      %squeeze3A_927 = vector.extract %slice3A_926[0] : f32 from vector<1xf32>
      %mul3A_928 = vector.broadcast %squeeze3A_927 : f32 to vector<16xf32>
      %mul3A_929 = arith.mulf %get3A_925, %mul3A_928 : vector<16xf32>
      %add3A_930 = arith.addf %add3A_917, %mul3A_929 : vector<16xf32>
      %swap3A_931 = arith.index_cast %scan3A_272 : i32 to index
      %swap3A_932 = arith.constant 64 : index
      %swap3A_933 = tpu.vector_load %arg11[%swap3A_931, %swap3A_932] {strides = array<i32>} : memref<16x256xf32, #tpu.memory_space<vmem>>, vector<1x16xf32>,
      %swap3A_934 = vector.shape_cast %swap3A_933 : vector<1x16xf32> to vector<16xf32>
      %swap3A_935 = vector.shape_cast %add3A_930 : vector<16xf32> to vector<1x16xf32>
      tpu.vector_store %arg11[%swap3A_931, %swap3A_932], %swap3A_935 {strides = array<i32>} : memref<16x256xf32, #tpu.memory_space<vmem>>, vector<1x16xf32>,
      %mul3A_936 = arith.constant 16 : i32
      %mul3A_937 = arith.muli %scan3A_272, %mul3A_936 : i32
      %get3A_938 = arith.index_cast %mul3A_937 : i32 to index
      %get3A_939 = arith.constant 80 : index
      %get3A_940 = tpu.vector_load %arg10[%get3A_938, %get3A_939] {strides = array<i32>} : memref<256x256xf32, #tpu.memory_space<vmem>>, vector<1x16xf32>,
      %get3A_941 = vector.shape_cast %get3A_940 : vector<1x16xf32> to vector<16xf32>
      %slice3A_942 = vector.extract_strided_slice %get3A_277 {offsets = [0], sizes = [1], strides = [1]} : vector<16xf32> to vector<1xf32>
      %squeeze3A_943 = vector.extract %slice3A_942[0] : f32 from vector<1xf32>
      %mul3A_944 = vector.broadcast %squeeze3A_943 : f32 to vector<16xf32>
      %mul3A_945 = arith.mulf %get3A_941, %mul3A_944 : vector<16xf32>
      %mul3A_946 = arith.constant 16 : i32
      %mul3A_947 = arith.muli %scan3A_272, %mul3A_946 : i32
      %add3A_948 = arith.constant 1 : i32
      %add3A_949 = arith.addi %mul3A_947, %add3A_948 : i32
      %get3A_950 = arith.index_cast %add3A_949 : i32 to index
      %get3A_951 = arith.constant 80 : index
      %get3A_952 = tpu.vector_load %arg10[%get3A_950, %get3A_951] {strides = array<i32>} : memref<256x256xf32, #tpu.memory_space<vmem>>, vector<1x16xf32>,
      %get3A_953 = vector.shape_cast %get3A_952 : vector<1x16xf32> to vector<16xf32>
      %slice3A_954 = vector.extract_strided_slice %get3A_277 {offsets = [1], sizes = [1], strides = [1]} : vector<16xf32> to vector<1xf32>
      %squeeze3A_955 = vector.extract %slice3A_954[0] : f32 from vector<1xf32>
      %mul3A_956 = vector.broadcast %squeeze3A_955 : f32 to vector<16xf32>
      %mul3A_957 = arith.mulf %get3A_953, %mul3A_956 : vector<16xf32>
      %add3A_958 = arith.addf %mul3A_945, %mul3A_957 : vector<16xf32>
      %mul3A_959 = arith.constant 16 : i32
      %mul3A_960 = arith.muli %scan3A_272, %mul3A_959 : i32
      %add3A_961 = arith.constant 2 : i32
      %add3A_962 = arith.addi %mul3A_960, %add3A_961 : i32
      %get3A_963 = arith.index_cast %add3A_962 : i32 to index
      %get3A_964 = arith.constant 80 : index
      %get3A_965 = tpu.vector_load %arg10[%get3A_963, %get3A_964] {strides = array<i32>} : memref<256x256xf32, #tpu.memory_space<vmem>>, vector<1x16xf32>,
      %get3A_966 = vector.shape_cast %get3A_965 : vector<1x16xf32> to vector<16xf32>
      %slice3A_967 = vector.extract_strided_slice %get3A_277 {offsets = [2], sizes = [1], strides = [1]} : vector<16xf32> to vector<1xf32>
      %squeeze3A_968 = vector.extract %slice3A_967[0] : f32 from vector<1xf32>
      %mul3A_969 = vector.broadcast %squeeze3A_968 : f32 to vector<16xf32>
      %mul3A_970 = arith.mulf %get3A_966, %mul3A_969 : vector<16xf32>
      %add3A_971 = arith.addf %add3A_958, %mul3A_970 : vector<16xf32>
      %mul3A_972 = arith.constant 16 : i32
      %mul3A_973 = arith.muli %scan3A_272, %mul3A_972 : i32
      %add3A_974 = arith.constant 3 : i32
      %add3A_975 = arith.addi %mul3A_973, %add3A_974 : i32
      %get3A_976 = arith.index_cast %add3A_975 : i32 to index
      %get3A_977 = arith.constant 80 : index
      %get3A_978 = tpu.vector_load %arg10[%get3A_976, %get3A_977] {strides = array<i32>} : memref<256x256xf32, #tpu.memory_space<vmem>>, vector<1x16xf32>,
      %get3A_979 = vector.shape_cast %get3A_978 : vector<1x16xf32> to vector<16xf32>
      %slice3A_980 = vector.extract_strided_slice %get3A_277 {offsets = [3], sizes = [1], strides = [1]} : vector<16xf32> to vector<1xf32>
      %squeeze3A_981 = vector.extract %slice3A_980[0] : f32 from vector<1xf32>
      %mul3A_982 = vector.broadcast %squeeze3A_981 : f32 to vector<16xf32>
      %mul3A_983 = arith.mulf %get3A_979, %mul3A_982 : vector<16xf32>
      %add3A_984 = arith.addf %add3A_971, %mul3A_983 : vector<16xf32>
      %mul3A_985 = arith.constant 16 : i32
      %mul3A_986 = arith.muli %scan3A_272, %mul3A_985 : i32
      %add3A_987 = arith.constant 4 : i32
      %add3A_988 = arith.addi %mul3A_986, %add3A_987 : i32
      %get3A_989 = arith.index_cast %add3A_988 : i32 to index
      %get3A_990 = arith.constant 80 : index
      %get3A_991 = tpu.vector_load %arg10[%get3A_989, %get3A_990] {strides = array<i32>} : memref<256x256xf32, #tpu.memory_space<vmem>>, vector<1x16xf32>,
      %get3A_992 = vector.shape_cast %get3A_991 : vector<1x16xf32> to vector<16xf32>
      %slice3A_993 = vector.extract_strided_slice %get3A_277 {offsets = [4], sizes = [1], strides = [1]} : vector<16xf32> to vector<1xf32>
      %squeeze3A_994 = vector.extract %slice3A_993[0] : f32 from vector<1xf32>
      %mul3A_995 = vector.broadcast %squeeze3A_994 : f32 to vector<16xf32>
      %mul3A_996 = arith.mulf %get3A_992, %mul3A_995 : vector<16xf32>
      %add3A_997 = arith.addf %add3A_984, %mul3A_996 : vector<16xf32>
      %mul3A_998 = arith.constant 16 : i32
      %mul3A_999 = arith.muli %scan3A_272, %mul3A_998 : i32
      %add3A_1000 = arith.constant 5 : i32
      %add3A_1001 = arith.addi %mul3A_999, %add3A_1000 : i32
      %get3A_1002 = arith.index_cast %add3A_1001 : i32 to index
      %get3A_1003 = arith.constant 80 : index
      %get3A_1004 = tpu.vector_load %arg10[%get3A_1002, %get3A_1003] {strides = array<i32>} : memref<256x256xf32, #tpu.memory_space<vmem>>, vector<1x16xf32>,
      %get3A_1005 = vector.shape_cast %get3A_1004 : vector<1x16xf32> to vector<16xf32>
      %slice3A_1006 = vector.extract_strided_slice %get3A_277 {offsets = [5], sizes = [1], strides = [1]} : vector<16xf32> to vector<1xf32>
      %squeeze3A_1007 = vector.extract %slice3A_1006[0] : f32 from vector<1xf32>
      %mul3A_1008 = vector.broadcast %squeeze3A_1007 : f32 to vector<16xf32>
      %mul3A_1009 = arith.mulf %get3A_1005, %mul3A_1008 : vector<16xf32>
      %add3A_1010 = arith.addf %add3A_997, %mul3A_1009 : vector<16xf32>
      %mul3A_1011 = arith.constant 16 : i32
      %mul3A_1012 = arith.muli %scan3A_272, %mul3A_1011 : i32
      %add3A_1013 = arith.constant 6 : i32
      %add3A_1014 = arith.addi %mul3A_1012, %add3A_1013 : i32
      %get3A_1015 = arith.index_cast %add3A_1014 : i32 to index
      %get3A_1016 = arith.constant 80 : index
      %get3A_1017 = tpu.vector_load %arg10[%get3A_1015, %get3A_1016] {strides = array<i32>} : memref<256x256xf32, #tpu.memory_space<vmem>>, vector<1x16xf32>,
      %get3A_1018 = vector.shape_cast %get3A_1017 : vector<1x16xf32> to vector<16xf32>
      %slice3A_1019 = vector.extract_strided_slice %get3A_277 {offsets = [6], sizes = [1], strides = [1]} : vector<16xf32> to vector<1xf32>
      %squeeze3A_1020 = vector.extract %slice3A_1019[0] : f32 from vector<1xf32>
      %mul3A_1021 = vector.broadcast %squeeze3A_1020 : f32 to vector<16xf32>
      %mul3A_1022 = arith.mulf %get3A_1018, %mul3A_1021 : vector<16xf32>
      %add3A_1023 = arith.addf %add3A_1010, %mul3A_1022 : vector<16xf32>
      %mul3A_1024 = arith.constant 16 : i32
      %mul3A_1025 = arith.muli %scan3A_272, %mul3A_1024 : i32
      %add3A_1026 = arith.constant 7 : i32
      %add3A_1027 = arith.addi %mul3A_1025, %add3A_1026 : i32
      %get3A_1028 = arith.index_cast %add3A_1027 : i32 to index
      %get3A_1029 = arith.constant 80 : index
      %get3A_1030 = tpu.vector_load %arg10[%get3A_1028, %get3A_1029] {strides = array<i32>} : memref<256x256xf32, #tpu.memory_space<vmem>>, vector<1x16xf32>,
      %get3A_1031 = vector.shape_cast %get3A_1030 : vector<1x16xf32> to vector<16xf32>
      %slice3A_1032 = vector.extract_strided_slice %get3A_277 {offsets = [7], sizes = [1], strides = [1]} : vector<16xf32> to vector<1xf32>
      %squeeze3A_1033 = vector.extract %slice3A_1032[0] : f32 from vector<1xf32>
      %mul3A_1034 = vector.broadcast %squeeze3A_1033 : f32 to vector<16xf32>
      %mul3A_1035 = arith.mulf %get3A_1031, %mul3A_1034 : vector<16xf32>
      %add3A_1036 = arith.addf %add3A_1023, %mul3A_1035 : vector<16xf32>
      %mul3A_1037 = arith.constant 16 : i32
      %mul3A_1038 = arith.muli %scan3A_272, %mul3A_1037 : i32
      %add3A_1039 = arith.constant 8 : i32
      %add3A_1040 = arith.addi %mul3A_1038, %add3A_1039 : i32
      %get3A_1041 = arith.index_cast %add3A_1040 : i32 to index
      %get3A_1042 = arith.constant 80 : index
      %get3A_1043 = tpu.vector_load %arg10[%get3A_1041, %get3A_1042] {strides = array<i32>} : memref<256x256xf32, #tpu.memory_space<vmem>>, vector<1x16xf32>,
      %get3A_1044 = vector.shape_cast %get3A_1043 : vector<1x16xf32> to vector<16xf32>
      %slice3A_1045 = vector.extract_strided_slice %get3A_277 {offsets = [8], sizes = [1], strides = [1]} : vector<16xf32> to vector<1xf32>
      %squeeze3A_1046 = vector.extract %slice3A_1045[0] : f32 from vector<1xf32>
      %mul3A_1047 = vector.broadcast %squeeze3A_1046 : f32 to vector<16xf32>
      %mul3A_1048 = arith.mulf %get3A_1044, %mul3A_1047 : vector<16xf32>
      %add3A_1049 = arith.addf %add3A_1036, %mul3A_1048 : vector<16xf32>
      %mul3A_1050 = arith.constant 16 : i32
      %mul3A_1051 = arith.muli %scan3A_272, %mul3A_1050 : i32
      %add3A_1052 = arith.constant 9 : i32
      %add3A_1053 = arith.addi %mul3A_1051, %add3A_1052 : i32
      %get3A_1054 = arith.index_cast %add3A_1053 : i32 to index
      %get3A_1055 = arith.constant 80 : index
      %get3A_1056 = tpu.vector_load %arg10[%get3A_1054, %get3A_1055] {strides = array<i32>} : memref<256x256xf32, #tpu.memory_space<vmem>>, vector<1x16xf32>,
      %get3A_1057 = vector.shape_cast %get3A_1056 : vector<1x16xf32> to vector<16xf32>
      %slice3A_1058 = vector.extract_strided_slice %get3A_277 {offsets = [9], sizes = [1], strides = [1]} : vector<16xf32> to vector<1xf32>
      %squeeze3A_1059 = vector.extract %slice3A_1058[0] : f32 from vector<1xf32>
      %mul3A_1060 = vector.broadcast %squeeze3A_1059 : f32 to vector<16xf32>
      %mul3A_1061 = arith.mulf %get3A_1057, %mul3A_1060 : vector<16xf32>
      %add3A_1062 = arith.addf %add3A_1049, %mul3A_1061 : vector<16xf32>
      %swap3A_1063 = arith.index_cast %scan3A_272 : i32 to index
      %swap3A_1064 = arith.constant 80 : index
      %swap3A_1065 = tpu.vector_load %arg11[%swap3A_1063, %swap3A_1064] {strides = array<i32>} : memref<16x256xf32, #tpu.memory_space<vmem>>, vector<1x16xf32>,
      %swap3A_1066 = vector.shape_cast %swap3A_1065 : vector<1x16xf32> to vector<16xf32>
      %swap3A_1067 = vector.shape_cast %add3A_1062 : vector<16xf32> to vector<1x16xf32>
      tpu.vector_store %arg11[%swap3A_1063, %swap3A_1064], %swap3A_1067 {strides = array<i32>} : memref<16x256xf32, #tpu.memory_space<vmem>>, vector<1x16xf32>,
      %mul3A_1068 = arith.constant 16 : i32
      %mul3A_1069 = arith.muli %scan3A_272, %mul3A_1068 : i32
      %get3A_1070 = arith.index_cast %mul3A_1069 : i32 to index
      %get3A_1071 = arith.constant 96 : index
      %get3A_1072 = tpu.vector_load %arg10[%get3A_1070, %get3A_1071] {strides = array<i32>} : memref<256x256xf32, #tpu.memory_space<vmem>>, vector<1x16xf32>,
      %get3A_1073 = vector.shape_cast %get3A_1072 : vector<1x16xf32> to vector<16xf32>
      %slice3A_1074 = vector.extract_strided_slice %get3A_277 {offsets = [0], sizes = [1], strides = [1]} : vector<16xf32> to vector<1xf32>
      %squeeze3A_1075 = vector.extract %slice3A_1074[0] : f32 from vector<1xf32>
      %mul3A_1076 = vector.broadcast %squeeze3A_1075 : f32 to vector<16xf32>
      %mul3A_1077 = arith.mulf %get3A_1073, %mul3A_1076 : vector<16xf32>
      %mul3A_1078 = arith.constant 16 : i32
      %mul3A_1079 = arith.muli %scan3A_272, %mul3A_1078 : i32
      %add3A_1080 = arith.constant 1 : i32
      %add3A_1081 = arith.addi %mul3A_1079, %add3A_1080 : i32
      %get3A_1082 = arith.index_cast %add3A_1081 : i32 to index
      %get3A_1083 = arith.constant 96 : index
      %get3A_1084 = tpu.vector_load %arg10[%get3A_1082, %get3A_1083] {strides = array<i32>} : memref<256x256xf32, #tpu.memory_space<vmem>>, vector<1x16xf32>,
      %get3A_1085 = vector.shape_cast %get3A_1084 : vector<1x16xf32> to vector<16xf32>
      %slice3A_1086 = vector.extract_strided_slice %get3A_277 {offsets = [1], sizes = [1], strides = [1]} : vector<16xf32> to vector<1xf32>
      %squeeze3A_1087 = vector.extract %slice3A_1086[0] : f32 from vector<1xf32>
      %mul3A_1088 = vector.broadcast %squeeze3A_1087 : f32 to vector<16xf32>
      %mul3A_1089 = arith.mulf %get3A_1085, %mul3A_1088 : vector<16xf32>
      %add3A_1090 = arith.addf %mul3A_1077, %mul3A_1089 : vector<16xf32>
      %mul3A_1091 = arith.constant 16 : i32
      %mul3A_1092 = arith.muli %scan3A_272, %mul3A_1091 : i32
      %add3A_1093 = arith.constant 2 : i32
      %add3A_1094 = arith.addi %mul3A_1092, %add3A_1093 : i32
      %get3A_1095 = arith.index_cast %add3A_1094 : i32 to index
      %get3A_1096 = arith.constant 96 : index
      %get3A_1097 = tpu.vector_load %arg10[%get3A_1095, %get3A_1096] {strides = array<i32>} : memref<256x256xf32, #tpu.memory_space<vmem>>, vector<1x16xf32>,
      %get3A_1098 = vector.shape_cast %get3A_1097 : vector<1x16xf32> to vector<16xf32>
      %slice3A_1099 = vector.extract_strided_slice %get3A_277 {offsets = [2], sizes = [1], strides = [1]} : vector<16xf32> to vector<1xf32>
      %squeeze3A_1100 = vector.extract %slice3A_1099[0] : f32 from vector<1xf32>
      %mul3A_1101 = vector.broadcast %squeeze3A_1100 : f32 to vector<16xf32>
      %mul3A_1102 = arith.mulf %get3A_1098, %mul3A_1101 : vector<16xf32>
      %add3A_1103 = arith.addf %add3A_1090, %mul3A_1102 : vector<16xf32>
      %mul3A_1104 = arith.constant 16 : i32
      %mul3A_1105 = arith.muli %scan3A_272, %mul3A_1104 : i32
      %add3A_1106 = arith.constant 3 : i32
      %add3A_1107 = arith.addi %mul3A_1105, %add3A_1106 : i32
      %get3A_1108 = arith.index_cast %add3A_1107 : i32 to index
      %get3A_1109 = arith.constant 96 : index
      %get3A_1110 = tpu.vector_load %arg10[%get3A_1108, %get3A_1109] {strides = array<i32>} : memref<256x256xf32, #tpu.memory_space<vmem>>, vector<1x16xf32>,
      %get3A_1111 = vector.shape_cast %get3A_1110 : vector<1x16xf32> to vector<16xf32>
      %slice3A_1112 = vector.extract_strided_slice %get3A_277 {offsets = [3], sizes = [1], strides = [1]} : vector<16xf32> to vector<1xf32>
      %squeeze3A_1113 = vector.extract %slice3A_1112[0] : f32 from vector<1xf32>
      %mul3A_1114 = vector.broadcast %squeeze3A_1113 : f32 to vector<16xf32>
      %mul3A_1115 = arith.mulf %get3A_1111, %mul3A_1114 : vector<16xf32>
      %add3A_1116 = arith.addf %add3A_1103, %mul3A_1115 : vector<16xf32>
      %mul3A_1117 = arith.constant 16 : i32
      %mul3A_1118 = arith.muli %scan3A_272, %mul3A_1117 : i32
      %add3A_1119 = arith.constant 4 : i32
      %add3A_1120 = arith.addi %mul3A_1118, %add3A_1119 : i32
      %get3A_1121 = arith.index_cast %add3A_1120 : i32 to index
      %get3A_1122 = arith.constant 96 : index
      %get3A_1123 = tpu.vector_load %arg10[%get3A_1121, %get3A_1122] {strides = array<i32>} : memref<256x256xf32, #tpu.memory_space<vmem>>, vector<1x16xf32>,
      %get3A_1124 = vector.shape_cast %get3A_1123 : vector<1x16xf32> to vector<16xf32>
      %slice3A_1125 = vector.extract_strided_slice %get3A_277 {offsets = [4], sizes = [1], strides = [1]} : vector<16xf32> to vector<1xf32>
      %squeeze3A_1126 = vector.extract %slice3A_1125[0] : f32 from vector<1xf32>
      %mul3A_1127 = vector.broadcast %squeeze3A_1126 : f32 to vector<16xf32>
      %mul3A_1128 = arith.mulf %get3A_1124, %mul3A_1127 : vector<16xf32>
      %add3A_1129 = arith.addf %add3A_1116, %mul3A_1128 : vector<16xf32>
      %mul3A_1130 = arith.constant 16 : i32
      %mul3A_1131 = arith.muli %scan3A_272, %mul3A_1130 : i32
      %add3A_1132 = arith.constant 5 : i32
      %add3A_1133 = arith.addi %mul3A_1131, %add3A_1132 : i32
      %get3A_1134 = arith.index_cast %add3A_1133 : i32 to index
      %get3A_1135 = arith.constant 96 : index
      %get3A_1136 = tpu.vector_load %arg10[%get3A_1134, %get3A_1135] {strides = array<i32>} : memref<256x256xf32, #tpu.memory_space<vmem>>, vector<1x16xf32>,
      %get3A_1137 = vector.shape_cast %get3A_1136 : vector<1x16xf32> to vector<16xf32>
      %slice3A_1138 = vector.extract_strided_slice %get3A_277 {offsets = [5], sizes = [1], strides = [1]} : vector<16xf32> to vector<1xf32>
      %squeeze3A_1139 = vector.extract %slice3A_1138[0] : f32 from vector<1xf32>
      %mul3A_1140 = vector.broadcast %squeeze3A_1139 : f32 to vector<16xf32>
      %mul3A_1141 = arith.mulf %get3A_1137, %mul3A_1140 : vector<16xf32>
      %add3A_1142 = arith.addf %add3A_1129, %mul3A_1141 : vector<16xf32>
      %mul3A_1143 = arith.constant 16 : i32
      %mul3A_1144 = arith.muli %scan3A_272, %mul3A_1143 : i32
      %add3A_1145 = arith.constant 6 : i32
      %add3A_1146 = arith.addi %mul3A_1144, %add3A_1145 : i32
      %get3A_1147 = arith.index_cast %add3A_1146 : i32 to index
      %get3A_1148 = arith.constant 96 : index
      %get3A_1149 = tpu.vector_load %arg10[%get3A_1147, %get3A_1148] {strides = array<i32>} : memref<256x256xf32, #tpu.memory_space<vmem>>, vector<1x16xf32>,
      %get3A_1150 = vector.shape_cast %get3A_1149 : vector<1x16xf32> to vector<16xf32>
      %slice3A_1151 = vector.extract_strided_slice %get3A_277 {offsets = [6], sizes = [1], strides = [1]} : vector<16xf32> to vector<1xf32>
      %squeeze3A_1152 = vector.extract %slice3A_1151[0] : f32 from vector<1xf32>
      %mul3A_1153 = vector.broadcast %squeeze3A_1152 : f32 to vector<16xf32>
      %mul3A_1154 = arith.mulf %get3A_1150, %mul3A_1153 : vector<16xf32>
      %add3A_1155 = arith.addf %add3A_1142, %mul3A_1154 : vector<16xf32>
      %mul3A_1156 = arith.constant 16 : i32
      %mul3A_1157 = arith.muli %scan3A_272, %mul3A_1156 : i32
      %add3A_1158 = arith.constant 7 : i32
      %add3A_1159 = arith.addi %mul3A_1157, %add3A_1158 : i32
      %get3A_1160 = arith.index_cast %add3A_1159 : i32 to index
      %get3A_1161 = arith.constant 96 : index
      %get3A_1162 = tpu.vector_load %arg10[%get3A_1160, %get3A_1161] {strides = array<i32>} : memref<256x256xf32, #tpu.memory_space<vmem>>, vector<1x16xf32>,
      %get3A_1163 = vector.shape_cast %get3A_1162 : vector<1x16xf32> to vector<16xf32>
      %slice3A_1164 = vector.extract_strided_slice %get3A_277 {offsets = [7], sizes = [1], strides = [1]} : vector<16xf32> to vector<1xf32>
      %squeeze3A_1165 = vector.extract %slice3A_1164[0] : f32 from vector<1xf32>
      %mul3A_1166 = vector.broadcast %squeeze3A_1165 : f32 to vector<16xf32>
      %mul3A_1167 = arith.mulf %get3A_1163, %mul3A_1166 : vector<16xf32>
      %add3A_1168 = arith.addf %add3A_1155, %mul3A_1167 : vector<16xf32>
      %mul3A_1169 = arith.constant 16 : i32
      %mul3A_1170 = arith.muli %scan3A_272, %mul3A_1169 : i32
      %add3A_1171 = arith.constant 8 : i32
      %add3A_1172 = arith.addi %mul3A_1170, %add3A_1171 : i32
      %get3A_1173 = arith.index_cast %add3A_1172 : i32 to index
      %get3A_1174 = arith.constant 96 : index
      %get3A_1175 = tpu.vector_load %arg10[%get3A_1173, %get3A_1174] {strides = array<i32>} : memref<256x256xf32, #tpu.memory_space<vmem>>, vector<1x16xf32>,
      %get3A_1176 = vector.shape_cast %get3A_1175 : vector<1x16xf32> to vector<16xf32>
      %slice3A_1177 = vector.extract_strided_slice %get3A_277 {offsets = [8], sizes = [1], strides = [1]} : vector<16xf32> to vector<1xf32>
      %squeeze3A_1178 = vector.extract %slice3A_1177[0] : f32 from vector<1xf32>
      %mul3A_1179 = vector.broadcast %squeeze3A_1178 : f32 to vector<16xf32>
      %mul3A_1180 = arith.mulf %get3A_1176, %mul3A_1179 : vector<16xf32>
      %add3A_1181 = arith.addf %add3A_1168, %mul3A_1180 : vector<16xf32>
      %mul3A_1182 = arith.constant 16 : i32
      %mul3A_1183 = arith.muli %scan3A_272, %mul3A_1182 : i32
      %add3A_1184 = arith.constant 9 : i32
      %add3A_1185 = arith.addi %mul3A_1183, %add3A_1184 : i32
      %get3A_1186 = arith.index_cast %add3A_1185 : i32 to index
      %get3A_1187 = arith.constant 96 : index
      %get3A_1188 = tpu.vector_load %arg10[%get3A_1186, %get3A_1187] {strides = array<i32>} : memref<256x256xf32, #tpu.memory_space<vmem>>, vector<1x16xf32>,
      %get3A_1189 = vector.shape_cast %get3A_1188 : vector<1x16xf32> to vector<16xf32>
      %slice3A_1190 = vector.extract_strided_slice %get3A_277 {offsets = [9], sizes = [1], strides = [1]} : vector<16xf32> to vector<1xf32>
      %squeeze3A_1191 = vector.extract %slice3A_1190[0] : f32 from vector<1xf32>
      %mul3A_1192 = vector.broadcast %squeeze3A_1191 : f32 to vector<16xf32>
      %mul3A_1193 = arith.mulf %get3A_1189, %mul3A_1192 : vector<16xf32>
      %add3A_1194 = arith.addf %add3A_1181, %mul3A_1193 : vector<16xf32>
      %swap3A_1195 = arith.index_cast %scan3A_272 : i32 to index
      %swap3A_1196 = arith.constant 96 : index
      %swap3A_1197 = tpu.vector_load %arg11[%swap3A_1195, %swap3A_1196] {strides = array<i32>} : memref<16x256xf32, #tpu.memory_space<vmem>>, vector<1x16xf32>,
      %swap3A_1198 = vector.shape_cast %swap3A_1197 : vector<1x16xf32> to vector<16xf32>
      %swap3A_1199 = vector.shape_cast %add3A_1194 : vector<16xf32> to vector<1x16xf32>
      tpu.vector_store %arg11[%swap3A_1195, %swap3A_1196], %swap3A_1199 {strides = array<i32>} : memref<16x256xf32, #tpu.memory_space<vmem>>, vector<1x16xf32>,
      %mul3A_1200 = arith.constant 16 : i32
      %mul3A_1201 = arith.muli %scan3A_272, %mul3A_1200 : i32
      %get3A_1202 = arith.index_cast %mul3A_1201 : i32 to index
      %get3A_1203 = arith.constant 112 : index
      %get3A_1204 = tpu.vector_load %arg10[%get3A_1202, %get3A_1203] {strides = array<i32>} : memref<256x256xf32, #tpu.memory_space<vmem>>, vector<1x16xf32>,
      %get3A_1205 = vector.shape_cast %get3A_1204 : vector<1x16xf32> to vector<16xf32>
      %slice3A_1206 = vector.extract_strided_slice %get3A_277 {offsets = [0], sizes = [1], strides = [1]} : vector<16xf32> to vector<1xf32>
      %squeeze3A_1207 = vector.extract %slice3A_1206[0] : f32 from vector<1xf32>
      %mul3A_1208 = vector.broadcast %squeeze3A_1207 : f32 to vector<16xf32>
      %mul3A_1209 = arith.mulf %get3A_1205, %mul3A_1208 : vector<16xf32>
      %mul3A_1210 = arith.constant 16 : i32
      %mul3A_1211 = arith.muli %scan3A_272, %mul3A_1210 : i32
      %add3A_1212 = arith.constant 1 : i32
      %add3A_1213 = arith.addi %mul3A_1211, %add3A_1212 : i32
      %get3A_1214 = arith.index_cast %add3A_1213 : i32 to index
      %get3A_1215 = arith.constant 112 : index
      %get3A_1216 = tpu.vector_load %arg10[%get3A_1214, %get3A_1215] {strides = array<i32>} : memref<256x256xf32, #tpu.memory_space<vmem>>, vector<1x16xf32>,
      %get3A_1217 = vector.shape_cast %get3A_1216 : vector<1x16xf32> to vector<16xf32>
      %slice3A_1218 = vector.extract_strided_slice %get3A_277 {offsets = [1], sizes = [1], strides = [1]} : vector<16xf32> to vector<1xf32>
      %squeeze3A_1219 = vector.extract %slice3A_1218[0] : f32 from vector<1xf32>
      %mul3A_1220 = vector.broadcast %squeeze3A_1219 : f32 to vector<16xf32>
      %mul3A_1221 = arith.mulf %get3A_1217, %mul3A_1220 : vector<16xf32>
      %add3A_1222 = arith.addf %mul3A_1209, %mul3A_1221 : vector<16xf32>
      %mul3A_1223 = arith.constant 16 : i32
      %mul3A_1224 = arith.muli %scan3A_272, %mul3A_1223 : i32
      %add3A_1225 = arith.constant 2 : i32
      %add3A_1226 = arith.addi %mul3A_1224, %add3A_1225 : i32
      %get3A_1227 = arith.index_cast %add3A_1226 : i32 to index
      %get3A_1228 = arith.constant 112 : index
      %get3A_1229 = tpu.vector_load %arg10[%get3A_1227, %get3A_1228] {strides = array<i32>} : memref<256x256xf32, #tpu.memory_space<vmem>>, vector<1x16xf32>,
      %get3A_1230 = vector.shape_cast %get3A_1229 : vector<1x16xf32> to vector<16xf32>
      %slice3A_1231 = vector.extract_strided_slice %get3A_277 {offsets = [2], sizes = [1], strides = [1]} : vector<16xf32> to vector<1xf32>
      %squeeze3A_1232 = vector.extract %slice3A_1231[0] : f32 from vector<1xf32>
      %mul3A_1233 = vector.broadcast %squeeze3A_1232 : f32 to vector<16xf32>
      %mul3A_1234 = arith.mulf %get3A_1230, %mul3A_1233 : vector<16xf32>
      %add3A_1235 = arith.addf %add3A_1222, %mul3A_1234 : vector<16xf32>
      %mul3A_1236 = arith.constant 16 : i32
      %mul3A_1237 = arith.muli %scan3A_272, %mul3A_1236 : i32
      %add3A_1238 = arith.constant 3 : i32
      %add3A_1239 = arith.addi %mul3A_1237, %add3A_1238 : i32
      %get3A_1240 = arith.index_cast %add3A_1239 : i32 to index
      %get3A_1241 = arith.constant 112 : index
      %get3A_1242 = tpu.vector_load %arg10[%get3A_1240, %get3A_1241] {strides = array<i32>} : memref<256x256xf32, #tpu.memory_space<vmem>>, vector<1x16xf32>,
      %get3A_1243 = vector.shape_cast %get3A_1242 : vector<1x16xf32> to vector<16xf32>
      %slice3A_1244 = vector.extract_strided_slice %get3A_277 {offsets = [3], sizes = [1], strides = [1]} : vector<16xf32> to vector<1xf32>
      %squeeze3A_1245 = vector.extract %slice3A_1244[0] : f32 from vector<1xf32>
      %mul3A_1246 = vector.broadcast %squeeze3A_1245 : f32 to vector<16xf32>
      %mul3A_1247 = arith.mulf %get3A_1243, %mul3A_1246 : vector<16xf32>
      %add3A_1248 = arith.addf %add3A_1235, %mul3A_1247 : vector<16xf32>
      %mul3A_1249 = arith.constant 16 : i32
      %mul3A_1250 = arith.muli %scan3A_272, %mul3A_1249 : i32
      %add3A_1251 = arith.constant 4 : i32
      %add3A_1252 = arith.addi %mul3A_1250, %add3A_1251 : i32
      %get3A_1253 = arith.index_cast %add3A_1252 : i32 to index
      %get3A_1254 = arith.constant 112 : index
      %get3A_1255 = tpu.vector_load %arg10[%get3A_1253, %get3A_1254] {strides = array<i32>} : memref<256x256xf32, #tpu.memory_space<vmem>>, vector<1x16xf32>,
      %get3A_1256 = vector.shape_cast %get3A_1255 : vector<1x16xf32> to vector<16xf32>
      %slice3A_1257 = vector.extract_strided_slice %get3A_277 {offsets = [4], sizes = [1], strides = [1]} : vector<16xf32> to vector<1xf32>
      %squeeze3A_1258 = vector.extract %slice3A_1257[0] : f32 from vector<1xf32>
      %mul3A_1259 = vector.broadcast %squeeze3A_1258 : f32 to vector<16xf32>
      %mul3A_1260 = arith.mulf %get3A_1256, %mul3A_1259 : vector<16xf32>
      %add3A_1261 = arith.addf %add3A_1248, %mul3A_1260 : vector<16xf32>
      %mul3A_1262 = arith.constant 16 : i32
      %mul3A_1263 = arith.muli %scan3A_272, %mul3A_1262 : i32
      %add3A_1264 = arith.constant 5 : i32
      %add3A_1265 = arith.addi %mul3A_1263, %add3A_1264 : i32
      %get3A_1266 = arith.index_cast %add3A_1265 : i32 to index
      %get3A_1267 = arith.constant 112 : index
      %get3A_1268 = tpu.vector_load %arg10[%get3A_1266, %get3A_1267] {strides = array<i32>} : memref<256x256xf32, #tpu.memory_space<vmem>>, vector<1x16xf32>,
      %get3A_1269 = vector.shape_cast %get3A_1268 : vector<1x16xf32> to vector<16xf32>
      %slice3A_1270 = vector.extract_strided_slice %get3A_277 {offsets = [5], sizes = [1], strides = [1]} : vector<16xf32> to vector<1xf32>
      %squeeze3A_1271 = vector.extract %slice3A_1270[0] : f32 from vector<1xf32>
      %mul3A_1272 = vector.broadcast %squeeze3A_1271 : f32 to vector<16xf32>
      %mul3A_1273 = arith.mulf %get3A_1269, %mul3A_1272 : vector<16xf32>
      %add3A_1274 = arith.addf %add3A_1261, %mul3A_1273 : vector<16xf32>
      %mul3A_1275 = arith.constant 16 : i32
      %mul3A_1276 = arith.muli %scan3A_272, %mul3A_1275 : i32
      %add3A_1277 = arith.constant 6 : i32
      %add3A_1278 = arith.addi %mul3A_1276, %add3A_1277 : i32
      %get3A_1279 = arith.index_cast %add3A_1278 : i32 to index
      %get3A_1280 = arith.constant 112 : index
      %get3A_1281 = tpu.vector_load %arg10[%get3A_1279, %get3A_1280] {strides = array<i32>} : memref<256x256xf32, #tpu.memory_space<vmem>>, vector<1x16xf32>,
      %get3A_1282 = vector.shape_cast %get3A_1281 : vector<1x16xf32> to vector<16xf32>
      %slice3A_1283 = vector.extract_strided_slice %get3A_277 {offsets = [6], sizes = [1], strides = [1]} : vector<16xf32> to vector<1xf32>
      %squeeze3A_1284 = vector.extract %slice3A_1283[0] : f32 from vector<1xf32>
      %mul3A_1285 = vector.broadcast %squeeze3A_1284 : f32 to vector<16xf32>
      %mul3A_1286 = arith.mulf %get3A_1282, %mul3A_1285 : vector<16xf32>
      %add3A_1287 = arith.addf %add3A_1274, %mul3A_1286 : vector<16xf32>
      %mul3A_1288 = arith.constant 16 : i32
      %mul3A_1289 = arith.muli %scan3A_272, %mul3A_1288 : i32
      %add3A_1290 = arith.constant 7 : i32
      %add3A_1291 = arith.addi %mul3A_1289, %add3A_1290 : i32
      %get3A_1292 = arith.index_cast %add3A_1291 : i32 to index
      %get3A_1293 = arith.constant 112 : index
      %get3A_1294 = tpu.vector_load %arg10[%get3A_1292, %get3A_1293] {strides = array<i32>} : memref<256x256xf32, #tpu.memory_space<vmem>>, vector<1x16xf32>,
      %get3A_1295 = vector.shape_cast %get3A_1294 : vector<1x16xf32> to vector<16xf32>
      %slice3A_1296 = vector.extract_strided_slice %get3A_277 {offsets = [7], sizes = [1], strides = [1]} : vector<16xf32> to vector<1xf32>
      %squeeze3A_1297 = vector.extract %slice3A_1296[0] : f32 from vector<1xf32>
      %mul3A_1298 = vector.broadcast %squeeze3A_1297 : f32 to vector<16xf32>
      %mul3A_1299 = arith.mulf %get3A_1295, %mul3A_1298 : vector<16xf32>
      %add3A_1300 = arith.addf %add3A_1287, %mul3A_1299 : vector<16xf32>
      %mul3A_1301 = arith.constant 16 : i32
      %mul3A_1302 = arith.muli %scan3A_272, %mul3A_1301 : i32
      %add3A_1303 = arith.constant 8 : i32
      %add3A_1304 = arith.addi %mul3A_1302, %add3A_1303 : i32
      %get3A_1305 = arith.index_cast %add3A_1304 : i32 to index
      %get3A_1306 = arith.constant 112 : index
      %get3A_1307 = tpu.vector_load %arg10[%get3A_1305, %get3A_1306] {strides = array<i32>} : memref<256x256xf32, #tpu.memory_space<vmem>>, vector<1x16xf32>,
      %get3A_1308 = vector.shape_cast %get3A_1307 : vector<1x16xf32> to vector<16xf32>
      %slice3A_1309 = vector.extract_strided_slice %get3A_277 {offsets = [8], sizes = [1], strides = [1]} : vector<16xf32> to vector<1xf32>
      %squeeze3A_1310 = vector.extract %slice3A_1309[0] : f32 from vector<1xf32>
      %mul3A_1311 = vector.broadcast %squeeze3A_1310 : f32 to vector<16xf32>
      %mul3A_1312 = arith.mulf %get3A_1308, %mul3A_1311 : vector<16xf32>
      %add3A_1313 = arith.addf %add3A_1300, %mul3A_1312 : vector<16xf32>
      %mul3A_1314 = arith.constant 16 : i32
      %mul3A_1315 = arith.muli %scan3A_272, %mul3A_1314 : i32
      %add3A_1316 = arith.constant 9 : i32
      %add3A_1317 = arith.addi %mul3A_1315, %add3A_1316 : i32
      %get3A_1318 = arith.index_cast %add3A_1317 : i32 to index
      %get3A_1319 = arith.constant 112 : index
      %get3A_1320 = tpu.vector_load %arg10[%get3A_1318, %get3A_1319] {strides = array<i32>} : memref<256x256xf32, #tpu.memory_space<vmem>>, vector<1x16xf32>,
      %get3A_1321 = vector.shape_cast %get3A_1320 : vector<1x16xf32> to vector<16xf32>
      %slice3A_1322 = vector.extract_strided_slice %get3A_277 {offsets = [9], sizes = [1], strides = [1]} : vector<16xf32> to vector<1xf32>
      %squeeze3A_1323 = vector.extract %slice3A_1322[0] : f32 from vector<1xf32>
      %mul3A_1324 = vector.broadcast %squeeze3A_1323 : f32 to vector<16xf32>
      %mul3A_1325 = arith.mulf %get3A_1321, %mul3A_1324 : vector<16xf32>
      %add3A_1326 = arith.addf %add3A_1313, %mul3A_1325 : vector<16xf32>
      %swap3A_1327 = arith.index_cast %scan3A_272 : i32 to index
      %swap3A_1328 = arith.constant 112 : index
      %swap3A_1329 = tpu.vector_load %arg11[%swap3A_1327, %swap3A_1328] {strides = array<i32>} : memref<16x256xf32, #tpu.memory_space<vmem>>, vector<1x16xf32>,
      %swap3A_1330 = vector.shape_cast %swap3A_1329 : vector<1x16xf32> to vector<16xf32>
      %swap3A_1331 = vector.shape_cast %add3A_1326 : vector<16xf32> to vector<1x16xf32>
      tpu.vector_store %arg11[%swap3A_1327, %swap3A_1328], %swap3A_1331 {strides = array<i32>} : memref<16x256xf32, #tpu.memory_space<vmem>>, vector<1x16xf32>,
      %mul3A_1332 = arith.constant 16 : i32
      %mul3A_1333 = arith.muli %scan3A_272, %mul3A_1332 : i32
      %get3A_1334 = arith.index_cast %mul3A_1333 : i32 to index
      %get3A_1335 = arith.constant 128 : index
      %get3A_1336 = tpu.vector_load %arg10[%get3A_1334, %get3A_1335] {strides = array<i32>} : memref<256x256xf32, #tpu.memory_space<vmem>>, vector<1x16xf32>,
      %get3A_1337 = vector.shape_cast %get3A_1336 : vector<1x16xf32> to vector<16xf32>
      %slice3A_1338 = vector.extract_strided_slice %get3A_277 {offsets = [0], sizes = [1], strides = [1]} : vector<16xf32> to vector<1xf32>
      %squeeze3A_1339 = vector.extract %slice3A_1338[0] : f32 from vector<1xf32>
      %mul3A_1340 = vector.broadcast %squeeze3A_1339 : f32 to vector<16xf32>
      %mul3A_1341 = arith.mulf %get3A_1337, %mul3A_1340 : vector<16xf32>
      %mul3A_1342 = arith.constant 16 : i32
      %mul3A_1343 = arith.muli %scan3A_272, %mul3A_1342 : i32
      %add3A_1344 = arith.constant 1 : i32
      %add3A_1345 = arith.addi %mul3A_1343, %add3A_1344 : i32
      %get3A_1346 = arith.index_cast %add3A_1345 : i32 to index
      %get3A_1347 = arith.constant 128 : index
      %get3A_1348 = tpu.vector_load %arg10[%get3A_1346, %get3A_1347] {strides = array<i32>} : memref<256x256xf32, #tpu.memory_space<vmem>>, vector<1x16xf32>,
      %get3A_1349 = vector.shape_cast %get3A_1348 : vector<1x16xf32> to vector<16xf32>
      %slice3A_1350 = vector.extract_strided_slice %get3A_277 {offsets = [1], sizes = [1], strides = [1]} : vector<16xf32> to vector<1xf32>
      %squeeze3A_1351 = vector.extract %slice3A_1350[0] : f32 from vector<1xf32>
      %mul3A_1352 = vector.broadcast %squeeze3A_1351 : f32 to vector<16xf32>
      %mul3A_1353 = arith.mulf %get3A_1349, %mul3A_1352 : vector<16xf32>
      %add3A_1354 = arith.addf %mul3A_1341, %mul3A_1353 : vector<16xf32>
      %mul3A_1355 = arith.constant 16 : i32
      %mul3A_1356 = arith.muli %scan3A_272, %mul3A_1355 : i32
      %add3A_1357 = arith.constant 2 : i32
      %add3A_1358 = arith.addi %mul3A_1356, %add3A_1357 : i32
      %get3A_1359 = arith.index_cast %add3A_1358 : i32 to index
      %get3A_1360 = arith.constant 128 : index
      %get3A_1361 = tpu.vector_load %arg10[%get3A_1359, %get3A_1360] {strides = array<i32>} : memref<256x256xf32, #tpu.memory_space<vmem>>, vector<1x16xf32>,
      %get3A_1362 = vector.shape_cast %get3A_1361 : vector<1x16xf32> to vector<16xf32>
      %slice3A_1363 = vector.extract_strided_slice %get3A_277 {offsets = [2], sizes = [1], strides = [1]} : vector<16xf32> to vector<1xf32>
      %squeeze3A_1364 = vector.extract %slice3A_1363[0] : f32 from vector<1xf32>
      %mul3A_1365 = vector.broadcast %squeeze3A_1364 : f32 to vector<16xf32>
      %mul3A_1366 = arith.mulf %get3A_1362, %mul3A_1365 : vector<16xf32>
      %add3A_1367 = arith.addf %add3A_1354, %mul3A_1366 : vector<16xf32>
      %mul3A_1368 = arith.constant 16 : i32
      %mul3A_1369 = arith.muli %scan3A_272, %mul3A_1368 : i32
      %add3A_1370 = arith.constant 3 : i32
      %add3A_1371 = arith.addi %mul3A_1369, %add3A_1370 : i32
      %get3A_1372 = arith.index_cast %add3A_1371 : i32 to index
      %get3A_1373 = arith.constant 128 : index
      %get3A_1374 = tpu.vector_load %arg10[%get3A_1372, %get3A_1373] {strides = array<i32>} : memref<256x256xf32, #tpu.memory_space<vmem>>, vector<1x16xf32>,
      %get3A_1375 = vector.shape_cast %get3A_1374 : vector<1x16xf32> to vector<16xf32>
      %slice3A_1376 = vector.extract_strided_slice %get3A_277 {offsets = [3], sizes = [1], strides = [1]} : vector<16xf32> to vector<1xf32>
      %squeeze3A_1377 = vector.extract %slice3A_1376[0] : f32 from vector<1xf32>
      %mul3A_1378 = vector.broadcast %squeeze3A_1377 : f32 to vector<16xf32>
      %mul3A_1379 = arith.mulf %get3A_1375, %mul3A_1378 : vector<16xf32>
      %add3A_1380 = arith.addf %add3A_1367, %mul3A_1379 : vector<16xf32>
      %mul3A_1381 = arith.constant 16 : i32
      %mul3A_1382 = arith.muli %scan3A_272, %mul3A_1381 : i32
      %add3A_1383 = arith.constant 4 : i32
      %add3A_1384 = arith.addi %mul3A_1382, %add3A_1383 : i32
      %get3A_1385 = arith.index_cast %add3A_1384 : i32 to index
      %get3A_1386 = arith.constant 128 : index
      %get3A_1387 = tpu.vector_load %arg10[%get3A_1385, %get3A_1386] {strides = array<i32>} : memref<256x256xf32, #tpu.memory_space<vmem>>, vector<1x16xf32>,
      %get3A_1388 = vector.shape_cast %get3A_1387 : vector<1x16xf32> to vector<16xf32>
      %slice3A_1389 = vector.extract_strided_slice %get3A_277 {offsets = [4], sizes = [1], strides = [1]} : vector<16xf32> to vector<1xf32>
      %squeeze3A_1390 = vector.extract %slice3A_1389[0] : f32 from vector<1xf32>
      %mul3A_1391 = vector.broadcast %squeeze3A_1390 : f32 to vector<16xf32>
      %mul3A_1392 = arith.mulf %get3A_1388, %mul3A_1391 : vector<16xf32>
      %add3A_1393 = arith.addf %add3A_1380, %mul3A_1392 : vector<16xf32>
      %mul3A_1394 = arith.constant 16 : i32
      %mul3A_1395 = arith.muli %scan3A_272, %mul3A_1394 : i32
      %add3A_1396 = arith.constant 5 : i32
      %add3A_1397 = arith.addi %mul3A_1395, %add3A_1396 : i32
      %get3A_1398 = arith.index_cast %add3A_1397 : i32 to index
      %get3A_1399 = arith.constant 128 : index
      %get3A_1400 = tpu.vector_load %arg10[%get3A_1398, %get3A_1399] {strides = array<i32>} : memref<256x256xf32, #tpu.memory_space<vmem>>, vector<1x16xf32>,
      %get3A_1401 = vector.shape_cast %get3A_1400 : vector<1x16xf32> to vector<16xf32>
      %slice3A_1402 = vector.extract_strided_slice %get3A_277 {offsets = [5], sizes = [1], strides = [1]} : vector<16xf32> to vector<1xf32>
      %squeeze3A_1403 = vector.extract %slice3A_1402[0] : f32 from vector<1xf32>
      %mul3A_1404 = vector.broadcast %squeeze3A_1403 : f32 to vector<16xf32>
      %mul3A_1405 = arith.mulf %get3A_1401, %mul3A_1404 : vector<16xf32>
      %add3A_1406 = arith.addf %add3A_1393, %mul3A_1405 : vector<16xf32>
      %mul3A_1407 = arith.constant 16 : i32
      %mul3A_1408 = arith.muli %scan3A_272, %mul3A_1407 : i32
      %add3A_1409 = arith.constant 6 : i32
      %add3A_1410 = arith.addi %mul3A_1408, %add3A_1409 : i32
      %get3A_1411 = arith.index_cast %add3A_1410 : i32 to index
      %get3A_1412 = arith.constant 128 : index
      %get3A_1413 = tpu.vector_load %arg10[%get3A_1411, %get3A_1412] {strides = array<i32>} : memref<256x256xf32, #tpu.memory_space<vmem>>, vector<1x16xf32>,
      %get3A_1414 = vector.shape_cast %get3A_1413 : vector<1x16xf32> to vector<16xf32>
      %slice3A_1415 = vector.extract_strided_slice %get3A_277 {offsets = [6], sizes = [1], strides = [1]} : vector<16xf32> to vector<1xf32>
      %squeeze3A_1416 = vector.extract %slice3A_1415[0] : f32 from vector<1xf32>
      %mul3A_1417 = vector.broadcast %squeeze3A_1416 : f32 to vector<16xf32>
      %mul3A_1418 = arith.mulf %get3A_1414, %mul3A_1417 : vector<16xf32>
      %add3A_1419 = arith.addf %add3A_1406, %mul3A_1418 : vector<16xf32>
      %mul3A_1420 = arith.constant 16 : i32
      %mul3A_1421 = arith.muli %scan3A_272, %mul3A_1420 : i32
      %add3A_1422 = arith.constant 7 : i32
      %add3A_1423 = arith.addi %mul3A_1421, %add3A_1422 : i32
      %get3A_1424 = arith.index_cast %add3A_1423 : i32 to index
      %get3A_1425 = arith.constant 128 : index
      %get3A_1426 = tpu.vector_load %arg10[%get3A_1424, %get3A_1425] {strides = array<i32>} : memref<256x256xf32, #tpu.memory_space<vmem>>, vector<1x16xf32>,
      %get3A_1427 = vector.shape_cast %get3A_1426 : vector<1x16xf32> to vector<16xf32>
      %slice3A_1428 = vector.extract_strided_slice %get3A_277 {offsets = [7], sizes = [1], strides = [1]} : vector<16xf32> to vector<1xf32>
      %squeeze3A_1429 = vector.extract %slice3A_1428[0] : f32 from vector<1xf32>
      %mul3A_1430 = vector.broadcast %squeeze3A_1429 : f32 to vector<16xf32>
      %mul3A_1431 = arith.mulf %get3A_1427, %mul3A_1430 : vector<16xf32>
      %add3A_1432 = arith.addf %add3A_1419, %mul3A_1431 : vector<16xf32>
      %mul3A_1433 = arith.constant 16 : i32
      %mul3A_1434 = arith.muli %scan3A_272, %mul3A_1433 : i32
      %add3A_1435 = arith.constant 8 : i32
      %add3A_1436 = arith.addi %mul3A_1434, %add3A_1435 : i32
      %get3A_1437 = arith.index_cast %add3A_1436 : i32 to index
      %get3A_1438 = arith.constant 128 : index
      %get3A_1439 = tpu.vector_load %arg10[%get3A_1437, %get3A_1438] {strides = array<i32>} : memref<256x256xf32, #tpu.memory_space<vmem>>, vector<1x16xf32>,
      %get3A_1440 = vector.shape_cast %get3A_1439 : vector<1x16xf32> to vector<16xf32>
      %slice3A_1441 = vector.extract_strided_slice %get3A_277 {offsets = [8], sizes = [1], strides = [1]} : vector<16xf32> to vector<1xf32>
      %squeeze3A_1442 = vector.extract %slice3A_1441[0] : f32 from vector<1xf32>
      %mul3A_1443 = vector.broadcast %squeeze3A_1442 : f32 to vector<16xf32>
      %mul3A_1444 = arith.mulf %get3A_1440, %mul3A_1443 : vector<16xf32>
      %add3A_1445 = arith.addf %add3A_1432, %mul3A_1444 : vector<16xf32>
      %mul3A_1446 = arith.constant 16 : i32
      %mul3A_1447 = arith.muli %scan3A_272, %mul3A_1446 : i32
      %add3A_1448 = arith.constant 9 : i32
      %add3A_1449 = arith.addi %mul3A_1447, %add3A_1448 : i32
      %get3A_1450 = arith.index_cast %add3A_1449 : i32 to index
      %get3A_1451 = arith.constant 128 : index
      %get3A_1452 = tpu.vector_load %arg10[%get3A_1450, %get3A_1451] {strides = array<i32>} : memref<256x256xf32, #tpu.memory_space<vmem>>, vector<1x16xf32>,
      %get3A_1453 = vector.shape_cast %get3A_1452 : vector<1x16xf32> to vector<16xf32>
      %slice3A_1454 = vector.extract_strided_slice %get3A_277 {offsets = [9], sizes = [1], strides = [1]} : vector<16xf32> to vector<1xf32>
      %squeeze3A_1455 = vector.extract %slice3A_1454[0] : f32 from vector<1xf32>
      %mul3A_1456 = vector.broadcast %squeeze3A_1455 : f32 to vector<16xf32>
      %mul3A_1457 = arith.mulf %get3A_1453, %mul3A_1456 : vector<16xf32>
      %add3A_1458 = arith.addf %add3A_1445, %mul3A_1457 : vector<16xf32>
      %swap3A_1459 = arith.index_cast %scan3A_272 : i32 to index
      %swap3A_1460 = arith.constant 128 : index
      %swap3A_1461 = tpu.vector_load %arg11[%swap3A_1459, %swap3A_1460] {strides = array<i32>} : memref<16x256xf32, #tpu.memory_space<vmem>>, vector<1x16xf32>,
      %swap3A_1462 = vector.shape_cast %swap3A_1461 : vector<1x16xf32> to vector<16xf32>
      %swap3A_1463 = vector.shape_cast %add3A_1458 : vector<16xf32> to vector<1x16xf32>
      tpu.vector_store %arg11[%swap3A_1459, %swap3A_1460], %swap3A_1463 {strides = array<i32>} : memref<16x256xf32, #tpu.memory_space<vmem>>, vector<1x16xf32>,
      %mul3A_1464 = arith.constant 16 : i32
      %mul3A_1465 = arith.muli %scan3A_272, %mul3A_1464 : i32
      %get3A_1466 = arith.index_cast %mul3A_1465 : i32 to index
      %get3A_1467 = arith.constant 144 : index
      %get3A_1468 = tpu.vector_load %arg10[%get3A_1466, %get3A_1467] {strides = array<i32>} : memref<256x256xf32, #tpu.memory_space<vmem>>, vector<1x16xf32>,
      %get3A_1469 = vector.shape_cast %get3A_1468 : vector<1x16xf32> to vector<16xf32>
      %slice3A_1470 = vector.extract_strided_slice %get3A_277 {offsets = [0], sizes = [1], strides = [1]} : vector<16xf32> to vector<1xf32>
      %squeeze3A_1471 = vector.extract %slice3A_1470[0] : f32 from vector<1xf32>
      %mul3A_1472 = vector.broadcast %squeeze3A_1471 : f32 to vector<16xf32>
      %mul3A_1473 = arith.mulf %get3A_1469, %mul3A_1472 : vector<16xf32>
      %mul3A_1474 = arith.constant 16 : i32
      %mul3A_1475 = arith.muli %scan3A_272, %mul3A_1474 : i32
      %add3A_1476 = arith.constant 1 : i32
      %add3A_1477 = arith.addi %mul3A_1475, %add3A_1476 : i32
      %get3A_1478 = arith.index_cast %add3A_1477 : i32 to index
      %get3A_1479 = arith.constant 144 : index
      %get3A_1480 = tpu.vector_load %arg10[%get3A_1478, %get3A_1479] {strides = array<i32>} : memref<256x256xf32, #tpu.memory_space<vmem>>, vector<1x16xf32>,
      %get3A_1481 = vector.shape_cast %get3A_1480 : vector<1x16xf32> to vector<16xf32>
      %slice3A_1482 = vector.extract_strided_slice %get3A_277 {offsets = [1], sizes = [1], strides = [1]} : vector<16xf32> to vector<1xf32>
      %squeeze3A_1483 = vector.extract %slice3A_1482[0] : f32 from vector<1xf32>
      %mul3A_1484 = vector.broadcast %squeeze3A_1483 : f32 to vector<16xf32>
      %mul3A_1485 = arith.mulf %get3A_1481, %mul3A_1484 : vector<16xf32>
      %add3A_1486 = arith.addf %mul3A_1473, %mul3A_1485 : vector<16xf32>
      %mul3A_1487 = arith.constant 16 : i32
      %mul3A_1488 = arith.muli %scan3A_272, %mul3A_1487 : i32
      %add3A_1489 = arith.constant 2 : i32
      %add3A_1490 = arith.addi %mul3A_1488, %add3A_1489 : i32
      %get3A_1491 = arith.index_cast %add3A_1490 : i32 to index
      %get3A_1492 = arith.constant 144 : index
      %get3A_1493 = tpu.vector_load %arg10[%get3A_1491, %get3A_1492] {strides = array<i32>} : memref<256x256xf32, #tpu.memory_space<vmem>>, vector<1x16xf32>,
      %get3A_1494 = vector.shape_cast %get3A_1493 : vector<1x16xf32> to vector<16xf32>
      %slice3A_1495 = vector.extract_strided_slice %get3A_277 {offsets = [2], sizes = [1], strides = [1]} : vector<16xf32> to vector<1xf32>
      %squeeze3A_1496 = vector.extract %slice3A_1495[0] : f32 from vector<1xf32>
      %mul3A_1497 = vector.broadcast %squeeze3A_1496 : f32 to vector<16xf32>
      %mul3A_1498 = arith.mulf %get3A_1494, %mul3A_1497 : vector<16xf32>
      %add3A_1499 = arith.addf %add3A_1486, %mul3A_1498 : vector<16xf32>
      %mul3A_1500 = arith.constant 16 : i32
      %mul3A_1501 = arith.muli %scan3A_272, %mul3A_1500 : i32
      %add3A_1502 = arith.constant 3 : i32
      %add3A_1503 = arith.addi %mul3A_1501, %add3A_1502 : i32
      %get3A_1504 = arith.index_cast %add3A_1503 : i32 to index
      %get3A_1505 = arith.constant 144 : index
      %get3A_1506 = tpu.vector_load %arg10[%get3A_1504, %get3A_1505] {strides = array<i32>} : memref<256x256xf32, #tpu.memory_space<vmem>>, vector<1x16xf32>,
      %get3A_1507 = vector.shape_cast %get3A_1506 : vector<1x16xf32> to vector<16xf32>
      %slice3A_1508 = vector.extract_strided_slice %get3A_277 {offsets = [3], sizes = [1], strides = [1]} : vector<16xf32> to vector<1xf32>
      %squeeze3A_1509 = vector.extract %slice3A_1508[0] : f32 from vector<1xf32>
      %mul3A_1510 = vector.broadcast %squeeze3A_1509 : f32 to vector<16xf32>
      %mul3A_1511 = arith.mulf %get3A_1507, %mul3A_1510 : vector<16xf32>
      %add3A_1512 = arith.addf %add3A_1499, %mul3A_1511 : vector<16xf32>
      %mul3A_1513 = arith.constant 16 : i32
      %mul3A_1514 = arith.muli %scan3A_272, %mul3A_1513 : i32
      %add3A_1515 = arith.constant 4 : i32
      %add3A_1516 = arith.addi %mul3A_1514, %add3A_1515 : i32
      %get3A_1517 = arith.index_cast %add3A_1516 : i32 to index
      %get3A_1518 = arith.constant 144 : index
      %get3A_1519 = tpu.vector_load %arg10[%get3A_1517, %get3A_1518] {strides = array<i32>} : memref<256x256xf32, #tpu.memory_space<vmem>>, vector<1x16xf32>,
      %get3A_1520 = vector.shape_cast %get3A_1519 : vector<1x16xf32> to vector<16xf32>
      %slice3A_1521 = vector.extract_strided_slice %get3A_277 {offsets = [4], sizes = [1], strides = [1]} : vector<16xf32> to vector<1xf32>
      %squeeze3A_1522 = vector.extract %slice3A_1521[0] : f32 from vector<1xf32>
      %mul3A_1523 = vector.broadcast %squeeze3A_1522 : f32 to vector<16xf32>
      %mul3A_1524 = arith.mulf %get3A_1520, %mul3A_1523 : vector<16xf32>
      %add3A_1525 = arith.addf %add3A_1512, %mul3A_1524 : vector<16xf32>
      %mul3A_1526 = arith.constant 16 : i32
      %mul3A_1527 = arith.muli %scan3A_272, %mul3A_1526 : i32
      %add3A_1528 = arith.constant 5 : i32
      %add3A_1529 = arith.addi %mul3A_1527, %add3A_1528 : i32
      %get3A_1530 = arith.index_cast %add3A_1529 : i32 to index
      %get3A_1531 = arith.constant 144 : index
      %get3A_1532 = tpu.vector_load %arg10[%get3A_1530, %get3A_1531] {strides = array<i32>} : memref<256x256xf32, #tpu.memory_space<vmem>>, vector<1x16xf32>,
      %get3A_1533 = vector.shape_cast %get3A_1532 : vector<1x16xf32> to vector<16xf32>
      %slice3A_1534 = vector.extract_strided_slice %get3A_277 {offsets = [5], sizes = [1], strides = [1]} : vector<16xf32> to vector<1xf32>
      %squeeze3A_1535 = vector.extract %slice3A_1534[0] : f32 from vector<1xf32>
      %mul3A_1536 = vector.broadcast %squeeze3A_1535 : f32 to vector<16xf32>
      %mul3A_1537 = arith.mulf %get3A_1533, %mul3A_1536 : vector<16xf32>
      %add3A_1538 = arith.addf %add3A_1525, %mul3A_1537 : vector<16xf32>
      %mul3A_1539 = arith.constant 16 : i32
      %mul3A_1540 = arith.muli %scan3A_272, %mul3A_1539 : i32
      %add3A_1541 = arith.constant 6 : i32
      %add3A_1542 = arith.addi %mul3A_1540, %add3A_1541 : i32
      %get3A_1543 = arith.index_cast %add3A_1542 : i32 to index
      %get3A_1544 = arith.constant 144 : index
      %get3A_1545 = tpu.vector_load %arg10[%get3A_1543, %get3A_1544] {strides = array<i32>} : memref<256x256xf32, #tpu.memory_space<vmem>>, vector<1x16xf32>,
      %get3A_1546 = vector.shape_cast %get3A_1545 : vector<1x16xf32> to vector<16xf32>
      %slice3A_1547 = vector.extract_strided_slice %get3A_277 {offsets = [6], sizes = [1], strides = [1]} : vector<16xf32> to vector<1xf32>
      %squeeze3A_1548 = vector.extract %slice3A_1547[0] : f32 from vector<1xf32>
      %mul3A_1549 = vector.broadcast %squeeze3A_1548 : f32 to vector<16xf32>
      %mul3A_1550 = arith.mulf %get3A_1546, %mul3A_1549 : vector<16xf32>
      %add3A_1551 = arith.addf %add3A_1538, %mul3A_1550 : vector<16xf32>
      %mul3A_1552 = arith.constant 16 : i32
      %mul3A_1553 = arith.muli %scan3A_272, %mul3A_1552 : i32
      %add3A_1554 = arith.constant 7 : i32
      %add3A_1555 = arith.addi %mul3A_1553, %add3A_1554 : i32
      %get3A_1556 = arith.index_cast %add3A_1555 : i32 to index
      %get3A_1557 = arith.constant 144 : index
      %get3A_1558 = tpu.vector_load %arg10[%get3A_1556, %get3A_1557] {strides = array<i32>} : memref<256x256xf32, #tpu.memory_space<vmem>>, vector<1x16xf32>,
      %get3A_1559 = vector.shape_cast %get3A_1558 : vector<1x16xf32> to vector<16xf32>
      %slice3A_1560 = vector.extract_strided_slice %get3A_277 {offsets = [7], sizes = [1], strides = [1]} : vector<16xf32> to vector<1xf32>
      %squeeze3A_1561 = vector.extract %slice3A_1560[0] : f32 from vector<1xf32>
      %mul3A_1562 = vector.broadcast %squeeze3A_1561 : f32 to vector<16xf32>
      %mul3A_1563 = arith.mulf %get3A_1559, %mul3A_1562 : vector<16xf32>
      %add3A_1564 = arith.addf %add3A_1551, %mul3A_1563 : vector<16xf32>
      %mul3A_1565 = arith.constant 16 : i32
      %mul3A_1566 = arith.muli %scan3A_272, %mul3A_1565 : i32
      %add3A_1567 = arith.constant 8 : i32
      %add3A_1568 = arith.addi %mul3A_1566, %add3A_1567 : i32
      %get3A_1569 = arith.index_cast %add3A_1568 : i32 to index
      %get3A_1570 = arith.constant 144 : index
      %get3A_1571 = tpu.vector_load %arg10[%get3A_1569, %get3A_1570] {strides = array<i32>} : memref<256x256xf32, #tpu.memory_space<vmem>>, vector<1x16xf32>,
      %get3A_1572 = vector.shape_cast %get3A_1571 : vector<1x16xf32> to vector<16xf32>
      %slice3A_1573 = vector.extract_strided_slice %get3A_277 {offsets = [8], sizes = [1], strides = [1]} : vector<16xf32> to vector<1xf32>
      %squeeze3A_1574 = vector.extract %slice3A_1573[0] : f32 from vector<1xf32>
      %mul3A_1575 = vector.broadcast %squeeze3A_1574 : f32 to vector<16xf32>
      %mul3A_1576 = arith.mulf %get3A_1572, %mul3A_1575 : vector<16xf32>
      %add3A_1577 = arith.addf %add3A_1564, %mul3A_1576 : vector<16xf32>
      %mul3A_1578 = arith.constant 16 : i32
      %mul3A_1579 = arith.muli %scan3A_272, %mul3A_1578 : i32
      %add3A_1580 = arith.constant 9 : i32
      %add3A_1581 = arith.addi %mul3A_1579, %add3A_1580 : i32
      %get3A_1582 = arith.index_cast %add3A_1581 : i32 to index
      %get3A_1583 = arith.constant 144 : index
      %get3A_1584 = tpu.vector_load %arg10[%get3A_1582, %get3A_1583] {strides = array<i32>} : memref<256x256xf32, #tpu.memory_space<vmem>>, vector<1x16xf32>,
      %get3A_1585 = vector.shape_cast %get3A_1584 : vector<1x16xf32> to vector<16xf32>
      %slice3A_1586 = vector.extract_strided_slice %get3A_277 {offsets = [9], sizes = [1], strides = [1]} : vector<16xf32> to vector<1xf32>
      %squeeze3A_1587 = vector.extract %slice3A_1586[0] : f32 from vector<1xf32>
      %mul3A_1588 = vector.broadcast %squeeze3A_1587 : f32 to vector<16xf32>
      %mul3A_1589 = arith.mulf %get3A_1585, %mul3A_1588 : vector<16xf32>
      %add3A_1590 = arith.addf %add3A_1577, %mul3A_1589 : vector<16xf32>
      %swap3A_1591 = arith.index_cast %scan3A_272 : i32 to index
      %swap3A_1592 = arith.constant 144 : index
      %swap3A_1593 = tpu.vector_load %arg11[%swap3A_1591, %swap3A_1592] {strides = array<i32>} : memref<16x256xf32, #tpu.memory_space<vmem>>, vector<1x16xf32>,
      %swap3A_1594 = vector.shape_cast %swap3A_1593 : vector<1x16xf32> to vector<16xf32>
      %swap3A_1595 = vector.shape_cast %add3A_1590 : vector<16xf32> to vector<1x16xf32>
      tpu.vector_store %arg11[%swap3A_1591, %swap3A_1592], %swap3A_1595 {strides = array<i32>} : memref<16x256xf32, #tpu.memory_space<vmem>>, vector<1x16xf32>,
      %mul3A_1596 = arith.constant 16 : i32
      %mul3A_1597 = arith.muli %scan3A_272, %mul3A_1596 : i32
      %get3A_1598 = arith.index_cast %mul3A_1597 : i32 to index
      %get3A_1599 = arith.constant 160 : index
      %get3A_1600 = tpu.vector_load %arg10[%get3A_1598, %get3A_1599] {strides = array<i32>} : memref<256x256xf32, #tpu.memory_space<vmem>>, vector<1x16xf32>,
      %get3A_1601 = vector.shape_cast %get3A_1600 : vector<1x16xf32> to vector<16xf32>
      %slice3A_1602 = vector.extract_strided_slice %get3A_277 {offsets = [0], sizes = [1], strides = [1]} : vector<16xf32> to vector<1xf32>
      %squeeze3A_1603 = vector.extract %slice3A_1602[0] : f32 from vector<1xf32>
      %mul3A_1604 = vector.broadcast %squeeze3A_1603 : f32 to vector<16xf32>
      %mul3A_1605 = arith.mulf %get3A_1601, %mul3A_1604 : vector<16xf32>
      %mul3A_1606 = arith.constant 16 : i32
      %mul3A_1607 = arith.muli %scan3A_272, %mul3A_1606 : i32
      %add3A_1608 = arith.constant 1 : i32
      %add3A_1609 = arith.addi %mul3A_1607, %add3A_1608 : i32
      %get3A_1610 = arith.index_cast %add3A_1609 : i32 to index
      %get3A_1611 = arith.constant 160 : index
      %get3A_1612 = tpu.vector_load %arg10[%get3A_1610, %get3A_1611] {strides = array<i32>} : memref<256x256xf32, #tpu.memory_space<vmem>>, vector<1x16xf32>,
      %get3A_1613 = vector.shape_cast %get3A_1612 : vector<1x16xf32> to vector<16xf32>
      %slice3A_1614 = vector.extract_strided_slice %get3A_277 {offsets = [1], sizes = [1], strides = [1]} : vector<16xf32> to vector<1xf32>
      %squeeze3A_1615 = vector.extract %slice3A_1614[0] : f32 from vector<1xf32>
      %mul3A_1616 = vector.broadcast %squeeze3A_1615 : f32 to vector<16xf32>
      %mul3A_1617 = arith.mulf %get3A_1613, %mul3A_1616 : vector<16xf32>
      %add3A_1618 = arith.addf %mul3A_1605, %mul3A_1617 : vector<16xf32>
      %mul3A_1619 = arith.constant 16 : i32
      %mul3A_1620 = arith.muli %scan3A_272, %mul3A_1619 : i32
      %add3A_1621 = arith.constant 2 : i32
      %add3A_1622 = arith.addi %mul3A_1620, %add3A_1621 : i32
      %get3A_1623 = arith.index_cast %add3A_1622 : i32 to index
      %get3A_1624 = arith.constant 160 : index
      %get3A_1625 = tpu.vector_load %arg10[%get3A_1623, %get3A_1624] {strides = array<i32>} : memref<256x256xf32, #tpu.memory_space<vmem>>, vector<1x16xf32>,
      %get3A_1626 = vector.shape_cast %get3A_1625 : vector<1x16xf32> to vector<16xf32>
      %slice3A_1627 = vector.extract_strided_slice %get3A_277 {offsets = [2], sizes = [1], strides = [1]} : vector<16xf32> to vector<1xf32>
      %squeeze3A_1628 = vector.extract %slice3A_1627[0] : f32 from vector<1xf32>
      %mul3A_1629 = vector.broadcast %squeeze3A_1628 : f32 to vector<16xf32>
      %mul3A_1630 = arith.mulf %get3A_1626, %mul3A_1629 : vector<16xf32>
      %add3A_1631 = arith.addf %add3A_1618, %mul3A_1630 : vector<16xf32>
      %mul3A_1632 = arith.constant 16 : i32
      %mul3A_1633 = arith.muli %scan3A_272, %mul3A_1632 : i32
      %add3A_1634 = arith.constant 3 : i32
      %add3A_1635 = arith.addi %mul3A_1633, %add3A_1634 : i32
      %get3A_1636 = arith.index_cast %add3A_1635 : i32 to index
      %get3A_1637 = arith.constant 160 : index
      %get3A_1638 = tpu.vector_load %arg10[%get3A_1636, %get3A_1637] {strides = array<i32>} : memref<256x256xf32, #tpu.memory_space<vmem>>, vector<1x16xf32>,
      %get3A_1639 = vector.shape_cast %get3A_1638 : vector<1x16xf32> to vector<16xf32>
      %slice3A_1640 = vector.extract_strided_slice %get3A_277 {offsets = [3], sizes = [1], strides = [1]} : vector<16xf32> to vector<1xf32>
      %squeeze3A_1641 = vector.extract %slice3A_1640[0] : f32 from vector<1xf32>
      %mul3A_1642 = vector.broadcast %squeeze3A_1641 : f32 to vector<16xf32>
      %mul3A_1643 = arith.mulf %get3A_1639, %mul3A_1642 : vector<16xf32>
      %add3A_1644 = arith.addf %add3A_1631, %mul3A_1643 : vector<16xf32>
      %mul3A_1645 = arith.constant 16 : i32
      %mul3A_1646 = arith.muli %scan3A_272, %mul3A_1645 : i32
      %add3A_1647 = arith.constant 4 : i32
      %add3A_1648 = arith.addi %mul3A_1646, %add3A_1647 : i32
      %get3A_1649 = arith.index_cast %add3A_1648 : i32 to index
      %get3A_1650 = arith.constant 160 : index
      %get3A_1651 = tpu.vector_load %arg10[%get3A_1649, %get3A_1650] {strides = array<i32>} : memref<256x256xf32, #tpu.memory_space<vmem>>, vector<1x16xf32>,
      %get3A_1652 = vector.shape_cast %get3A_1651 : vector<1x16xf32> to vector<16xf32>
      %slice3A_1653 = vector.extract_strided_slice %get3A_277 {offsets = [4], sizes = [1], strides = [1]} : vector<16xf32> to vector<1xf32>
      %squeeze3A_1654 = vector.extract %slice3A_1653[0] : f32 from vector<1xf32>
      %mul3A_1655 = vector.broadcast %squeeze3A_1654 : f32 to vector<16xf32>
      %mul3A_1656 = arith.mulf %get3A_1652, %mul3A_1655 : vector<16xf32>
      %add3A_1657 = arith.addf %add3A_1644, %mul3A_1656 : vector<16xf32>
      %mul3A_1658 = arith.constant 16 : i32
      %mul3A_1659 = arith.muli %scan3A_272, %mul3A_1658 : i32
      %add3A_1660 = arith.constant 5 : i32
      %add3A_1661 = arith.addi %mul3A_1659, %add3A_1660 : i32
      %get3A_1662 = arith.index_cast %add3A_1661 : i32 to index
      %get3A_1663 = arith.constant 160 : index
      %get3A_1664 = tpu.vector_load %arg10[%get3A_1662, %get3A_1663] {strides = array<i32>} : memref<256x256xf32, #tpu.memory_space<vmem>>, vector<1x16xf32>,
      %get3A_1665 = vector.shape_cast %get3A_1664 : vector<1x16xf32> to vector<16xf32>
      %slice3A_1666 = vector.extract_strided_slice %get3A_277 {offsets = [5], sizes = [1], strides = [1]} : vector<16xf32> to vector<1xf32>
      %squeeze3A_1667 = vector.extract %slice3A_1666[0] : f32 from vector<1xf32>
      %mul3A_1668 = vector.broadcast %squeeze3A_1667 : f32 to vector<16xf32>
      %mul3A_1669 = arith.mulf %get3A_1665, %mul3A_1668 : vector<16xf32>
      %add3A_1670 = arith.addf %add3A_1657, %mul3A_1669 : vector<16xf32>
      %mul3A_1671 = arith.constant 16 : i32
      %mul3A_1672 = arith.muli %scan3A_272, %mul3A_1671 : i32
      %add3A_1673 = arith.constant 6 : i32
      %add3A_1674 = arith.addi %mul3A_1672, %add3A_1673 : i32
      %get3A_1675 = arith.index_cast %add3A_1674 : i32 to index
      %get3A_1676 = arith.constant 160 : index
      %get3A_1677 = tpu.vector_load %arg10[%get3A_1675, %get3A_1676] {strides = array<i32>} : memref<256x256xf32, #tpu.memory_space<vmem>>, vector<1x16xf32>,
      %get3A_1678 = vector.shape_cast %get3A_1677 : vector<1x16xf32> to vector<16xf32>
      %slice3A_1679 = vector.extract_strided_slice %get3A_277 {offsets = [6], sizes = [1], strides = [1]} : vector<16xf32> to vector<1xf32>
      %squeeze3A_1680 = vector.extract %slice3A_1679[0] : f32 from vector<1xf32>
      %mul3A_1681 = vector.broadcast %squeeze3A_1680 : f32 to vector<16xf32>
      %mul3A_1682 = arith.mulf %get3A_1678, %mul3A_1681 : vector<16xf32>
      %add3A_1683 = arith.addf %add3A_1670, %mul3A_1682 : vector<16xf32>
      %mul3A_1684 = arith.constant 16 : i32
      %mul3A_1685 = arith.muli %scan3A_272, %mul3A_1684 : i32
      %add3A_1686 = arith.constant 7 : i32
      %add3A_1687 = arith.addi %mul3A_1685, %add3A_1686 : i32
      %get3A_1688 = arith.index_cast %add3A_1687 : i32 to index
      %get3A_1689 = arith.constant 160 : index
      %get3A_1690 = tpu.vector_load %arg10[%get3A_1688, %get3A_1689] {strides = array<i32>} : memref<256x256xf32, #tpu.memory_space<vmem>>, vector<1x16xf32>,
      %get3A_1691 = vector.shape_cast %get3A_1690 : vector<1x16xf32> to vector<16xf32>
      %slice3A_1692 = vector.extract_strided_slice %get3A_277 {offsets = [7], sizes = [1], strides = [1]} : vector<16xf32> to vector<1xf32>
      %squeeze3A_1693 = vector.extract %slice3A_1692[0] : f32 from vector<1xf32>
      %mul3A_1694 = vector.broadcast %squeeze3A_1693 : f32 to vector<16xf32>
      %mul3A_1695 = arith.mulf %get3A_1691, %mul3A_1694 : vector<16xf32>
      %add3A_1696 = arith.addf %add3A_1683, %mul3A_1695 : vector<16xf32>
      %mul3A_1697 = arith.constant 16 : i32
      %mul3A_1698 = arith.muli %scan3A_272, %mul3A_1697 : i32
      %add3A_1699 = arith.constant 8 : i32
      %add3A_1700 = arith.addi %mul3A_1698, %add3A_1699 : i32
      %get3A_1701 = arith.index_cast %add3A_1700 : i32 to index
      %get3A_1702 = arith.constant 160 : index
      %get3A_1703 = tpu.vector_load %arg10[%get3A_1701, %get3A_1702] {strides = array<i32>} : memref<256x256xf32, #tpu.memory_space<vmem>>, vector<1x16xf32>,
      %get3A_1704 = vector.shape_cast %get3A_1703 : vector<1x16xf32> to vector<16xf32>
      %slice3A_1705 = vector.extract_strided_slice %get3A_277 {offsets = [8], sizes = [1], strides = [1]} : vector<16xf32> to vector<1xf32>
      %squeeze3A_1706 = vector.extract %slice3A_1705[0] : f32 from vector<1xf32>
      %mul3A_1707 = vector.broadcast %squeeze3A_1706 : f32 to vector<16xf32>
      %mul3A_1708 = arith.mulf %get3A_1704, %mul3A_1707 : vector<16xf32>
      %add3A_1709 = arith.addf %add3A_1696, %mul3A_1708 : vector<16xf32>
      %mul3A_1710 = arith.constant 16 : i32
      %mul3A_1711 = arith.muli %scan3A_272, %mul3A_1710 : i32
      %add3A_1712 = arith.constant 9 : i32
      %add3A_1713 = arith.addi %mul3A_1711, %add3A_1712 : i32
      %get3A_1714 = arith.index_cast %add3A_1713 : i32 to index
      %get3A_1715 = arith.constant 160 : index
      %get3A_1716 = tpu.vector_load %arg10[%get3A_1714, %get3A_1715] {strides = array<i32>} : memref<256x256xf32, #tpu.memory_space<vmem>>, vector<1x16xf32>,
      %get3A_1717 = vector.shape_cast %get3A_1716 : vector<1x16xf32> to vector<16xf32>
      %slice3A_1718 = vector.extract_strided_slice %get3A_277 {offsets = [9], sizes = [1], strides = [1]} : vector<16xf32> to vector<1xf32>
      %squeeze3A_1719 = vector.extract %slice3A_1718[0] : f32 from vector<1xf32>
      %mul3A_1720 = vector.broadcast %squeeze3A_1719 : f32 to vector<16xf32>
      %mul3A_1721 = arith.mulf %get3A_1717, %mul3A_1720 : vector<16xf32>
      %add3A_1722 = arith.addf %add3A_1709, %mul3A_1721 : vector<16xf32>
      %swap3A_1723 = arith.index_cast %scan3A_272 : i32 to index
      %swap3A_1724 = arith.constant 160 : index
      %swap3A_1725 = tpu.vector_load %arg11[%swap3A_1723, %swap3A_1724] {strides = array<i32>} : memref<16x256xf32, #tpu.memory_space<vmem>>, vector<1x16xf32>,
      %swap3A_1726 = vector.shape_cast %swap3A_1725 : vector<1x16xf32> to vector<16xf32>
      %swap3A_1727 = vector.shape_cast %add3A_1722 : vector<16xf32> to vector<1x16xf32>
      tpu.vector_store %arg11[%swap3A_1723, %swap3A_1724], %swap3A_1727 {strides = array<i32>} : memref<16x256xf32, #tpu.memory_space<vmem>>, vector<1x16xf32>,
      %mul3A_1728 = arith.constant 16 : i32
      %mul3A_1729 = arith.muli %scan3A_272, %mul3A_1728 : i32
      %get3A_1730 = arith.index_cast %mul3A_1729 : i32 to index
      %get3A_1731 = arith.constant 176 : index
      %get3A_1732 = tpu.vector_load %arg10[%get3A_1730, %get3A_1731] {strides = array<i32>} : memref<256x256xf32, #tpu.memory_space<vmem>>, vector<1x16xf32>,
      %get3A_1733 = vector.shape_cast %get3A_1732 : vector<1x16xf32> to vector<16xf32>
      %slice3A_1734 = vector.extract_strided_slice %get3A_277 {offsets = [0], sizes = [1], strides = [1]} : vector<16xf32> to vector<1xf32>
      %squeeze3A_1735 = vector.extract %slice3A_1734[0] : f32 from vector<1xf32>
      %mul3A_1736 = vector.broadcast %squeeze3A_1735 : f32 to vector<16xf32>
      %mul3A_1737 = arith.mulf %get3A_1733, %mul3A_1736 : vector<16xf32>
      %mul3A_1738 = arith.constant 16 : i32
      %mul3A_1739 = arith.muli %scan3A_272, %mul3A_1738 : i32
      %add3A_1740 = arith.constant 1 : i32
      %add3A_1741 = arith.addi %mul3A_1739, %add3A_1740 : i32
      %get3A_1742 = arith.index_cast %add3A_1741 : i32 to index
      %get3A_1743 = arith.constant 176 : index
      %get3A_1744 = tpu.vector_load %arg10[%get3A_1742, %get3A_1743] {strides = array<i32>} : memref<256x256xf32, #tpu.memory_space<vmem>>, vector<1x16xf32>,
      %get3A_1745 = vector.shape_cast %get3A_1744 : vector<1x16xf32> to vector<16xf32>
      %slice3A_1746 = vector.extract_strided_slice %get3A_277 {offsets = [1], sizes = [1], strides = [1]} : vector<16xf32> to vector<1xf32>
      %squeeze3A_1747 = vector.extract %slice3A_1746[0] : f32 from vector<1xf32>
      %mul3A_1748 = vector.broadcast %squeeze3A_1747 : f32 to vector<16xf32>
      %mul3A_1749 = arith.mulf %get3A_1745, %mul3A_1748 : vector<16xf32>
      %add3A_1750 = arith.addf %mul3A_1737, %mul3A_1749 : vector<16xf32>
      %mul3A_1751 = arith.constant 16 : i32
      %mul3A_1752 = arith.muli %scan3A_272, %mul3A_1751 : i32
      %add3A_1753 = arith.constant 2 : i32
      %add3A_1754 = arith.addi %mul3A_1752, %add3A_1753 : i32
      %get3A_1755 = arith.index_cast %add3A_1754 : i32 to index
      %get3A_1756 = arith.constant 176 : index
      %get3A_1757 = tpu.vector_load %arg10[%get3A_1755, %get3A_1756] {strides = array<i32>} : memref<256x256xf32, #tpu.memory_space<vmem>>, vector<1x16xf32>,
      %get3A_1758 = vector.shape_cast %get3A_1757 : vector<1x16xf32> to vector<16xf32>
      %slice3A_1759 = vector.extract_strided_slice %get3A_277 {offsets = [2], sizes = [1], strides = [1]} : vector<16xf32> to vector<1xf32>
      %squeeze3A_1760 = vector.extract %slice3A_1759[0] : f32 from vector<1xf32>
      %mul3A_1761 = vector.broadcast %squeeze3A_1760 : f32 to vector<16xf32>
      %mul3A_1762 = arith.mulf %get3A_1758, %mul3A_1761 : vector<16xf32>
      %add3A_1763 = arith.addf %add3A_1750, %mul3A_1762 : vector<16xf32>
      %mul3A_1764 = arith.constant 16 : i32
      %mul3A_1765 = arith.muli %scan3A_272, %mul3A_1764 : i32
      %add3A_1766 = arith.constant 3 : i32
      %add3A_1767 = arith.addi %mul3A_1765, %add3A_1766 : i32
      %get3A_1768 = arith.index_cast %add3A_1767 : i32 to index
      %get3A_1769 = arith.constant 176 : index
      %get3A_1770 = tpu.vector_load %arg10[%get3A_1768, %get3A_1769] {strides = array<i32>} : memref<256x256xf32, #tpu.memory_space<vmem>>, vector<1x16xf32>,
      %get3A_1771 = vector.shape_cast %get3A_1770 : vector<1x16xf32> to vector<16xf32>
      %slice3A_1772 = vector.extract_strided_slice %get3A_277 {offsets = [3], sizes = [1], strides = [1]} : vector<16xf32> to vector<1xf32>
      %squeeze3A_1773 = vector.extract %slice3A_1772[0] : f32 from vector<1xf32>
      %mul3A_1774 = vector.broadcast %squeeze3A_1773 : f32 to vector<16xf32>
      %mul3A_1775 = arith.mulf %get3A_1771, %mul3A_1774 : vector<16xf32>
      %add3A_1776 = arith.addf %add3A_1763, %mul3A_1775 : vector<16xf32>
      %mul3A_1777 = arith.constant 16 : i32
      %mul3A_1778 = arith.muli %scan3A_272, %mul3A_1777 : i32
      %add3A_1779 = arith.constant 4 : i32
      %add3A_1780 = arith.addi %mul3A_1778, %add3A_1779 : i32
      %get3A_1781 = arith.index_cast %add3A_1780 : i32 to index
      %get3A_1782 = arith.constant 176 : index
      %get3A_1783 = tpu.vector_load %arg10[%get3A_1781, %get3A_1782] {strides = array<i32>} : memref<256x256xf32, #tpu.memory_space<vmem>>, vector<1x16xf32>,
      %get3A_1784 = vector.shape_cast %get3A_1783 : vector<1x16xf32> to vector<16xf32>
      %slice3A_1785 = vector.extract_strided_slice %get3A_277 {offsets = [4], sizes = [1], strides = [1]} : vector<16xf32> to vector<1xf32>
      %squeeze3A_1786 = vector.extract %slice3A_1785[0] : f32 from vector<1xf32>
      %mul3A_1787 = vector.broadcast %squeeze3A_1786 : f32 to vector<16xf32>
      %mul3A_1788 = arith.mulf %get3A_1784, %mul3A_1787 : vector<16xf32>
      %add3A_1789 = arith.addf %add3A_1776, %mul3A_1788 : vector<16xf32>
      %mul3A_1790 = arith.constant 16 : i32
      %mul3A_1791 = arith.muli %scan3A_272, %mul3A_1790 : i32
      %add3A_1792 = arith.constant 5 : i32
      %add3A_1793 = arith.addi %mul3A_1791, %add3A_1792 : i32
      %get3A_1794 = arith.index_cast %add3A_1793 : i32 to index
      %get3A_1795 = arith.constant 176 : index
      %get3A_1796 = tpu.vector_load %arg10[%get3A_1794, %get3A_1795] {strides = array<i32>} : memref<256x256xf32, #tpu.memory_space<vmem>>, vector<1x16xf32>,
      %get3A_1797 = vector.shape_cast %get3A_1796 : vector<1x16xf32> to vector<16xf32>
      %slice3A_1798 = vector.extract_strided_slice %get3A_277 {offsets = [5], sizes = [1], strides = [1]} : vector<16xf32> to vector<1xf32>
      %squeeze3A_1799 = vector.extract %slice3A_1798[0] : f32 from vector<1xf32>
      %mul3A_1800 = vector.broadcast %squeeze3A_1799 : f32 to vector<16xf32>
      %mul3A_1801 = arith.mulf %get3A_1797, %mul3A_1800 : vector<16xf32>
      %add3A_1802 = arith.addf %add3A_1789, %mul3A_1801 : vector<16xf32>
      %mul3A_1803 = arith.constant 16 : i32
      %mul3A_1804 = arith.muli %scan3A_272, %mul3A_1803 : i32
      %add3A_1805 = arith.constant 6 : i32
      %add3A_1806 = arith.addi %mul3A_1804, %add3A_1805 : i32
      %get3A_1807 = arith.index_cast %add3A_1806 : i32 to index
      %get3A_1808 = arith.constant 176 : index
      %get3A_1809 = tpu.vector_load %arg10[%get3A_1807, %get3A_1808] {strides = array<i32>} : memref<256x256xf32, #tpu.memory_space<vmem>>, vector<1x16xf32>,
      %get3A_1810 = vector.shape_cast %get3A_1809 : vector<1x16xf32> to vector<16xf32>
      %slice3A_1811 = vector.extract_strided_slice %get3A_277 {offsets = [6], sizes = [1], strides = [1]} : vector<16xf32> to vector<1xf32>
      %squeeze3A_1812 = vector.extract %slice3A_1811[0] : f32 from vector<1xf32>
      %mul3A_1813 = vector.broadcast %squeeze3A_1812 : f32 to vector<16xf32>
      %mul3A_1814 = arith.mulf %get3A_1810, %mul3A_1813 : vector<16xf32>
      %add3A_1815 = arith.addf %add3A_1802, %mul3A_1814 : vector<16xf32>
      %mul3A_1816 = arith.constant 16 : i32
      %mul3A_1817 = arith.muli %scan3A_272, %mul3A_1816 : i32
      %add3A_1818 = arith.constant 7 : i32
      %add3A_1819 = arith.addi %mul3A_1817, %add3A_1818 : i32
      %get3A_1820 = arith.index_cast %add3A_1819 : i32 to index
      %get3A_1821 = arith.constant 176 : index
      %get3A_1822 = tpu.vector_load %arg10[%get3A_1820, %get3A_1821] {strides = array<i32>} : memref<256x256xf32, #tpu.memory_space<vmem>>, vector<1x16xf32>,
      %get3A_1823 = vector.shape_cast %get3A_1822 : vector<1x16xf32> to vector<16xf32>
      %slice3A_1824 = vector.extract_strided_slice %get3A_277 {offsets = [7], sizes = [1], strides = [1]} : vector<16xf32> to vector<1xf32>
      %squeeze3A_1825 = vector.extract %slice3A_1824[0] : f32 from vector<1xf32>
      %mul3A_1826 = vector.broadcast %squeeze3A_1825 : f32 to vector<16xf32>
      %mul3A_1827 = arith.mulf %get3A_1823, %mul3A_1826 : vector<16xf32>
      %add3A_1828 = arith.addf %add3A_1815, %mul3A_1827 : vector<16xf32>
      %mul3A_1829 = arith.constant 16 : i32
      %mul3A_1830 = arith.muli %scan3A_272, %mul3A_1829 : i32
      %add3A_1831 = arith.constant 8 : i32
      %add3A_1832 = arith.addi %mul3A_1830, %add3A_1831 : i32
      %get3A_1833 = arith.index_cast %add3A_1832 : i32 to index
      %get3A_1834 = arith.constant 176 : index
      %get3A_1835 = tpu.vector_load %arg10[%get3A_1833, %get3A_1834] {strides = array<i32>} : memref<256x256xf32, #tpu.memory_space<vmem>>, vector<1x16xf32>,
      %get3A_1836 = vector.shape_cast %get3A_1835 : vector<1x16xf32> to vector<16xf32>
      %slice3A_1837 = vector.extract_strided_slice %get3A_277 {offsets = [8], sizes = [1], strides = [1]} : vector<16xf32> to vector<1xf32>
      %squeeze3A_1838 = vector.extract %slice3A_1837[0] : f32 from vector<1xf32>
      %mul3A_1839 = vector.broadcast %squeeze3A_1838 : f32 to vector<16xf32>
      %mul3A_1840 = arith.mulf %get3A_1836, %mul3A_1839 : vector<16xf32>
      %add3A_1841 = arith.addf %add3A_1828, %mul3A_1840 : vector<16xf32>
      %mul3A_1842 = arith.constant 16 : i32
      %mul3A_1843 = arith.muli %scan3A_272, %mul3A_1842 : i32
      %add3A_1844 = arith.constant 9 : i32
      %add3A_1845 = arith.addi %mul3A_1843, %add3A_1844 : i32
      %get3A_1846 = arith.index_cast %add3A_1845 : i32 to index
      %get3A_1847 = arith.constant 176 : index
      %get3A_1848 = tpu.vector_load %arg10[%get3A_1846, %get3A_1847] {strides = array<i32>} : memref<256x256xf32, #tpu.memory_space<vmem>>, vector<1x16xf32>,
      %get3A_1849 = vector.shape_cast %get3A_1848 : vector<1x16xf32> to vector<16xf32>
      %slice3A_1850 = vector.extract_strided_slice %get3A_277 {offsets = [9], sizes = [1], strides = [1]} : vector<16xf32> to vector<1xf32>
      %squeeze3A_1851 = vector.extract %slice3A_1850[0] : f32 from vector<1xf32>
      %mul3A_1852 = vector.broadcast %squeeze3A_1851 : f32 to vector<16xf32>
      %mul3A_1853 = arith.mulf %get3A_1849, %mul3A_1852 : vector<16xf32>
      %add3A_1854 = arith.addf %add3A_1841, %mul3A_1853 : vector<16xf32>
      %swap3A_1855 = arith.index_cast %scan3A_272 : i32 to index
      %swap3A_1856 = arith.constant 176 : index
      %swap3A_1857 = tpu.vector_load %arg11[%swap3A_1855, %swap3A_1856] {strides = array<i32>} : memref<16x256xf32, #tpu.memory_space<vmem>>, vector<1x16xf32>,
      %swap3A_1858 = vector.shape_cast %swap3A_1857 : vector<1x16xf32> to vector<16xf32>
      %swap3A_1859 = vector.shape_cast %add3A_1854 : vector<16xf32> to vector<1x16xf32>
      tpu.vector_store %arg11[%swap3A_1855, %swap3A_1856], %swap3A_1859 {strides = array<i32>} : memref<16x256xf32, #tpu.memory_space<vmem>>, vector<1x16xf32>,
      %mul3A_1860 = arith.constant 16 : i32
      %mul3A_1861 = arith.muli %scan3A_272, %mul3A_1860 : i32
      %get3A_1862 = arith.index_cast %mul3A_1861 : i32 to index
      %get3A_1863 = arith.constant 192 : index
      %get3A_1864 = tpu.vector_load %arg10[%get3A_1862, %get3A_1863] {strides = array<i32>} : memref<256x256xf32, #tpu.memory_space<vmem>>, vector<1x16xf32>,
      %get3A_1865 = vector.shape_cast %get3A_1864 : vector<1x16xf32> to vector<16xf32>
      %slice3A_1866 = vector.extract_strided_slice %get3A_277 {offsets = [0], sizes = [1], strides = [1]} : vector<16xf32> to vector<1xf32>
      %squeeze3A_1867 = vector.extract %slice3A_1866[0] : f32 from vector<1xf32>
      %mul3A_1868 = vector.broadcast %squeeze3A_1867 : f32 to vector<16xf32>
      %mul3A_1869 = arith.mulf %get3A_1865, %mul3A_1868 : vector<16xf32>
      %mul3A_1870 = arith.constant 16 : i32
      %mul3A_1871 = arith.muli %scan3A_272, %mul3A_1870 : i32
      %add3A_1872 = arith.constant 1 : i32
      %add3A_1873 = arith.addi %mul3A_1871, %add3A_1872 : i32
      %get3A_1874 = arith.index_cast %add3A_1873 : i32 to index
      %get3A_1875 = arith.constant 192 : index
      %get3A_1876 = tpu.vector_load %arg10[%get3A_1874, %get3A_1875] {strides = array<i32>} : memref<256x256xf32, #tpu.memory_space<vmem>>, vector<1x16xf32>,
      %get3A_1877 = vector.shape_cast %get3A_1876 : vector<1x16xf32> to vector<16xf32>
      %slice3A_1878 = vector.extract_strided_slice %get3A_277 {offsets = [1], sizes = [1], strides = [1]} : vector<16xf32> to vector<1xf32>
      %squeeze3A_1879 = vector.extract %slice3A_1878[0] : f32 from vector<1xf32>
      %mul3A_1880 = vector.broadcast %squeeze3A_1879 : f32 to vector<16xf32>
      %mul3A_1881 = arith.mulf %get3A_1877, %mul3A_1880 : vector<16xf32>
      %add3A_1882 = arith.addf %mul3A_1869, %mul3A_1881 : vector<16xf32>
      %mul3A_1883 = arith.constant 16 : i32
      %mul3A_1884 = arith.muli %scan3A_272, %mul3A_1883 : i32
      %add3A_1885 = arith.constant 2 : i32
      %add3A_1886 = arith.addi %mul3A_1884, %add3A_1885 : i32
      %get3A_1887 = arith.index_cast %add3A_1886 : i32 to index
      %get3A_1888 = arith.constant 192 : index
      %get3A_1889 = tpu.vector_load %arg10[%get3A_1887, %get3A_1888] {strides = array<i32>} : memref<256x256xf32, #tpu.memory_space<vmem>>, vector<1x16xf32>,
      %get3A_1890 = vector.shape_cast %get3A_1889 : vector<1x16xf32> to vector<16xf32>
      %slice3A_1891 = vector.extract_strided_slice %get3A_277 {offsets = [2], sizes = [1], strides = [1]} : vector<16xf32> to vector<1xf32>
      %squeeze3A_1892 = vector.extract %slice3A_1891[0] : f32 from vector<1xf32>
      %mul3A_1893 = vector.broadcast %squeeze3A_1892 : f32 to vector<16xf32>
      %mul3A_1894 = arith.mulf %get3A_1890, %mul3A_1893 : vector<16xf32>
      %add3A_1895 = arith.addf %add3A_1882, %mul3A_1894 : vector<16xf32>
      %mul3A_1896 = arith.constant 16 : i32
      %mul3A_1897 = arith.muli %scan3A_272, %mul3A_1896 : i32
      %add3A_1898 = arith.constant 3 : i32
      %add3A_1899 = arith.addi %mul3A_1897, %add3A_1898 : i32
      %get3A_1900 = arith.index_cast %add3A_1899 : i32 to index
      %get3A_1901 = arith.constant 192 : index
      %get3A_1902 = tpu.vector_load %arg10[%get3A_1900, %get3A_1901] {strides = array<i32>} : memref<256x256xf32, #tpu.memory_space<vmem>>, vector<1x16xf32>,
      %get3A_1903 = vector.shape_cast %get3A_1902 : vector<1x16xf32> to vector<16xf32>
      %slice3A_1904 = vector.extract_strided_slice %get3A_277 {offsets = [3], sizes = [1], strides = [1]} : vector<16xf32> to vector<1xf32>
      %squeeze3A_1905 = vector.extract %slice3A_1904[0] : f32 from vector<1xf32>
      %mul3A_1906 = vector.broadcast %squeeze3A_1905 : f32 to vector<16xf32>
      %mul3A_1907 = arith.mulf %get3A_1903, %mul3A_1906 : vector<16xf32>
      %add3A_1908 = arith.addf %add3A_1895, %mul3A_1907 : vector<16xf32>
      %mul3A_1909 = arith.constant 16 : i32
      %mul3A_1910 = arith.muli %scan3A_272, %mul3A_1909 : i32
      %add3A_1911 = arith.constant 4 : i32
      %add3A_1912 = arith.addi %mul3A_1910, %add3A_1911 : i32
      %get3A_1913 = arith.index_cast %add3A_1912 : i32 to index
      %get3A_1914 = arith.constant 192 : index
      %get3A_1915 = tpu.vector_load %arg10[%get3A_1913, %get3A_1914] {strides = array<i32>} : memref<256x256xf32, #tpu.memory_space<vmem>>, vector<1x16xf32>,
      %get3A_1916 = vector.shape_cast %get3A_1915 : vector<1x16xf32> to vector<16xf32>
      %slice3A_1917 = vector.extract_strided_slice %get3A_277 {offsets = [4], sizes = [1], strides = [1]} : vector<16xf32> to vector<1xf32>
      %squeeze3A_1918 = vector.extract %slice3A_1917[0] : f32 from vector<1xf32>
      %mul3A_1919 = vector.broadcast %squeeze3A_1918 : f32 to vector<16xf32>
      %mul3A_1920 = arith.mulf %get3A_1916, %mul3A_1919 : vector<16xf32>
      %add3A_1921 = arith.addf %add3A_1908, %mul3A_1920 : vector<16xf32>
      %mul3A_1922 = arith.constant 16 : i32
      %mul3A_1923 = arith.muli %scan3A_272, %mul3A_1922 : i32
      %add3A_1924 = arith.constant 5 : i32
      %add3A_1925 = arith.addi %mul3A_1923, %add3A_1924 : i32
      %get3A_1926 = arith.index_cast %add3A_1925 : i32 to index
      %get3A_1927 = arith.constant 192 : index
      %get3A_1928 = tpu.vector_load %arg10[%get3A_1926, %get3A_1927] {strides = array<i32>} : memref<256x256xf32, #tpu.memory_space<vmem>>, vector<1x16xf32>,
      %get3A_1929 = vector.shape_cast %get3A_1928 : vector<1x16xf32> to vector<16xf32>
      %slice3A_1930 = vector.extract_strided_slice %get3A_277 {offsets = [5], sizes = [1], strides = [1]} : vector<16xf32> to vector<1xf32>
      %squeeze3A_1931 = vector.extract %slice3A_1930[0] : f32 from vector<1xf32>
      %mul3A_1932 = vector.broadcast %squeeze3A_1931 : f32 to vector<16xf32>
      %mul3A_1933 = arith.mulf %get3A_1929, %mul3A_1932 : vector<16xf32>
      %add3A_1934 = arith.addf %add3A_1921, %mul3A_1933 : vector<16xf32>
      %mul3A_1935 = arith.constant 16 : i32
      %mul3A_1936 = arith.muli %scan3A_272, %mul3A_1935 : i32
      %add3A_1937 = arith.constant 6 : i32
      %add3A_1938 = arith.addi %mul3A_1936, %add3A_1937 : i32
      %get3A_1939 = arith.index_cast %add3A_1938 : i32 to index
      %get3A_1940 = arith.constant 192 : index
      %get3A_1941 = tpu.vector_load %arg10[%get3A_1939, %get3A_1940] {strides = array<i32>} : memref<256x256xf32, #tpu.memory_space<vmem>>, vector<1x16xf32>,
      %get3A_1942 = vector.shape_cast %get3A_1941 : vector<1x16xf32> to vector<16xf32>
      %slice3A_1943 = vector.extract_strided_slice %get3A_277 {offsets = [6], sizes = [1], strides = [1]} : vector<16xf32> to vector<1xf32>
      %squeeze3A_1944 = vector.extract %slice3A_1943[0] : f32 from vector<1xf32>
      %mul3A_1945 = vector.broadcast %squeeze3A_1944 : f32 to vector<16xf32>
      %mul3A_1946 = arith.mulf %get3A_1942, %mul3A_1945 : vector<16xf32>
      %add3A_1947 = arith.addf %add3A_1934, %mul3A_1946 : vector<16xf32>
      %mul3A_1948 = arith.constant 16 : i32
      %mul3A_1949 = arith.muli %scan3A_272, %mul3A_1948 : i32
      %add3A_1950 = arith.constant 7 : i32
      %add3A_1951 = arith.addi %mul3A_1949, %add3A_1950 : i32
      %get3A_1952 = arith.index_cast %add3A_1951 : i32 to index
      %get3A_1953 = arith.constant 192 : index
      %get3A_1954 = tpu.vector_load %arg10[%get3A_1952, %get3A_1953] {strides = array<i32>} : memref<256x256xf32, #tpu.memory_space<vmem>>, vector<1x16xf32>,
      %get3A_1955 = vector.shape_cast %get3A_1954 : vector<1x16xf32> to vector<16xf32>
      %slice3A_1956 = vector.extract_strided_slice %get3A_277 {offsets = [7], sizes = [1], strides = [1]} : vector<16xf32> to vector<1xf32>
      %squeeze3A_1957 = vector.extract %slice3A_1956[0] : f32 from vector<1xf32>
      %mul3A_1958 = vector.broadcast %squeeze3A_1957 : f32 to vector<16xf32>
      %mul3A_1959 = arith.mulf %get3A_1955, %mul3A_1958 : vector<16xf32>
      %add3A_1960 = arith.addf %add3A_1947, %mul3A_1959 : vector<16xf32>
      %mul3A_1961 = arith.constant 16 : i32
      %mul3A_1962 = arith.muli %scan3A_272, %mul3A_1961 : i32
      %add3A_1963 = arith.constant 8 : i32
      %add3A_1964 = arith.addi %mul3A_1962, %add3A_1963 : i32
      %get3A_1965 = arith.index_cast %add3A_1964 : i32 to index
      %get3A_1966 = arith.constant 192 : index
      %get3A_1967 = tpu.vector_load %arg10[%get3A_1965, %get3A_1966] {strides = array<i32>} : memref<256x256xf32, #tpu.memory_space<vmem>>, vector<1x16xf32>,
      %get3A_1968 = vector.shape_cast %get3A_1967 : vector<1x16xf32> to vector<16xf32>
      %slice3A_1969 = vector.extract_strided_slice %get3A_277 {offsets = [8], sizes = [1], strides = [1]} : vector<16xf32> to vector<1xf32>
      %squeeze3A_1970 = vector.extract %slice3A_1969[0] : f32 from vector<1xf32>
      %mul3A_1971 = vector.broadcast %squeeze3A_1970 : f32 to vector<16xf32>
      %mul3A_1972 = arith.mulf %get3A_1968, %mul3A_1971 : vector<16xf32>
      %add3A_1973 = arith.addf %add3A_1960, %mul3A_1972 : vector<16xf32>
      %mul3A_1974 = arith.constant 16 : i32
      %mul3A_1975 = arith.muli %scan3A_272, %mul3A_1974 : i32
      %add3A_1976 = arith.constant 9 : i32
      %add3A_1977 = arith.addi %mul3A_1975, %add3A_1976 : i32
      %get3A_1978 = arith.index_cast %add3A_1977 : i32 to index
      %get3A_1979 = arith.constant 192 : index
      %get3A_1980 = tpu.vector_load %arg10[%get3A_1978, %get3A_1979] {strides = array<i32>} : memref<256x256xf32, #tpu.memory_space<vmem>>, vector<1x16xf32>,
      %get3A_1981 = vector.shape_cast %get3A_1980 : vector<1x16xf32> to vector<16xf32>
      %slice3A_1982 = vector.extract_strided_slice %get3A_277 {offsets = [9], sizes = [1], strides = [1]} : vector<16xf32> to vector<1xf32>
      %squeeze3A_1983 = vector.extract %slice3A_1982[0] : f32 from vector<1xf32>
      %mul3A_1984 = vector.broadcast %squeeze3A_1983 : f32 to vector<16xf32>
      %mul3A_1985 = arith.mulf %get3A_1981, %mul3A_1984 : vector<16xf32>
      %add3A_1986 = arith.addf %add3A_1973, %mul3A_1985 : vector<16xf32>
      %swap3A_1987 = arith.index_cast %scan3A_272 : i32 to index
      %swap3A_1988 = arith.constant 192 : index
      %swap3A_1989 = tpu.vector_load %arg11[%swap3A_1987, %swap3A_1988] {strides = array<i32>} : memref<16x256xf32, #tpu.memory_space<vmem>>, vector<1x16xf32>,
      %swap3A_1990 = vector.shape_cast %swap3A_1989 : vector<1x16xf32> to vector<16xf32>
      %swap3A_1991 = vector.shape_cast %add3A_1986 : vector<16xf32> to vector<1x16xf32>
      tpu.vector_store %arg11[%swap3A_1987, %swap3A_1988], %swap3A_1991 {strides = array<i32>} : memref<16x256xf32, #tpu.memory_space<vmem>>, vector<1x16xf32>,
      %mul3A_1992 = arith.constant 16 : i32
      %mul3A_1993 = arith.muli %scan3A_272, %mul3A_1992 : i32
      %get3A_1994 = arith.index_cast %mul3A_1993 : i32 to index
      %get3A_1995 = arith.constant 208 : index
      %get3A_1996 = tpu.vector_load %arg10[%get3A_1994, %get3A_1995] {strides = array<i32>} : memref<256x256xf32, #tpu.memory_space<vmem>>, vector<1x16xf32>,
      %get3A_1997 = vector.shape_cast %get3A_1996 : vector<1x16xf32> to vector<16xf32>
      %slice3A_1998 = vector.extract_strided_slice %get3A_277 {offsets = [0], sizes = [1], strides = [1]} : vector<16xf32> to vector<1xf32>
      %squeeze3A_1999 = vector.extract %slice3A_1998[0] : f32 from vector<1xf32>
      %mul3A_2000 = vector.broadcast %squeeze3A_1999 : f32 to vector<16xf32>
      %mul3A_2001 = arith.mulf %get3A_1997, %mul3A_2000 : vector<16xf32>
      %mul3A_2002 = arith.constant 16 : i32
      %mul3A_2003 = arith.muli %scan3A_272, %mul3A_2002 : i32
      %add3A_2004 = arith.constant 1 : i32
      %add3A_2005 = arith.addi %mul3A_2003, %add3A_2004 : i32
      %get3A_2006 = arith.index_cast %add3A_2005 : i32 to index
      %get3A_2007 = arith.constant 208 : index
      %get3A_2008 = tpu.vector_load %arg10[%get3A_2006, %get3A_2007] {strides = array<i32>} : memref<256x256xf32, #tpu.memory_space<vmem>>, vector<1x16xf32>,
      %get3A_2009 = vector.shape_cast %get3A_2008 : vector<1x16xf32> to vector<16xf32>
      %slice3A_2010 = vector.extract_strided_slice %get3A_277 {offsets = [1], sizes = [1], strides = [1]} : vector<16xf32> to vector<1xf32>
      %squeeze3A_2011 = vector.extract %slice3A_2010[0] : f32 from vector<1xf32>
      %mul3A_2012 = vector.broadcast %squeeze3A_2011 : f32 to vector<16xf32>
      %mul3A_2013 = arith.mulf %get3A_2009, %mul3A_2012 : vector<16xf32>
      %add3A_2014 = arith.addf %mul3A_2001, %mul3A_2013 : vector<16xf32>
      %mul3A_2015 = arith.constant 16 : i32
      %mul3A_2016 = arith.muli %scan3A_272, %mul3A_2015 : i32
      %add3A_2017 = arith.constant 2 : i32
      %add3A_2018 = arith.addi %mul3A_2016, %add3A_2017 : i32
      %get3A_2019 = arith.index_cast %add3A_2018 : i32 to index
      %get3A_2020 = arith.constant 208 : index
      %get3A_2021 = tpu.vector_load %arg10[%get3A_2019, %get3A_2020] {strides = array<i32>} : memref<256x256xf32, #tpu.memory_space<vmem>>, vector<1x16xf32>,
      %get3A_2022 = vector.shape_cast %get3A_2021 : vector<1x16xf32> to vector<16xf32>
      %slice3A_2023 = vector.extract_strided_slice %get3A_277 {offsets = [2], sizes = [1], strides = [1]} : vector<16xf32> to vector<1xf32>
      %squeeze3A_2024 = vector.extract %slice3A_2023[0] : f32 from vector<1xf32>
      %mul3A_2025 = vector.broadcast %squeeze3A_2024 : f32 to vector<16xf32>
      %mul3A_2026 = arith.mulf %get3A_2022, %mul3A_2025 : vector<16xf32>
      %add3A_2027 = arith.addf %add3A_2014, %mul3A_2026 : vector<16xf32>
      %mul3A_2028 = arith.constant 16 : i32
      %mul3A_2029 = arith.muli %scan3A_272, %mul3A_2028 : i32
      %add3A_2030 = arith.constant 3 : i32
      %add3A_2031 = arith.addi %mul3A_2029, %add3A_2030 : i32
      %get3A_2032 = arith.index_cast %add3A_2031 : i32 to index
      %get3A_2033 = arith.constant 208 : index
      %get3A_2034 = tpu.vector_load %arg10[%get3A_2032, %get3A_2033] {strides = array<i32>} : memref<256x256xf32, #tpu.memory_space<vmem>>, vector<1x16xf32>,
      %get3A_2035 = vector.shape_cast %get3A_2034 : vector<1x16xf32> to vector<16xf32>
      %slice3A_2036 = vector.extract_strided_slice %get3A_277 {offsets = [3], sizes = [1], strides = [1]} : vector<16xf32> to vector<1xf32>
      %squeeze3A_2037 = vector.extract %slice3A_2036[0] : f32 from vector<1xf32>
      %mul3A_2038 = vector.broadcast %squeeze3A_2037 : f32 to vector<16xf32>
      %mul3A_2039 = arith.mulf %get3A_2035, %mul3A_2038 : vector<16xf32>
      %add3A_2040 = arith.addf %add3A_2027, %mul3A_2039 : vector<16xf32>
      %mul3A_2041 = arith.constant 16 : i32
      %mul3A_2042 = arith.muli %scan3A_272, %mul3A_2041 : i32
      %add3A_2043 = arith.constant 4 : i32
      %add3A_2044 = arith.addi %mul3A_2042, %add3A_2043 : i32
      %get3A_2045 = arith.index_cast %add3A_2044 : i32 to index
      %get3A_2046 = arith.constant 208 : index
      %get3A_2047 = tpu.vector_load %arg10[%get3A_2045, %get3A_2046] {strides = array<i32>} : memref<256x256xf32, #tpu.memory_space<vmem>>, vector<1x16xf32>,
      %get3A_2048 = vector.shape_cast %get3A_2047 : vector<1x16xf32> to vector<16xf32>
      %slice3A_2049 = vector.extract_strided_slice %get3A_277 {offsets = [4], sizes = [1], strides = [1]} : vector<16xf32> to vector<1xf32>
      %squeeze3A_2050 = vector.extract %slice3A_2049[0] : f32 from vector<1xf32>
      %mul3A_2051 = vector.broadcast %squeeze3A_2050 : f32 to vector<16xf32>
      %mul3A_2052 = arith.mulf %get3A_2048, %mul3A_2051 : vector<16xf32>
      %add3A_2053 = arith.addf %add3A_2040, %mul3A_2052 : vector<16xf32>
      %mul3A_2054 = arith.constant 16 : i32
      %mul3A_2055 = arith.muli %scan3A_272, %mul3A_2054 : i32
      %add3A_2056 = arith.constant 5 : i32
      %add3A_2057 = arith.addi %mul3A_2055, %add3A_2056 : i32
      %get3A_2058 = arith.index_cast %add3A_2057 : i32 to index
      %get3A_2059 = arith.constant 208 : index
      %get3A_2060 = tpu.vector_load %arg10[%get3A_2058, %get3A_2059] {strides = array<i32>} : memref<256x256xf32, #tpu.memory_space<vmem>>, vector<1x16xf32>,
      %get3A_2061 = vector.shape_cast %get3A_2060 : vector<1x16xf32> to vector<16xf32>
      %slice3A_2062 = vector.extract_strided_slice %get3A_277 {offsets = [5], sizes = [1], strides = [1]} : vector<16xf32> to vector<1xf32>
      %squeeze3A_2063 = vector.extract %slice3A_2062[0] : f32 from vector<1xf32>
      %mul3A_2064 = vector.broadcast %squeeze3A_2063 : f32 to vector<16xf32>
      %mul3A_2065 = arith.mulf %get3A_2061, %mul3A_2064 : vector<16xf32>
      %add3A_2066 = arith.addf %add3A_2053, %mul3A_2065 : vector<16xf32>
      %mul3A_2067 = arith.constant 16 : i32
      %mul3A_2068 = arith.muli %scan3A_272, %mul3A_2067 : i32
      %add3A_2069 = arith.constant 6 : i32
      %add3A_2070 = arith.addi %mul3A_2068, %add3A_2069 : i32
      %get3A_2071 = arith.index_cast %add3A_2070 : i32 to index
      %get3A_2072 = arith.constant 208 : index
      %get3A_2073 = tpu.vector_load %arg10[%get3A_2071, %get3A_2072] {strides = array<i32>} : memref<256x256xf32, #tpu.memory_space<vmem>>, vector<1x16xf32>,
      %get3A_2074 = vector.shape_cast %get3A_2073 : vector<1x16xf32> to vector<16xf32>
      %slice3A_2075 = vector.extract_strided_slice %get3A_277 {offsets = [6], sizes = [1], strides = [1]} : vector<16xf32> to vector<1xf32>
      %squeeze3A_2076 = vector.extract %slice3A_2075[0] : f32 from vector<1xf32>
      %mul3A_2077 = vector.broadcast %squeeze3A_2076 : f32 to vector<16xf32>
      %mul3A_2078 = arith.mulf %get3A_2074, %mul3A_2077 : vector<16xf32>
      %add3A_2079 = arith.addf %add3A_2066, %mul3A_2078 : vector<16xf32>
      %mul3A_2080 = arith.constant 16 : i32
      %mul3A_2081 = arith.muli %scan3A_272, %mul3A_2080 : i32
      %add3A_2082 = arith.constant 7 : i32
      %add3A_2083 = arith.addi %mul3A_2081, %add3A_2082 : i32
      %get3A_2084 = arith.index_cast %add3A_2083 : i32 to index
      %get3A_2085 = arith.constant 208 : index
      %get3A_2086 = tpu.vector_load %arg10[%get3A_2084, %get3A_2085] {strides = array<i32>} : memref<256x256xf32, #tpu.memory_space<vmem>>, vector<1x16xf32>,
      %get3A_2087 = vector.shape_cast %get3A_2086 : vector<1x16xf32> to vector<16xf32>
      %slice3A_2088 = vector.extract_strided_slice %get3A_277 {offsets = [7], sizes = [1], strides = [1]} : vector<16xf32> to vector<1xf32>
      %squeeze3A_2089 = vector.extract %slice3A_2088[0] : f32 from vector<1xf32>
      %mul3A_2090 = vector.broadcast %squeeze3A_2089 : f32 to vector<16xf32>
      %mul3A_2091 = arith.mulf %get3A_2087, %mul3A_2090 : vector<16xf32>
      %add3A_2092 = arith.addf %add3A_2079, %mul3A_2091 : vector<16xf32>
      %mul3A_2093 = arith.constant 16 : i32
      %mul3A_2094 = arith.muli %scan3A_272, %mul3A_2093 : i32
      %add3A_2095 = arith.constant 8 : i32
      %add3A_2096 = arith.addi %mul3A_2094, %add3A_2095 : i32
      %get3A_2097 = arith.index_cast %add3A_2096 : i32 to index
      %get3A_2098 = arith.constant 208 : index
      %get3A_2099 = tpu.vector_load %arg10[%get3A_2097, %get3A_2098] {strides = array<i32>} : memref<256x256xf32, #tpu.memory_space<vmem>>, vector<1x16xf32>,
      %get3A_2100 = vector.shape_cast %get3A_2099 : vector<1x16xf32> to vector<16xf32>
      %slice3A_2101 = vector.extract_strided_slice %get3A_277 {offsets = [8], sizes = [1], strides = [1]} : vector<16xf32> to vector<1xf32>
      %squeeze3A_2102 = vector.extract %slice3A_2101[0] : f32 from vector<1xf32>
      %mul3A_2103 = vector.broadcast %squeeze3A_2102 : f32 to vector<16xf32>
      %mul3A_2104 = arith.mulf %get3A_2100, %mul3A_2103 : vector<16xf32>
      %add3A_2105 = arith.addf %add3A_2092, %mul3A_2104 : vector<16xf32>
      %mul3A_2106 = arith.constant 16 : i32
      %mul3A_2107 = arith.muli %scan3A_272, %mul3A_2106 : i32
      %add3A_2108 = arith.constant 9 : i32
      %add3A_2109 = arith.addi %mul3A_2107, %add3A_2108 : i32
      %get3A_2110 = arith.index_cast %add3A_2109 : i32 to index
      %get3A_2111 = arith.constant 208 : index
      %get3A_2112 = tpu.vector_load %arg10[%get3A_2110, %get3A_2111] {strides = array<i32>} : memref<256x256xf32, #tpu.memory_space<vmem>>, vector<1x16xf32>,
      %get3A_2113 = vector.shape_cast %get3A_2112 : vector<1x16xf32> to vector<16xf32>
      %slice3A_2114 = vector.extract_strided_slice %get3A_277 {offsets = [9], sizes = [1], strides = [1]} : vector<16xf32> to vector<1xf32>
      %squeeze3A_2115 = vector.extract %slice3A_2114[0] : f32 from vector<1xf32>
      %mul3A_2116 = vector.broadcast %squeeze3A_2115 : f32 to vector<16xf32>
      %mul3A_2117 = arith.mulf %get3A_2113, %mul3A_2116 : vector<16xf32>
      %add3A_2118 = arith.addf %add3A_2105, %mul3A_2117 : vector<16xf32>
      %swap3A_2119 = arith.index_cast %scan3A_272 : i32 to index
      %swap3A_2120 = arith.constant 208 : index
      %swap3A_2121 = tpu.vector_load %arg11[%swap3A_2119, %swap3A_2120] {strides = array<i32>} : memref<16x256xf32, #tpu.memory_space<vmem>>, vector<1x16xf32>,
      %swap3A_2122 = vector.shape_cast %swap3A_2121 : vector<1x16xf32> to vector<16xf32>
      %swap3A_2123 = vector.shape_cast %add3A_2118 : vector<16xf32> to vector<1x16xf32>
      tpu.vector_store %arg11[%swap3A_2119, %swap3A_2120], %swap3A_2123 {strides = array<i32>} : memref<16x256xf32, #tpu.memory_space<vmem>>, vector<1x16xf32>,
      %mul3A_2124 = arith.constant 16 : i32
      %mul3A_2125 = arith.muli %scan3A_272, %mul3A_2124 : i32
      %get3A_2126 = arith.index_cast %mul3A_2125 : i32 to index
      %get3A_2127 = arith.constant 224 : index
      %get3A_2128 = tpu.vector_load %arg10[%get3A_2126, %get3A_2127] {strides = array<i32>} : memref<256x256xf32, #tpu.memory_space<vmem>>, vector<1x16xf32>,
      %get3A_2129 = vector.shape_cast %get3A_2128 : vector<1x16xf32> to vector<16xf32>
      %slice3A_2130 = vector.extract_strided_slice %get3A_277 {offsets = [0], sizes = [1], strides = [1]} : vector<16xf32> to vector<1xf32>
      %squeeze3A_2131 = vector.extract %slice3A_2130[0] : f32 from vector<1xf32>
      %mul3A_2132 = vector.broadcast %squeeze3A_2131 : f32 to vector<16xf32>
      %mul3A_2133 = arith.mulf %get3A_2129, %mul3A_2132 : vector<16xf32>
      %mul3A_2134 = arith.constant 16 : i32
      %mul3A_2135 = arith.muli %scan3A_272, %mul3A_2134 : i32
      %add3A_2136 = arith.constant 1 : i32
      %add3A_2137 = arith.addi %mul3A_2135, %add3A_2136 : i32
      %get3A_2138 = arith.index_cast %add3A_2137 : i32 to index
      %get3A_2139 = arith.constant 224 : index
      %get3A_2140 = tpu.vector_load %arg10[%get3A_2138, %get3A_2139] {strides = array<i32>} : memref<256x256xf32, #tpu.memory_space<vmem>>, vector<1x16xf32>,
      %get3A_2141 = vector.shape_cast %get3A_2140 : vector<1x16xf32> to vector<16xf32>
      %slice3A_2142 = vector.extract_strided_slice %get3A_277 {offsets = [1], sizes = [1], strides = [1]} : vector<16xf32> to vector<1xf32>
      %squeeze3A_2143 = vector.extract %slice3A_2142[0] : f32 from vector<1xf32>
      %mul3A_2144 = vector.broadcast %squeeze3A_2143 : f32 to vector<16xf32>
      %mul3A_2145 = arith.mulf %get3A_2141, %mul3A_2144 : vector<16xf32>
      %add3A_2146 = arith.addf %mul3A_2133, %mul3A_2145 : vector<16xf32>
      %mul3A_2147 = arith.constant 16 : i32
      %mul3A_2148 = arith.muli %scan3A_272, %mul3A_2147 : i32
      %add3A_2149 = arith.constant 2 : i32
      %add3A_2150 = arith.addi %mul3A_2148, %add3A_2149 : i32
      %get3A_2151 = arith.index_cast %add3A_2150 : i32 to index
      %get3A_2152 = arith.constant 224 : index
      %get3A_2153 = tpu.vector_load %arg10[%get3A_2151, %get3A_2152] {strides = array<i32>} : memref<256x256xf32, #tpu.memory_space<vmem>>, vector<1x16xf32>,
      %get3A_2154 = vector.shape_cast %get3A_2153 : vector<1x16xf32> to vector<16xf32>
      %slice3A_2155 = vector.extract_strided_slice %get3A_277 {offsets = [2], sizes = [1], strides = [1]} : vector<16xf32> to vector<1xf32>
      %squeeze3A_2156 = vector.extract %slice3A_2155[0] : f32 from vector<1xf32>
      %mul3A_2157 = vector.broadcast %squeeze3A_2156 : f32 to vector<16xf32>
      %mul3A_2158 = arith.mulf %get3A_2154, %mul3A_2157 : vector<16xf32>
      %add3A_2159 = arith.addf %add3A_2146, %mul3A_2158 : vector<16xf32>
      %mul3A_2160 = arith.constant 16 : i32
      %mul3A_2161 = arith.muli %scan3A_272, %mul3A_2160 : i32
      %add3A_2162 = arith.constant 3 : i32
      %add3A_2163 = arith.addi %mul3A_2161, %add3A_2162 : i32
      %get3A_2164 = arith.index_cast %add3A_2163 : i32 to index
      %get3A_2165 = arith.constant 224 : index
      %get3A_2166 = tpu.vector_load %arg10[%get3A_2164, %get3A_2165] {strides = array<i32>} : memref<256x256xf32, #tpu.memory_space<vmem>>, vector<1x16xf32>,
      %get3A_2167 = vector.shape_cast %get3A_2166 : vector<1x16xf32> to vector<16xf32>
      %slice3A_2168 = vector.extract_strided_slice %get3A_277 {offsets = [3], sizes = [1], strides = [1]} : vector<16xf32> to vector<1xf32>
      %squeeze3A_2169 = vector.extract %slice3A_2168[0] : f32 from vector<1xf32>
      %mul3A_2170 = vector.broadcast %squeeze3A_2169 : f32 to vector<16xf32>
      %mul3A_2171 = arith.mulf %get3A_2167, %mul3A_2170 : vector<16xf32>
      %add3A_2172 = arith.addf %add3A_2159, %mul3A_2171 : vector<16xf32>
      %mul3A_2173 = arith.constant 16 : i32
      %mul3A_2174 = arith.muli %scan3A_272, %mul3A_2173 : i32
      %add3A_2175 = arith.constant 4 : i32
      %add3A_2176 = arith.addi %mul3A_2174, %add3A_2175 : i32
      %get3A_2177 = arith.index_cast %add3A_2176 : i32 to index
      %get3A_2178 = arith.constant 224 : index
      %get3A_2179 = tpu.vector_load %arg10[%get3A_2177, %get3A_2178] {strides = array<i32>} : memref<256x256xf32, #tpu.memory_space<vmem>>, vector<1x16xf32>,
      %get3A_2180 = vector.shape_cast %get3A_2179 : vector<1x16xf32> to vector<16xf32>
      %slice3A_2181 = vector.extract_strided_slice %get3A_277 {offsets = [4], sizes = [1], strides = [1]} : vector<16xf32> to vector<1xf32>
      %squeeze3A_2182 = vector.extract %slice3A_2181[0] : f32 from vector<1xf32>
      %mul3A_2183 = vector.broadcast %squeeze3A_2182 : f32 to vector<16xf32>
      %mul3A_2184 = arith.mulf %get3A_2180, %mul3A_2183 : vector<16xf32>
      %add3A_2185 = arith.addf %add3A_2172, %mul3A_2184 : vector<16xf32>
      %mul3A_2186 = arith.constant 16 : i32
      %mul3A_2187 = arith.muli %scan3A_272, %mul3A_2186 : i32
      %add3A_2188 = arith.constant 5 : i32
      %add3A_2189 = arith.addi %mul3A_2187, %add3A_2188 : i32
      %get3A_2190 = arith.index_cast %add3A_2189 : i32 to index
      %get3A_2191 = arith.constant 224 : index
      %get3A_2192 = tpu.vector_load %arg10[%get3A_2190, %get3A_2191] {strides = array<i32>} : memref<256x256xf32, #tpu.memory_space<vmem>>, vector<1x16xf32>,
      %get3A_2193 = vector.shape_cast %get3A_2192 : vector<1x16xf32> to vector<16xf32>
      %slice3A_2194 = vector.extract_strided_slice %get3A_277 {offsets = [5], sizes = [1], strides = [1]} : vector<16xf32> to vector<1xf32>
      %squeeze3A_2195 = vector.extract %slice3A_2194[0] : f32 from vector<1xf32>
      %mul3A_2196 = vector.broadcast %squeeze3A_2195 : f32 to vector<16xf32>
      %mul3A_2197 = arith.mulf %get3A_2193, %mul3A_2196 : vector<16xf32>
      %add3A_2198 = arith.addf %add3A_2185, %mul3A_2197 : vector<16xf32>
      %mul3A_2199 = arith.constant 16 : i32
      %mul3A_2200 = arith.muli %scan3A_272, %mul3A_2199 : i32
      %add3A_2201 = arith.constant 6 : i32
      %add3A_2202 = arith.addi %mul3A_2200, %add3A_2201 : i32
      %get3A_2203 = arith.index_cast %add3A_2202 : i32 to index
      %get3A_2204 = arith.constant 224 : index
      %get3A_2205 = tpu.vector_load %arg10[%get3A_2203, %get3A_2204] {strides = array<i32>} : memref<256x256xf32, #tpu.memory_space<vmem>>, vector<1x16xf32>,
      %get3A_2206 = vector.shape_cast %get3A_2205 : vector<1x16xf32> to vector<16xf32>
      %slice3A_2207 = vector.extract_strided_slice %get3A_277 {offsets = [6], sizes = [1], strides = [1]} : vector<16xf32> to vector<1xf32>
      %squeeze3A_2208 = vector.extract %slice3A_2207[0] : f32 from vector<1xf32>
      %mul3A_2209 = vector.broadcast %squeeze3A_2208 : f32 to vector<16xf32>
      %mul3A_2210 = arith.mulf %get3A_2206, %mul3A_2209 : vector<16xf32>
      %add3A_2211 = arith.addf %add3A_2198, %mul3A_2210 : vector<16xf32>
      %mul3A_2212 = arith.constant 16 : i32
      %mul3A_2213 = arith.muli %scan3A_272, %mul3A_2212 : i32
      %add3A_2214 = arith.constant 7 : i32
      %add3A_2215 = arith.addi %mul3A_2213, %add3A_2214 : i32
      %get3A_2216 = arith.index_cast %add3A_2215 : i32 to index
      %get3A_2217 = arith.constant 224 : index
      %get3A_2218 = tpu.vector_load %arg10[%get3A_2216, %get3A_2217] {strides = array<i32>} : memref<256x256xf32, #tpu.memory_space<vmem>>, vector<1x16xf32>,
      %get3A_2219 = vector.shape_cast %get3A_2218 : vector<1x16xf32> to vector<16xf32>
      %slice3A_2220 = vector.extract_strided_slice %get3A_277 {offsets = [7], sizes = [1], strides = [1]} : vector<16xf32> to vector<1xf32>
      %squeeze3A_2221 = vector.extract %slice3A_2220[0] : f32 from vector<1xf32>
      %mul3A_2222 = vector.broadcast %squeeze3A_2221 : f32 to vector<16xf32>
      %mul3A_2223 = arith.mulf %get3A_2219, %mul3A_2222 : vector<16xf32>
      %add3A_2224 = arith.addf %add3A_2211, %mul3A_2223 : vector<16xf32>
      %mul3A_2225 = arith.constant 16 : i32
      %mul3A_2226 = arith.muli %scan3A_272, %mul3A_2225 : i32
      %add3A_2227 = arith.constant 8 : i32
      %add3A_2228 = arith.addi %mul3A_2226, %add3A_2227 : i32
      %get3A_2229 = arith.index_cast %add3A_2228 : i32 to index
      %get3A_2230 = arith.constant 224 : index
      %get3A_2231 = tpu.vector_load %arg10[%get3A_2229, %get3A_2230] {strides = array<i32>} : memref<256x256xf32, #tpu.memory_space<vmem>>, vector<1x16xf32>,
      %get3A_2232 = vector.shape_cast %get3A_2231 : vector<1x16xf32> to vector<16xf32>
      %slice3A_2233 = vector.extract_strided_slice %get3A_277 {offsets = [8], sizes = [1], strides = [1]} : vector<16xf32> to vector<1xf32>
      %squeeze3A_2234 = vector.extract %slice3A_2233[0] : f32 from vector<1xf32>
      %mul3A_2235 = vector.broadcast %squeeze3A_2234 : f32 to vector<16xf32>
      %mul3A_2236 = arith.mulf %get3A_2232, %mul3A_2235 : vector<16xf32>
      %add3A_2237 = arith.addf %add3A_2224, %mul3A_2236 : vector<16xf32>
      %mul3A_2238 = arith.constant 16 : i32
      %mul3A_2239 = arith.muli %scan3A_272, %mul3A_2238 : i32
      %add3A_2240 = arith.constant 9 : i32
      %add3A_2241 = arith.addi %mul3A_2239, %add3A_2240 : i32
      %get3A_2242 = arith.index_cast %add3A_2241 : i32 to index
      %get3A_2243 = arith.constant 224 : index
      %get3A_2244 = tpu.vector_load %arg10[%get3A_2242, %get3A_2243] {strides = array<i32>} : memref<256x256xf32, #tpu.memory_space<vmem>>, vector<1x16xf32>,
      %get3A_2245 = vector.shape_cast %get3A_2244 : vector<1x16xf32> to vector<16xf32>
      %slice3A_2246 = vector.extract_strided_slice %get3A_277 {offsets = [9], sizes = [1], strides = [1]} : vector<16xf32> to vector<1xf32>
      %squeeze3A_2247 = vector.extract %slice3A_2246[0] : f32 from vector<1xf32>
      %mul3A_2248 = vector.broadcast %squeeze3A_2247 : f32 to vector<16xf32>
      %mul3A_2249 = arith.mulf %get3A_2245, %mul3A_2248 : vector<16xf32>
      %add3A_2250 = arith.addf %add3A_2237, %mul3A_2249 : vector<16xf32>
      %swap3A_2251 = arith.index_cast %scan3A_272 : i32 to index
      %swap3A_2252 = arith.constant 224 : index
      %swap3A_2253 = tpu.vector_load %arg11[%swap3A_2251, %swap3A_2252] {strides = array<i32>} : memref<16x256xf32, #tpu.memory_space<vmem>>, vector<1x16xf32>,
      %swap3A_2254 = vector.shape_cast %swap3A_2253 : vector<1x16xf32> to vector<16xf32>
      %swap3A_2255 = vector.shape_cast %add3A_2250 : vector<16xf32> to vector<1x16xf32>
      tpu.vector_store %arg11[%swap3A_2251, %swap3A_2252], %swap3A_2255 {strides = array<i32>} : memref<16x256xf32, #tpu.memory_space<vmem>>, vector<1x16xf32>,
      %mul3A_2256 = arith.constant 16 : i32
      %mul3A_2257 = arith.muli %scan3A_272, %mul3A_2256 : i32
      %get3A_2258 = arith.index_cast %mul3A_2257 : i32 to index
      %get3A_2259 = arith.constant 240 : index
      %get3A_2260 = tpu.vector_load %arg10[%get3A_2258, %get3A_2259] {strides = array<i32>} : memref<256x256xf32, #tpu.memory_space<vmem>>, vector<1x16xf32>,
      %get3A_2261 = vector.shape_cast %get3A_2260 : vector<1x16xf32> to vector<16xf32>
      %slice3A_2262 = vector.extract_strided_slice %get3A_277 {offsets = [0], sizes = [1], strides = [1]} : vector<16xf32> to vector<1xf32>
      %squeeze3A_2263 = vector.extract %slice3A_2262[0] : f32 from vector<1xf32>
      %mul3A_2264 = vector.broadcast %squeeze3A_2263 : f32 to vector<16xf32>
      %mul3A_2265 = arith.mulf %get3A_2261, %mul3A_2264 : vector<16xf32>
      %mul3A_2266 = arith.constant 16 : i32
      %mul3A_2267 = arith.muli %scan3A_272, %mul3A_2266 : i32
      %add3A_2268 = arith.constant 1 : i32
      %add3A_2269 = arith.addi %mul3A_2267, %add3A_2268 : i32
      %get3A_2270 = arith.index_cast %add3A_2269 : i32 to index
      %get3A_2271 = arith.constant 240 : index
      %get3A_2272 = tpu.vector_load %arg10[%get3A_2270, %get3A_2271] {strides = array<i32>} : memref<256x256xf32, #tpu.memory_space<vmem>>, vector<1x16xf32>,
      %get3A_2273 = vector.shape_cast %get3A_2272 : vector<1x16xf32> to vector<16xf32>
      %slice3A_2274 = vector.extract_strided_slice %get3A_277 {offsets = [1], sizes = [1], strides = [1]} : vector<16xf32> to vector<1xf32>
      %squeeze3A_2275 = vector.extract %slice3A_2274[0] : f32 from vector<1xf32>
      %mul3A_2276 = vector.broadcast %squeeze3A_2275 : f32 to vector<16xf32>
      %mul3A_2277 = arith.mulf %get3A_2273, %mul3A_2276 : vector<16xf32>
      %add3A_2278 = arith.addf %mul3A_2265, %mul3A_2277 : vector<16xf32>
      %mul3A_2279 = arith.constant 16 : i32
      %mul3A_2280 = arith.muli %scan3A_272, %mul3A_2279 : i32
      %add3A_2281 = arith.constant 2 : i32
      %add3A_2282 = arith.addi %mul3A_2280, %add3A_2281 : i32
      %get3A_2283 = arith.index_cast %add3A_2282 : i32 to index
      %get3A_2284 = arith.constant 240 : index
      %get3A_2285 = tpu.vector_load %arg10[%get3A_2283, %get3A_2284] {strides = array<i32>} : memref<256x256xf32, #tpu.memory_space<vmem>>, vector<1x16xf32>,
      %get3A_2286 = vector.shape_cast %get3A_2285 : vector<1x16xf32> to vector<16xf32>
      %slice3A_2287 = vector.extract_strided_slice %get3A_277 {offsets = [2], sizes = [1], strides = [1]} : vector<16xf32> to vector<1xf32>
      %squeeze3A_2288 = vector.extract %slice3A_2287[0] : f32 from vector<1xf32>
      %mul3A_2289 = vector.broadcast %squeeze3A_2288 : f32 to vector<16xf32>
      %mul3A_2290 = arith.mulf %get3A_2286, %mul3A_2289 : vector<16xf32>
      %add3A_2291 = arith.addf %add3A_2278, %mul3A_2290 : vector<16xf32>
      %mul3A_2292 = arith.constant 16 : i32
      %mul3A_2293 = arith.muli %scan3A_272, %mul3A_2292 : i32
      %add3A_2294 = arith.constant 3 : i32
      %add3A_2295 = arith.addi %mul3A_2293, %add3A_2294 : i32
      %get3A_2296 = arith.index_cast %add3A_2295 : i32 to index
      %get3A_2297 = arith.constant 240 : index
      %get3A_2298 = tpu.vector_load %arg10[%get3A_2296, %get3A_2297] {strides = array<i32>} : memref<256x256xf32, #tpu.memory_space<vmem>>, vector<1x16xf32>,
      %get3A_2299 = vector.shape_cast %get3A_2298 : vector<1x16xf32> to vector<16xf32>
      %slice3A_2300 = vector.extract_strided_slice %get3A_277 {offsets = [3], sizes = [1], strides = [1]} : vector<16xf32> to vector<1xf32>
      %squeeze3A_2301 = vector.extract %slice3A_2300[0] : f32 from vector<1xf32>
      %mul3A_2302 = vector.broadcast %squeeze3A_2301 : f32 to vector<16xf32>
      %mul3A_2303 = arith.mulf %get3A_2299, %mul3A_2302 : vector<16xf32>
      %add3A_2304 = arith.addf %add3A_2291, %mul3A_2303 : vector<16xf32>
      %mul3A_2305 = arith.constant 16 : i32
      %mul3A_2306 = arith.muli %scan3A_272, %mul3A_2305 : i32
      %add3A_2307 = arith.constant 4 : i32
      %add3A_2308 = arith.addi %mul3A_2306, %add3A_2307 : i32
      %get3A_2309 = arith.index_cast %add3A_2308 : i32 to index
      %get3A_2310 = arith.constant 240 : index
      %get3A_2311 = tpu.vector_load %arg10[%get3A_2309, %get3A_2310] {strides = array<i32>} : memref<256x256xf32, #tpu.memory_space<vmem>>, vector<1x16xf32>,
      %get3A_2312 = vector.shape_cast %get3A_2311 : vector<1x16xf32> to vector<16xf32>
      %slice3A_2313 = vector.extract_strided_slice %get3A_277 {offsets = [4], sizes = [1], strides = [1]} : vector<16xf32> to vector<1xf32>
      %squeeze3A_2314 = vector.extract %slice3A_2313[0] : f32 from vector<1xf32>
      %mul3A_2315 = vector.broadcast %squeeze3A_2314 : f32 to vector<16xf32>
      %mul3A_2316 = arith.mulf %get3A_2312, %mul3A_2315 : vector<16xf32>
      %add3A_2317 = arith.addf %add3A_2304, %mul3A_2316 : vector<16xf32>
      %mul3A_2318 = arith.constant 16 : i32
      %mul3A_2319 = arith.muli %scan3A_272, %mul3A_2318 : i32
      %add3A_2320 = arith.constant 5 : i32
      %add3A_2321 = arith.addi %mul3A_2319, %add3A_2320 : i32
      %get3A_2322 = arith.index_cast %add3A_2321 : i32 to index
      %get3A_2323 = arith.constant 240 : index
      %get3A_2324 = tpu.vector_load %arg10[%get3A_2322, %get3A_2323] {strides = array<i32>} : memref<256x256xf32, #tpu.memory_space<vmem>>, vector<1x16xf32>,
      %get3A_2325 = vector.shape_cast %get3A_2324 : vector<1x16xf32> to vector<16xf32>
      %slice3A_2326 = vector.extract_strided_slice %get3A_277 {offsets = [5], sizes = [1], strides = [1]} : vector<16xf32> to vector<1xf32>
      %squeeze3A_2327 = vector.extract %slice3A_2326[0] : f32 from vector<1xf32>
      %mul3A_2328 = vector.broadcast %squeeze3A_2327 : f32 to vector<16xf32>
      %mul3A_2329 = arith.mulf %get3A_2325, %mul3A_2328 : vector<16xf32>
      %add3A_2330 = arith.addf %add3A_2317, %mul3A_2329 : vector<16xf32>
      %mul3A_2331 = arith.constant 16 : i32
      %mul3A_2332 = arith.muli %scan3A_272, %mul3A_2331 : i32
      %add3A_2333 = arith.constant 6 : i32
      %add3A_2334 = arith.addi %mul3A_2332, %add3A_2333 : i32
      %get3A_2335 = arith.index_cast %add3A_2334 : i32 to index
      %get3A_2336 = arith.constant 240 : index
      %get3A_2337 = tpu.vector_load %arg10[%get3A_2335, %get3A_2336] {strides = array<i32>} : memref<256x256xf32, #tpu.memory_space<vmem>>, vector<1x16xf32>,
      %get3A_2338 = vector.shape_cast %get3A_2337 : vector<1x16xf32> to vector<16xf32>
      %slice3A_2339 = vector.extract_strided_slice %get3A_277 {offsets = [6], sizes = [1], strides = [1]} : vector<16xf32> to vector<1xf32>
      %squeeze3A_2340 = vector.extract %slice3A_2339[0] : f32 from vector<1xf32>
      %mul3A_2341 = vector.broadcast %squeeze3A_2340 : f32 to vector<16xf32>
      %mul3A_2342 = arith.mulf %get3A_2338, %mul3A_2341 : vector<16xf32>
      %add3A_2343 = arith.addf %add3A_2330, %mul3A_2342 : vector<16xf32>
      %mul3A_2344 = arith.constant 16 : i32
      %mul3A_2345 = arith.muli %scan3A_272, %mul3A_2344 : i32
      %add3A_2346 = arith.constant 7 : i32
      %add3A_2347 = arith.addi %mul3A_2345, %add3A_2346 : i32
      %get3A_2348 = arith.index_cast %add3A_2347 : i32 to index
      %get3A_2349 = arith.constant 240 : index
      %get3A_2350 = tpu.vector_load %arg10[%get3A_2348, %get3A_2349] {strides = array<i32>} : memref<256x256xf32, #tpu.memory_space<vmem>>, vector<1x16xf32>,
      %get3A_2351 = vector.shape_cast %get3A_2350 : vector<1x16xf32> to vector<16xf32>
      %slice3A_2352 = vector.extract_strided_slice %get3A_277 {offsets = [7], sizes = [1], strides = [1]} : vector<16xf32> to vector<1xf32>
      %squeeze3A_2353 = vector.extract %slice3A_2352[0] : f32 from vector<1xf32>
      %mul3A_2354 = vector.broadcast %squeeze3A_2353 : f32 to vector<16xf32>
      %mul3A_2355 = arith.mulf %get3A_2351, %mul3A_2354 : vector<16xf32>
      %add3A_2356 = arith.addf %add3A_2343, %mul3A_2355 : vector<16xf32>
      %mul3A_2357 = arith.constant 16 : i32
      %mul3A_2358 = arith.muli %scan3A_272, %mul3A_2357 : i32
      %add3A_2359 = arith.constant 8 : i32
      %add3A_2360 = arith.addi %mul3A_2358, %add3A_2359 : i32
      %get3A_2361 = arith.index_cast %add3A_2360 : i32 to index
      %get3A_2362 = arith.constant 240 : index
      %get3A_2363 = tpu.vector_load %arg10[%get3A_2361, %get3A_2362] {strides = array<i32>} : memref<256x256xf32, #tpu.memory_space<vmem>>, vector<1x16xf32>,
      %get3A_2364 = vector.shape_cast %get3A_2363 : vector<1x16xf32> to vector<16xf32>
      %slice3A_2365 = vector.extract_strided_slice %get3A_277 {offsets = [8], sizes = [1], strides = [1]} : vector<16xf32> to vector<1xf32>
      %squeeze3A_2366 = vector.extract %slice3A_2365[0] : f32 from vector<1xf32>
      %mul3A_2367 = vector.broadcast %squeeze3A_2366 : f32 to vector<16xf32>
      %mul3A_2368 = arith.mulf %get3A_2364, %mul3A_2367 : vector<16xf32>
      %add3A_2369 = arith.addf %add3A_2356, %mul3A_2368 : vector<16xf32>
      %mul3A_2370 = arith.constant 16 : i32
      %mul3A_2371 = arith.muli %scan3A_272, %mul3A_2370 : i32
      %add3A_2372 = arith.constant 9 : i32
      %add3A_2373 = arith.addi %mul3A_2371, %add3A_2372 : i32
      %get3A_2374 = arith.index_cast %add3A_2373 : i32 to index
      %get3A_2375 = arith.constant 240 : index
      %get3A_2376 = tpu.vector_load %arg10[%get3A_2374, %get3A_2375] {strides = array<i32>} : memref<256x256xf32, #tpu.memory_space<vmem>>, vector<1x16xf32>,
      %get3A_2377 = vector.shape_cast %get3A_2376 : vector<1x16xf32> to vector<16xf32>
      %slice3A_2378 = vector.extract_strided_slice %get3A_277 {offsets = [9], sizes = [1], strides = [1]} : vector<16xf32> to vector<1xf32>
      %squeeze3A_2379 = vector.extract %slice3A_2378[0] : f32 from vector<1xf32>
      %mul3A_2380 = vector.broadcast %squeeze3A_2379 : f32 to vector<16xf32>
      %mul3A_2381 = arith.mulf %get3A_2377, %mul3A_2380 : vector<16xf32>
      %add3A_2382 = arith.addf %add3A_2369, %mul3A_2381 : vector<16xf32>
      %swap3A_2383 = arith.index_cast %scan3A_272 : i32 to index
      %swap3A_2384 = arith.constant 240 : index
      %swap3A_2385 = tpu.vector_load %arg11[%swap3A_2383, %swap3A_2384] {strides = array<i32>} : memref<16x256xf32, #tpu.memory_space<vmem>>, vector<1x16xf32>,
      %swap3A_2386 = vector.shape_cast %swap3A_2385 : vector<1x16xf32> to vector<16xf32>
      %swap3A_2387 = vector.shape_cast %add3A_2382 : vector<16xf32> to vector<1x16xf32>
      tpu.vector_store %arg11[%swap3A_2383, %swap3A_2384], %swap3A_2387 {strides = array<i32>} : memref<16x256xf32, #tpu.memory_space<vmem>>, vector<1x16xf32>,
    }
    %scan3A_271 = arith.constant 16 : i32
    "tpu.region"() ({
      %run_scoped3A = tpu.sem_alloc : memref<!tpu.dma_semaphore, #tpu.memory_space<semaphore_mem>>
      %dma_start3A_272 = arith.constant 0 : i32
      %dma_start3A_273 = tpu.memref_slice %arg5[%mul3A_2, %dma_start3A_272] : memref<512x256xf32, #tpu.memory_space<hbm>> -> memref<16x256xf32, #tpu.memory_space<hbm>>
      %dma_start3A_274 = arith.constant 0 : i32
      %dma_start3A_275 = tpu.memref_slice %arg5[%mul3A_2, %dma_start3A_274] : memref<512x256xf32, #tpu.memory_space<hbm>> -> memref<16x256xf32, #tpu.memory_space<hbm>>
      tpu.enqueue_dma source(%arg11 : memref<16x256xf32, #tpu.memory_space<vmem>>) target(%dma_start3A_275 : memref<16x256xf32, #tpu.memory_space<hbm>>) target_semaphore(%run_scoped3A : memref<!tpu.dma_semaphore, #tpu.memory_space<semaphore_mem>>)
      %dma_wait3A_276 = arith.constant 0 : i32
      %dma_wait3A_277 = tpu.memref_slice %arg5[%mul3A_2, %dma_wait3A_276] : memref<512x256xf32, #tpu.memory_space<hbm>> -> memref<16x256xf32, #tpu.memory_space<hbm>>
      %dma_wait3A_278 = arith.constant 0 : i32
      %dma_wait3A_279 = tpu.memref_slice %arg5[%mul3A_2, %dma_wait3A_278] : memref<512x256xf32, #tpu.memory_space<hbm>> -> memref<16x256xf32, #tpu.memory_space<hbm>>
      tpu.wait_dma2 semaphore(%run_scoped3A : memref<!tpu.dma_semaphore, #tpu.memory_space<semaphore_mem>>) src(%arg11 : memref<16x256xf32, #tpu.memory_space<vmem>>) dst(%dma_wait3A_279 : memref<16x256xf32, #tpu.memory_space<hbm>>)
      tpu.yield
    }) : () -> ()
    return
  }
}

module attributes {stable_mosaic.version = 14 : i64} {
  func.func @_wmean_body(%arg0: i32, %arg1: memref<32x400xf32, #tpu.memory_space<vmem>>, %arg2: memref<32x400x256xf32, #tpu.memory_space<vmem>>, %arg3: memref<32x256xf32, #tpu.memory_space<vmem>>) attributes {dimension_semantics = [#tpu.dimension_semantics<arbitrary>], iteration_bounds = array<i64: 16>, scalar_prefetch = 0 : i64, scratch_operands = 0 : i64, tpu.core_type = #tpu.core_type<tc>, window_params = [{transform_indices = @transform_0, window_bounds = array<i64: 32, 400>}, {transform_indices = @transform_1, window_bounds = array<i64: 32, 400, 256>}, {transform_indices = @transform_2, window_bounds = array<i64: 32, 256>}]} {
    %get3A = arith.constant 0 : index
    %get3A_0 = arith.constant 0 : index
    %get3A_1 = vector.load %arg1[%get3A, %get3A_0] : memref<32x400xf32, #tpu.memory_space<vmem>>, vector<32x400xf32>
    %get3A_2 = arith.constant 0 : index
    %get3A_3 = arith.constant 0 : index
    %get3A_4 = arith.constant 0 : index
    %get3A_5 = vector.load %arg2[%get3A_2, %get3A_3, %get3A_4] : memref<32x400x256xf32, #tpu.memory_space<vmem>>, vector<32x400x256xf32>
    %dot_general3A = arith.constant dense<0.000000e+00> : vector<32x256xf32>
    %dot_general3A_6 = tpu.matmul %get3A_1, %get3A_5, %dot_general3A {dimension_numbers = #tpu.dot_dimension_numbers<[1], [1], [], [2], [0, 0, 1, 2], [0], [0]>, transpose_lhs_hint = false} : vector<32x400xf32>, vector<32x400x256xf32>, vector<32x256xf32> -> vector<32x256xf32>
    %mul3A = arith.constant 2.500000e-03 : f32
    %mul3A_7 = vector.broadcast %mul3A : f32 to vector<32x256xf32>
    %mul3A_8 = arith.mulf %dot_general3A_6, %mul3A_7 : vector<32x256xf32>
    %swap3A = arith.constant 0 : index
    %swap3A_9 = arith.constant 0 : index
    %swap3A_10 = vector.load %arg3[%swap3A, %swap3A_9] : memref<32x256xf32, #tpu.memory_space<vmem>>, vector<32x256xf32>
    tpu.vector_store %arg3[%swap3A, %swap3A_9], %mul3A_8 {strides = array<i32>} : memref<32x256xf32, #tpu.memory_space<vmem>>, vector<32x256xf32>,
    return
  }
  func.func @transform_0(%arg0: i32) -> (i32, i32) {
    %c0_i32 = arith.constant 0 : i32
    %c0_i32_0 = arith.constant 0 : i32
    return %arg0, %c0_i32 : i32, i32
  }
  func.func @transform_1(%arg0: i32) -> (i32, i32, i32) {
    %c0_i32 = arith.constant 0 : i32
    %c0_i32_0 = arith.constant 0 : i32
    %c0_i32_1 = arith.constant 0 : i32
    return %arg0, %c0_i32, %c0_i32_0 : i32, i32, i32
  }
  func.func @transform_2(%arg0: i32) -> (i32, i32) {
    %c0_i32 = arith.constant 0 : i32
    %c0_i32_0 = arith.constant 0 : i32
    return %arg0, %c0_i32 : i32, i32
  }
}

module attributes {stable_mosaic.version = 14 : i64} {
  func.func @_middle_body(%arg0: memref<512x256xf32, #tpu.memory_space<vmem>>, %arg1: memref<256x256xf32, #tpu.memory_space<vmem>>, %arg2: memref<1x256xf32, #tpu.memory_space<vmem>>, %arg3: memref<1x256xf32, #tpu.memory_space<vmem>>, %arg4: memref<1x256xf32, #tpu.memory_space<vmem>>, %arg5: memref<256x400xf32, #tpu.memory_space<vmem>>, %arg6: memref<1x400xf32, #tpu.memory_space<vmem>>, %arg7: memref<512x400xf32, #tpu.memory_space<vmem>>, %arg8: memref<32x16x400xf32, #tpu.memory_space<vmem>>, %arg9: memref<512x128xi32, #tpu.memory_space<vmem>>, %arg10: memref<512x128xf32, #tpu.memory_space<vmem>>) attributes {dimension_semantics = [], scalar_prefetch = 0 : i64, scratch_operands = 0 : i64, tpu.core_type = #tpu.core_type<tc>} {
    %get3A = arith.constant 0 : index
    %get3A_0 = arith.constant 0 : index
    %get3A_1 = vector.load %arg0[%get3A, %get3A_0] : memref<512x256xf32, #tpu.memory_space<vmem>>, vector<512x256xf32>
    %get3A_2 = arith.constant 0 : index
    %get3A_3 = arith.constant 0 : index
    %get3A_4 = vector.load %arg1[%get3A_2, %get3A_3] : memref<256x256xf32, #tpu.memory_space<vmem>>, vector<256x256xf32>
    %dot_general3A = arith.constant dense<0.000000e+00> : vector<512x256xf32>
    %dot_general3A_5 = tpu.matmul %get3A_1, %get3A_4, %dot_general3A {dimension_numbers = #tpu.dot_dimension_numbers<[1], [0], [0], [1], [0, 0, 1, 1], [], []>, transpose_lhs_hint = false} : vector<512x256xf32>, vector<256x256xf32>, vector<512x256xf32> -> vector<512x256xf32>
    %get3A_6 = arith.constant 0 : index
    %get3A_7 = arith.constant 0 : index
    %get3A_8 = vector.load %arg2[%get3A_6, %get3A_7] : memref<1x256xf32, #tpu.memory_space<vmem>>, vector<1x256xf32>
    %add3A = vector.broadcast %get3A_8 : vector<1x256xf32> to vector<512x256xf32>
    %add3A_9 = arith.addf %dot_general3A_5, %add3A : vector<512x256xf32>
    %reduce_sum3A = arith.constant dense<0.000000e+00> : vector<256xf32>
    %reduce_sum3A_10 = vector.multi_reduction <add>, %add3A_9, %reduce_sum3A [0] : vector<512x256xf32> to vector<256xf32>
    %broadcast_in_dim3A = vector.shape_cast %reduce_sum3A_10 : vector<256xf32> to vector<1x256xf32>
    %div3A = arith.constant 5.120000e+02 : f32
    %div3A_11 = vector.broadcast %div3A : f32 to vector<1x256xf32>
    %div3A_12 = arith.divf %broadcast_in_dim3A, %div3A_11 : vector<1x256xf32>
    %sub3A = vector.broadcast %div3A_12 : vector<1x256xf32> to vector<512x256xf32>
    %sub3A_13 = arith.subf %add3A_9, %sub3A : vector<512x256xf32>
    %integer_pow3A = arith.mulf %sub3A_13, %sub3A_13 : vector<512x256xf32>
    %reduce_sum3A_14 = arith.constant dense<0.000000e+00> : vector<256xf32>
    %reduce_sum3A_15 = vector.multi_reduction <add>, %integer_pow3A, %reduce_sum3A_14 [0] : vector<512x256xf32> to vector<256xf32>
    %broadcast_in_dim3A_16 = vector.shape_cast %reduce_sum3A_15 : vector<256xf32> to vector<1x256xf32>
    %div3A_17 = arith.constant 5.120000e+02 : f32
    %div3A_18 = vector.broadcast %div3A_17 : f32 to vector<1x256xf32>
    %div3A_19 = arith.divf %broadcast_in_dim3A_16, %div3A_18 : vector<1x256xf32>
    %sub3A_20 = vector.broadcast %div3A_12 : vector<1x256xf32> to vector<512x256xf32>
    %sub3A_21 = arith.subf %add3A_9, %sub3A_20 : vector<512x256xf32>
    %add3A_22 = arith.constant 9.99999974E-6 : f32
    %add3A_23 = vector.broadcast %add3A_22 : f32 to vector<1x256xf32>
    %add3A_24 = arith.addf %div3A_19, %add3A_23 : vector<1x256xf32>
    %sqrt3A = math.sqrt %add3A_24 : vector<1x256xf32>
    %div3A_25 = vector.broadcast %sqrt3A : vector<1x256xf32> to vector<512x256xf32>
    %div3A_26 = arith.divf %sub3A_21, %div3A_25 : vector<512x256xf32>
    %get3A_27 = arith.constant 0 : index
    %get3A_28 = arith.constant 0 : index
    %get3A_29 = vector.load %arg3[%get3A_27, %get3A_28] : memref<1x256xf32, #tpu.memory_space<vmem>>, vector<1x256xf32>
    %mul3A = vector.broadcast %get3A_29 : vector<1x256xf32> to vector<512x256xf32>
    %mul3A_30 = arith.mulf %div3A_26, %mul3A : vector<512x256xf32>
    %get3A_31 = arith.constant 0 : index
    %get3A_32 = arith.constant 0 : index
    %get3A_33 = vector.load %arg4[%get3A_31, %get3A_32] : memref<1x256xf32, #tpu.memory_space<vmem>>, vector<1x256xf32>
    %add3A_34 = vector.broadcast %get3A_33 : vector<1x256xf32> to vector<512x256xf32>
    %add3A_35 = arith.addf %mul3A_30, %add3A_34 : vector<512x256xf32>
    %mul3A_36 = arith.constant 5.000000e-01 : f32
    %mul3A_37 = vector.broadcast %mul3A_36 : f32 to vector<512x256xf32>
    %mul3A_38 = arith.mulf %mul3A_37, %add3A_35 : vector<512x256xf32>
    %mul3A_39 = arith.constant 0.707106769 : f32
    %mul3A_40 = vector.broadcast %mul3A_39 : f32 to vector<512x256xf32>
    %mul3A_41 = arith.mulf %add3A_35, %mul3A_40 : vector<512x256xf32>
    %erf3A = math.erf %mul3A_41 : vector<512x256xf32>
    %add3A_42 = arith.constant 1.000000e+00 : f32
    %add3A_43 = vector.broadcast %add3A_42 : f32 to vector<512x256xf32>
    %add3A_44 = arith.addf %add3A_43, %erf3A : vector<512x256xf32>
    %mul3A_45 = arith.mulf %mul3A_38, %add3A_44 : vector<512x256xf32>
    %get3A_46 = arith.constant 0 : index
    %get3A_47 = arith.constant 0 : index
    %get3A_48 = vector.load %arg5[%get3A_46, %get3A_47] : memref<256x400xf32, #tpu.memory_space<vmem>>, vector<256x400xf32>
    %dot_general3A_49 = arith.constant dense<0.000000e+00> : vector<512x400xf32>
    %dot_general3A_50 = tpu.matmul %mul3A_45, %get3A_48, %dot_general3A_49 {dimension_numbers = #tpu.dot_dimension_numbers<[1], [0], [0], [1], [0, 0, 1, 1], [], []>, transpose_lhs_hint = false} : vector<512x256xf32>, vector<256x400xf32>, vector<512x400xf32> -> vector<512x400xf32>
    %get3A_51 = arith.constant 0 : index
    %get3A_52 = arith.constant 0 : index
    %get3A_53 = vector.load %arg6[%get3A_51, %get3A_52] : memref<1x400xf32, #tpu.memory_space<vmem>>, vector<1x400xf32>
    %add3A_54 = vector.broadcast %get3A_53 : vector<1x400xf32> to vector<512x400xf32>
    %add3A_55 = arith.addf %dot_general3A_50, %add3A_54 : vector<512x400xf32>
    %logistic3A = arith.negf %add3A_55 : vector<512x400xf32>
    %logistic3A_56 = math.exp %logistic3A : vector<512x400xf32>
    %logistic3A_57 = arith.constant 1.000000e+00 : f32
    %logistic3A_58 = vector.broadcast %logistic3A_57 : f32 to vector<512x400xf32>
    %logistic3A_59 = arith.addf %logistic3A_58, %logistic3A_56 : vector<512x400xf32>
    %logistic3A_60 = arith.divf %logistic3A_58, %logistic3A_59 : vector<512x400xf32>
    %swap3A = arith.constant 0 : index
    %swap3A_61 = arith.constant 0 : index
    %swap3A_62 = vector.load %arg7[%swap3A, %swap3A_61] : memref<512x400xf32, #tpu.memory_space<vmem>>, vector<512x400xf32>
    tpu.vector_store %arg7[%swap3A, %swap3A_61], %logistic3A_60 {strides = array<i32>} : memref<512x400xf32, #tpu.memory_space<vmem>>, vector<512x400xf32>,
    %reshape3A = vector.shape_cast %logistic3A_60 : vector<512x400xf32> to vector<16x32x400xf32>
    %transpose3A = tpu.transpose %reshape3A, [1, 0, 2] : vector<16x32x400xf32> -> vector<32x16x400xf32>
    %swap3A_63 = arith.constant 0 : index
    %swap3A_64 = arith.constant 0 : index
    %swap3A_65 = arith.constant 0 : index
    %swap3A_66 = vector.load %arg8[%swap3A_63, %swap3A_64, %swap3A_65] : memref<32x16x400xf32, #tpu.memory_space<vmem>>, vector<32x16x400xf32>
    tpu.vector_store %arg8[%swap3A_63, %swap3A_64, %swap3A_65], %transpose3A {strides = array<i32>} : memref<32x16x400xf32, #tpu.memory_space<vmem>>, vector<32x16x400xf32>,
    %iota3A = tpu.iota {dimensions = array<i32: 1>} : vector<512x400xi32>
    %iota3A_67 = tpu.iota {dimensions = array<i32: 0>} : vector<512x1xi32>
    %mul3A_68 = arith.constant 400 : i32
    %mul3A_69 = vector.broadcast %mul3A_68 : i32 to vector<512x1xi32>
    %mul3A_70 = arith.muli %iota3A_67, %mul3A_69 : vector<512x1xi32>
    %reduce_max3A = arith.constant dense<0xFF800000> : vector<512xf32>
    %reduce_max3A_71 = vector.multi_reduction <maximumf>, %logistic3A_60, %reduce_max3A [1] : vector<512x400xf32> to vector<512xf32>
    %broadcast_in_dim3A_72 = vector.shape_cast %reduce_max3A_71 : vector<512xf32> to vector<512x1xf32>
    %eq3A = vector.broadcast %broadcast_in_dim3A_72 : vector<512x1xf32> to vector<512x400xf32>
    %eq3A_73 = arith.cmpf oeq, %logistic3A_60, %eq3A : vector<512x400xf32>
    %jit3A = arith.constant 400 : i32
    %broadcast_in_dim3A_74 = vector.broadcast %jit3A : i32 to vector<512x400xi32>
    %select_n3A = arith.select %eq3A_73, %iota3A, %broadcast_in_dim3A_74 : vector<512x400xi1>, vector<512x400xi32>
    %reduce_min3A = arith.constant dense<2147483647> : vector<512xi32>
    %reduce_min3A_75 = vector.multi_reduction <minsi>, %select_n3A, %reduce_min3A [1] : vector<512x400xi32> to vector<512xi32>
    %broadcast_in_dim3A_76 = vector.shape_cast %reduce_min3A_75 : vector<512xi32> to vector<512x1xi32>
    %add3A_77 = arith.addi %mul3A_70, %broadcast_in_dim3A_76 : vector<512x1xi32>
    %eq3A_78 = vector.broadcast %broadcast_in_dim3A_76 : vector<512x1xi32> to vector<512x400xi32>
    %eq3A_79 = arith.cmpi eq, %iota3A, %eq3A_78 : vector<512x400xi32>
    %jit3A_80 = arith.constant -1.000000e+00 : f32
    %broadcast_in_dim3A_81 = vector.broadcast %jit3A_80 : f32 to vector<512x400xf32>
    %select_n3A_82 = arith.select %eq3A_79, %broadcast_in_dim3A_81, %logistic3A_60 : vector<512x400xi1>, vector<512x400xf32>
    %reduce_max3A_83 = arith.constant dense<0xFF800000> : vector<512xf32>
    %reduce_max3A_84 = vector.multi_reduction <maximumf>, %select_n3A_82, %reduce_max3A_83 [1] : vector<512x400xf32> to vector<512xf32>
    %broadcast_in_dim3A_85 = vector.shape_cast %reduce_max3A_84 : vector<512xf32> to vector<512x1xf32>
    %eq3A_86 = vector.broadcast %broadcast_in_dim3A_85 : vector<512x1xf32> to vector<512x400xf32>
    %eq3A_87 = arith.cmpf oeq, %select_n3A_82, %eq3A_86 : vector<512x400xf32>
    %jit3A_88 = arith.constant 400 : i32
    %broadcast_in_dim3A_89 = vector.broadcast %jit3A_88 : i32 to vector<512x400xi32>
    %select_n3A_90 = arith.select %eq3A_87, %iota3A, %broadcast_in_dim3A_89 : vector<512x400xi1>, vector<512x400xi32>
    %reduce_min3A_91 = arith.constant dense<2147483647> : vector<512xi32>
    %reduce_min3A_92 = vector.multi_reduction <minsi>, %select_n3A_90, %reduce_min3A_91 [1] : vector<512x400xi32> to vector<512xi32>
    %broadcast_in_dim3A_93 = vector.shape_cast %reduce_min3A_92 : vector<512xi32> to vector<512x1xi32>
    %add3A_94 = arith.addi %mul3A_70, %broadcast_in_dim3A_93 : vector<512x1xi32>
    %eq3A_95 = vector.broadcast %broadcast_in_dim3A_93 : vector<512x1xi32> to vector<512x400xi32>
    %eq3A_96 = arith.cmpi eq, %iota3A, %eq3A_95 : vector<512x400xi32>
    %jit3A_97 = arith.constant -1.000000e+00 : f32
    %broadcast_in_dim3A_98 = vector.broadcast %jit3A_97 : f32 to vector<512x400xf32>
    %select_n3A_99 = arith.select %eq3A_96, %broadcast_in_dim3A_98, %select_n3A_82 : vector<512x400xi1>, vector<512x400xf32>
    %reduce_max3A_100 = arith.constant dense<0xFF800000> : vector<512xf32>
    %reduce_max3A_101 = vector.multi_reduction <maximumf>, %select_n3A_99, %reduce_max3A_100 [1] : vector<512x400xf32> to vector<512xf32>
    %broadcast_in_dim3A_102 = vector.shape_cast %reduce_max3A_101 : vector<512xf32> to vector<512x1xf32>
    %eq3A_103 = vector.broadcast %broadcast_in_dim3A_102 : vector<512x1xf32> to vector<512x400xf32>
    %eq3A_104 = arith.cmpf oeq, %select_n3A_99, %eq3A_103 : vector<512x400xf32>
    %jit3A_105 = arith.constant 400 : i32
    %broadcast_in_dim3A_106 = vector.broadcast %jit3A_105 : i32 to vector<512x400xi32>
    %select_n3A_107 = arith.select %eq3A_104, %iota3A, %broadcast_in_dim3A_106 : vector<512x400xi1>, vector<512x400xi32>
    %reduce_min3A_108 = arith.constant dense<2147483647> : vector<512xi32>
    %reduce_min3A_109 = vector.multi_reduction <minsi>, %select_n3A_107, %reduce_min3A_108 [1] : vector<512x400xi32> to vector<512xi32>
    %broadcast_in_dim3A_110 = vector.shape_cast %reduce_min3A_109 : vector<512xi32> to vector<512x1xi32>
    %add3A_111 = arith.addi %mul3A_70, %broadcast_in_dim3A_110 : vector<512x1xi32>
    %eq3A_112 = vector.broadcast %broadcast_in_dim3A_110 : vector<512x1xi32> to vector<512x400xi32>
    %eq3A_113 = arith.cmpi eq, %iota3A, %eq3A_112 : vector<512x400xi32>
    %jit3A_114 = arith.constant -1.000000e+00 : f32
    %broadcast_in_dim3A_115 = vector.broadcast %jit3A_114 : f32 to vector<512x400xf32>
    %select_n3A_116 = arith.select %eq3A_113, %broadcast_in_dim3A_115, %select_n3A_99 : vector<512x400xi1>, vector<512x400xf32>
    %reduce_max3A_117 = arith.constant dense<0xFF800000> : vector<512xf32>
    %reduce_max3A_118 = vector.multi_reduction <maximumf>, %select_n3A_116, %reduce_max3A_117 [1] : vector<512x400xf32> to vector<512xf32>
    %broadcast_in_dim3A_119 = vector.shape_cast %reduce_max3A_118 : vector<512xf32> to vector<512x1xf32>
    %eq3A_120 = vector.broadcast %broadcast_in_dim3A_119 : vector<512x1xf32> to vector<512x400xf32>
    %eq3A_121 = arith.cmpf oeq, %select_n3A_116, %eq3A_120 : vector<512x400xf32>
    %jit3A_122 = arith.constant 400 : i32
    %broadcast_in_dim3A_123 = vector.broadcast %jit3A_122 : i32 to vector<512x400xi32>
    %select_n3A_124 = arith.select %eq3A_121, %iota3A, %broadcast_in_dim3A_123 : vector<512x400xi1>, vector<512x400xi32>
    %reduce_min3A_125 = arith.constant dense<2147483647> : vector<512xi32>
    %reduce_min3A_126 = vector.multi_reduction <minsi>, %select_n3A_124, %reduce_min3A_125 [1] : vector<512x400xi32> to vector<512xi32>
    %broadcast_in_dim3A_127 = vector.shape_cast %reduce_min3A_126 : vector<512xi32> to vector<512x1xi32>
    %add3A_128 = arith.addi %mul3A_70, %broadcast_in_dim3A_127 : vector<512x1xi32>
    %eq3A_129 = vector.broadcast %broadcast_in_dim3A_127 : vector<512x1xi32> to vector<512x400xi32>
    %eq3A_130 = arith.cmpi eq, %iota3A, %eq3A_129 : vector<512x400xi32>
    %jit3A_131 = arith.constant -1.000000e+00 : f32
    %broadcast_in_dim3A_132 = vector.broadcast %jit3A_131 : f32 to vector<512x400xf32>
    %select_n3A_133 = arith.select %eq3A_130, %broadcast_in_dim3A_132, %select_n3A_116 : vector<512x400xi1>, vector<512x400xf32>
    %reduce_max3A_134 = arith.constant dense<0xFF800000> : vector<512xf32>
    %reduce_max3A_135 = vector.multi_reduction <maximumf>, %select_n3A_133, %reduce_max3A_134 [1] : vector<512x400xf32> to vector<512xf32>
    %broadcast_in_dim3A_136 = vector.shape_cast %reduce_max3A_135 : vector<512xf32> to vector<512x1xf32>
    %eq3A_137 = vector.broadcast %broadcast_in_dim3A_136 : vector<512x1xf32> to vector<512x400xf32>
    %eq3A_138 = arith.cmpf oeq, %select_n3A_133, %eq3A_137 : vector<512x400xf32>
    %jit3A_139 = arith.constant 400 : i32
    %broadcast_in_dim3A_140 = vector.broadcast %jit3A_139 : i32 to vector<512x400xi32>
    %select_n3A_141 = arith.select %eq3A_138, %iota3A, %broadcast_in_dim3A_140 : vector<512x400xi1>, vector<512x400xi32>
    %reduce_min3A_142 = arith.constant dense<2147483647> : vector<512xi32>
    %reduce_min3A_143 = vector.multi_reduction <minsi>, %select_n3A_141, %reduce_min3A_142 [1] : vector<512x400xi32> to vector<512xi32>
    %broadcast_in_dim3A_144 = vector.shape_cast %reduce_min3A_143 : vector<512xi32> to vector<512x1xi32>
    %add3A_145 = arith.addi %mul3A_70, %broadcast_in_dim3A_144 : vector<512x1xi32>
    %eq3A_146 = vector.broadcast %broadcast_in_dim3A_144 : vector<512x1xi32> to vector<512x400xi32>
    %eq3A_147 = arith.cmpi eq, %iota3A, %eq3A_146 : vector<512x400xi32>
    %jit3A_148 = arith.constant -1.000000e+00 : f32
    %broadcast_in_dim3A_149 = vector.broadcast %jit3A_148 : f32 to vector<512x400xf32>
    %select_n3A_150 = arith.select %eq3A_147, %broadcast_in_dim3A_149, %select_n3A_133 : vector<512x400xi1>, vector<512x400xf32>
    %reduce_max3A_151 = arith.constant dense<0xFF800000> : vector<512xf32>
    %reduce_max3A_152 = vector.multi_reduction <maximumf>, %select_n3A_150, %reduce_max3A_151 [1] : vector<512x400xf32> to vector<512xf32>
    %broadcast_in_dim3A_153 = vector.shape_cast %reduce_max3A_152 : vector<512xf32> to vector<512x1xf32>
    %eq3A_154 = vector.broadcast %broadcast_in_dim3A_153 : vector<512x1xf32> to vector<512x400xf32>
    %eq3A_155 = arith.cmpf oeq, %select_n3A_150, %eq3A_154 : vector<512x400xf32>
    %jit3A_156 = arith.constant 400 : i32
    %broadcast_in_dim3A_157 = vector.broadcast %jit3A_156 : i32 to vector<512x400xi32>
    %select_n3A_158 = arith.select %eq3A_155, %iota3A, %broadcast_in_dim3A_157 : vector<512x400xi1>, vector<512x400xi32>
    %reduce_min3A_159 = arith.constant dense<2147483647> : vector<512xi32>
    %reduce_min3A_160 = vector.multi_reduction <minsi>, %select_n3A_158, %reduce_min3A_159 [1] : vector<512x400xi32> to vector<512xi32>
    %broadcast_in_dim3A_161 = vector.shape_cast %reduce_min3A_160 : vector<512xi32> to vector<512x1xi32>
    %add3A_162 = arith.addi %mul3A_70, %broadcast_in_dim3A_161 : vector<512x1xi32>
    %eq3A_163 = vector.broadcast %broadcast_in_dim3A_161 : vector<512x1xi32> to vector<512x400xi32>
    %eq3A_164 = arith.cmpi eq, %iota3A, %eq3A_163 : vector<512x400xi32>
    %jit3A_165 = arith.constant -1.000000e+00 : f32
    %broadcast_in_dim3A_166 = vector.broadcast %jit3A_165 : f32 to vector<512x400xf32>
    %select_n3A_167 = arith.select %eq3A_164, %broadcast_in_dim3A_166, %select_n3A_150 : vector<512x400xi1>, vector<512x400xf32>
    %reduce_max3A_168 = arith.constant dense<0xFF800000> : vector<512xf32>
    %reduce_max3A_169 = vector.multi_reduction <maximumf>, %select_n3A_167, %reduce_max3A_168 [1] : vector<512x400xf32> to vector<512xf32>
    %broadcast_in_dim3A_170 = vector.shape_cast %reduce_max3A_169 : vector<512xf32> to vector<512x1xf32>
    %eq3A_171 = vector.broadcast %broadcast_in_dim3A_170 : vector<512x1xf32> to vector<512x400xf32>
    %eq3A_172 = arith.cmpf oeq, %select_n3A_167, %eq3A_171 : vector<512x400xf32>
    %jit3A_173 = arith.constant 400 : i32
    %broadcast_in_dim3A_174 = vector.broadcast %jit3A_173 : i32 to vector<512x400xi32>
    %select_n3A_175 = arith.select %eq3A_172, %iota3A, %broadcast_in_dim3A_174 : vector<512x400xi1>, vector<512x400xi32>
    %reduce_min3A_176 = arith.constant dense<2147483647> : vector<512xi32>
    %reduce_min3A_177 = vector.multi_reduction <minsi>, %select_n3A_175, %reduce_min3A_176 [1] : vector<512x400xi32> to vector<512xi32>
    %broadcast_in_dim3A_178 = vector.shape_cast %reduce_min3A_177 : vector<512xi32> to vector<512x1xi32>
    %add3A_179 = arith.addi %mul3A_70, %broadcast_in_dim3A_178 : vector<512x1xi32>
    %eq3A_180 = vector.broadcast %broadcast_in_dim3A_178 : vector<512x1xi32> to vector<512x400xi32>
    %eq3A_181 = arith.cmpi eq, %iota3A, %eq3A_180 : vector<512x400xi32>
    %jit3A_182 = arith.constant -1.000000e+00 : f32
    %broadcast_in_dim3A_183 = vector.broadcast %jit3A_182 : f32 to vector<512x400xf32>
    %select_n3A_184 = arith.select %eq3A_181, %broadcast_in_dim3A_183, %select_n3A_167 : vector<512x400xi1>, vector<512x400xf32>
    %reduce_max3A_185 = arith.constant dense<0xFF800000> : vector<512xf32>
    %reduce_max3A_186 = vector.multi_reduction <maximumf>, %select_n3A_184, %reduce_max3A_185 [1] : vector<512x400xf32> to vector<512xf32>
    %broadcast_in_dim3A_187 = vector.shape_cast %reduce_max3A_186 : vector<512xf32> to vector<512x1xf32>
    %eq3A_188 = vector.broadcast %broadcast_in_dim3A_187 : vector<512x1xf32> to vector<512x400xf32>
    %eq3A_189 = arith.cmpf oeq, %select_n3A_184, %eq3A_188 : vector<512x400xf32>
    %jit3A_190 = arith.constant 400 : i32
    %broadcast_in_dim3A_191 = vector.broadcast %jit3A_190 : i32 to vector<512x400xi32>
    %select_n3A_192 = arith.select %eq3A_189, %iota3A, %broadcast_in_dim3A_191 : vector<512x400xi1>, vector<512x400xi32>
    %reduce_min3A_193 = arith.constant dense<2147483647> : vector<512xi32>
    %reduce_min3A_194 = vector.multi_reduction <minsi>, %select_n3A_192, %reduce_min3A_193 [1] : vector<512x400xi32> to vector<512xi32>
    %broadcast_in_dim3A_195 = vector.shape_cast %reduce_min3A_194 : vector<512xi32> to vector<512x1xi32>
    %add3A_196 = arith.addi %mul3A_70, %broadcast_in_dim3A_195 : vector<512x1xi32>
    %eq3A_197 = vector.broadcast %broadcast_in_dim3A_195 : vector<512x1xi32> to vector<512x400xi32>
    %eq3A_198 = arith.cmpi eq, %iota3A, %eq3A_197 : vector<512x400xi32>
    %jit3A_199 = arith.constant -1.000000e+00 : f32
    %broadcast_in_dim3A_200 = vector.broadcast %jit3A_199 : f32 to vector<512x400xf32>
    %select_n3A_201 = arith.select %eq3A_198, %broadcast_in_dim3A_200, %select_n3A_184 : vector<512x400xi1>, vector<512x400xf32>
    %reduce_max3A_202 = arith.constant dense<0xFF800000> : vector<512xf32>
    %reduce_max3A_203 = vector.multi_reduction <maximumf>, %select_n3A_201, %reduce_max3A_202 [1] : vector<512x400xf32> to vector<512xf32>
    %broadcast_in_dim3A_204 = vector.shape_cast %reduce_max3A_203 : vector<512xf32> to vector<512x1xf32>
    %eq3A_205 = vector.broadcast %broadcast_in_dim3A_204 : vector<512x1xf32> to vector<512x400xf32>
    %eq3A_206 = arith.cmpf oeq, %select_n3A_201, %eq3A_205 : vector<512x400xf32>
    %jit3A_207 = arith.constant 400 : i32
    %broadcast_in_dim3A_208 = vector.broadcast %jit3A_207 : i32 to vector<512x400xi32>
    %select_n3A_209 = arith.select %eq3A_206, %iota3A, %broadcast_in_dim3A_208 : vector<512x400xi1>, vector<512x400xi32>
    %reduce_min3A_210 = arith.constant dense<2147483647> : vector<512xi32>
    %reduce_min3A_211 = vector.multi_reduction <minsi>, %select_n3A_209, %reduce_min3A_210 [1] : vector<512x400xi32> to vector<512xi32>
    %broadcast_in_dim3A_212 = vector.shape_cast %reduce_min3A_211 : vector<512xi32> to vector<512x1xi32>
    %add3A_213 = arith.addi %mul3A_70, %broadcast_in_dim3A_212 : vector<512x1xi32>
    %eq3A_214 = vector.broadcast %broadcast_in_dim3A_212 : vector<512x1xi32> to vector<512x400xi32>
    %eq3A_215 = arith.cmpi eq, %iota3A, %eq3A_214 : vector<512x400xi32>
    %jit3A_216 = arith.constant -1.000000e+00 : f32
    %broadcast_in_dim3A_217 = vector.broadcast %jit3A_216 : f32 to vector<512x400xf32>
    %select_n3A_218 = arith.select %eq3A_215, %broadcast_in_dim3A_217, %select_n3A_201 : vector<512x400xi1>, vector<512x400xf32>
    %reduce_max3A_219 = arith.constant dense<0xFF800000> : vector<512xf32>
    %reduce_max3A_220 = vector.multi_reduction <maximumf>, %select_n3A_218, %reduce_max3A_219 [1] : vector<512x400xf32> to vector<512xf32>
    %broadcast_in_dim3A_221 = vector.shape_cast %reduce_max3A_220 : vector<512xf32> to vector<512x1xf32>
    %eq3A_222 = vector.broadcast %broadcast_in_dim3A_221 : vector<512x1xf32> to vector<512x400xf32>
    %eq3A_223 = arith.cmpf oeq, %select_n3A_218, %eq3A_222 : vector<512x400xf32>
    %jit3A_224 = arith.constant 400 : i32
    %broadcast_in_dim3A_225 = vector.broadcast %jit3A_224 : i32 to vector<512x400xi32>
    %select_n3A_226 = arith.select %eq3A_223, %iota3A, %broadcast_in_dim3A_225 : vector<512x400xi1>, vector<512x400xi32>
    %reduce_min3A_227 = arith.constant dense<2147483647> : vector<512xi32>
    %reduce_min3A_228 = vector.multi_reduction <minsi>, %select_n3A_226, %reduce_min3A_227 [1] : vector<512x400xi32> to vector<512xi32>
    %broadcast_in_dim3A_229 = vector.shape_cast %reduce_min3A_228 : vector<512xi32> to vector<512x1xi32>
    %add3A_230 = arith.addi %mul3A_70, %broadcast_in_dim3A_229 : vector<512x1xi32>
    %broadcast_in_dim3A_231 = arith.constant 0.000000e+00 : f32
    %broadcast_in_dim3A_232 = vector.broadcast %broadcast_in_dim3A_231 : f32 to vector<512x1xf32>
    %broadcast_in_dim3A_233 = arith.constant 0.000000e+00 : f32
    %broadcast_in_dim3A_234 = vector.broadcast %broadcast_in_dim3A_233 : f32 to vector<512x1xf32>
    %broadcast_in_dim3A_235 = arith.constant 0.000000e+00 : f32
    %broadcast_in_dim3A_236 = vector.broadcast %broadcast_in_dim3A_235 : f32 to vector<512x1xf32>
    %broadcast_in_dim3A_237 = arith.constant 0.000000e+00 : f32
    %broadcast_in_dim3A_238 = vector.broadcast %broadcast_in_dim3A_237 : f32 to vector<512x1xf32>
    %broadcast_in_dim3A_239 = arith.constant 0.000000e+00 : f32
    %broadcast_in_dim3A_240 = vector.broadcast %broadcast_in_dim3A_239 : f32 to vector<512x1xf32>
    %broadcast_in_dim3A_241 = arith.constant 0.000000e+00 : f32
    %broadcast_in_dim3A_242 = vector.broadcast %broadcast_in_dim3A_241 : f32 to vector<512x1xf32>
    %broadcast_in_dim3A_243 = arith.constant 0 : i32
    %broadcast_in_dim3A_244 = vector.broadcast %broadcast_in_dim3A_243 : i32 to vector<512x112xi32>
    %concatenate3A = tpu.concatenate %add3A_77, %add3A_94, %add3A_111, %add3A_128, %add3A_145, %add3A_162, %add3A_179, %add3A_196, %add3A_213, %add3A_230, %mul3A_70, %mul3A_70, %mul3A_70, %mul3A_70, %mul3A_70, %mul3A_70, %broadcast_in_dim3A_244 in 1 : vector<512x1xi32>, vector<512x1xi32>, vector<512x1xi32>, vector<512x1xi32>, vector<512x1xi32>, vector<512x1xi32>, vector<512x1xi32>, vector<512x1xi32>, vector<512x1xi32>, vector<512x1xi32>, vector<512x1xi32>, vector<512x1xi32>, vector<512x1xi32>, vector<512x1xi32>, vector<512x1xi32>, vector<512x1xi32>, vector<512x112xi32> -> vector<512x128xi32>
    %swap3A_245 = arith.constant 0 : index
    %swap3A_246 = arith.constant 0 : index
    %swap3A_247 = vector.load %arg9[%swap3A_245, %swap3A_246] : memref<512x128xi32, #tpu.memory_space<vmem>>, vector<512x128xi32>
    tpu.vector_store %arg9[%swap3A_245, %swap3A_246], %concatenate3A {strides = array<i32>} : memref<512x128xi32, #tpu.memory_space<vmem>>, vector<512x128xi32>,
    %broadcast_in_dim3A_248 = arith.constant 0.000000e+00 : f32
    %broadcast_in_dim3A_249 = vector.broadcast %broadcast_in_dim3A_248 : f32 to vector<512x112xf32>
    %concatenate3A_250 = tpu.concatenate %broadcast_in_dim3A_72, %broadcast_in_dim3A_85, %broadcast_in_dim3A_102, %broadcast_in_dim3A_119, %broadcast_in_dim3A_136, %broadcast_in_dim3A_153, %broadcast_in_dim3A_170, %broadcast_in_dim3A_187, %broadcast_in_dim3A_204, %broadcast_in_dim3A_221, %broadcast_in_dim3A_232, %broadcast_in_dim3A_234, %broadcast_in_dim3A_236, %broadcast_in_dim3A_238, %broadcast_in_dim3A_240, %broadcast_in_dim3A_242, %broadcast_in_dim3A_249 in 1 : vector<512x1xf32>, vector<512x1xf32>, vector<512x1xf32>, vector<512x1xf32>, vector<512x1xf32>, vector<512x1xf32>, vector<512x1xf32>, vector<512x1xf32>, vector<512x1xf32>, vector<512x1xf32>, vector<512x1xf32>, vector<512x1xf32>, vector<512x1xf32>, vector<512x1xf32>, vector<512x1xf32>, vector<512x1xf32>, vector<512x112xf32> -> vector<512x128xf32>
    %swap3A_251 = arith.constant 0 : index
    %swap3A_252 = arith.constant 0 : index
    %swap3A_253 = vector.load %arg10[%swap3A_251, %swap3A_252] : memref<512x128xf32, #tpu.memory_space<vmem>>, vector<512x128xf32>
    tpu.vector_store %arg10[%swap3A_251, %swap3A_252], %concatenate3A_250 {strides = array<i32>} : memref<512x128xf32, #tpu.memory_space<vmem>>, vector<512x128xf32>,
    return
  }
}

module attributes {stable_mosaic.version = 14 : i64} {
  func.func @_readout_body(%arg0: i32, %arg1: memref<32x400x256xf32, #tpu.memory_space<vmem>>, %arg2: memref<32x256xf32, #tpu.memory_space<vmem>>) attributes {dimension_semantics = [#tpu.dimension_semantics<arbitrary>], iteration_bounds = array<i64: 16>, scalar_prefetch = 0 : i64, scratch_operands = 0 : i64, tpu.core_type = #tpu.core_type<tc>, window_params = [{transform_indices = @transform_0, window_bounds = array<i64: 32, 400, 256>}, {transform_indices = @transform_1, window_bounds = array<i64: 32, 256>}]} {
    %get3A = arith.constant 0 : index
    %get3A_0 = arith.constant 0 : index
    %get3A_1 = arith.constant 0 : index
    %get3A_2 = vector.load %arg1[%get3A, %get3A_0, %get3A_1] : memref<32x400x256xf32, #tpu.memory_space<vmem>>, vector<32x400x256xf32>
    %reduce_sum3A = arith.constant dense<0.000000e+00> : vector<32x256xf32>
    %reduce_sum3A_3 = vector.multi_reduction <add>, %get3A_2, %reduce_sum3A [1] : vector<32x400x256xf32> to vector<32x256xf32>
    %div3A = arith.constant 4.000000e+02 : f32
    %div3A_4 = vector.broadcast %div3A : f32 to vector<32x256xf32>
    %div3A_5 = arith.divf %reduce_sum3A_3, %div3A_4 : vector<32x256xf32>
    %reduce_max3A = arith.constant dense<0xFF800000> : vector<32x256xf32>
    %reduce_max3A_6 = vector.multi_reduction <maximumf>, %get3A_2, %reduce_max3A [1] : vector<32x400x256xf32> to vector<32x256xf32>
    %add3A = arith.addf %div3A_5, %reduce_max3A_6 : vector<32x256xf32>
    %swap3A = arith.constant 0 : index
    %swap3A_7 = arith.constant 0 : index
    %swap3A_8 = vector.load %arg2[%swap3A, %swap3A_7] : memref<32x256xf32, #tpu.memory_space<vmem>>, vector<32x256xf32>
    tpu.vector_store %arg2[%swap3A, %swap3A_7], %add3A {strides = array<i32>} : memref<32x256xf32, #tpu.memory_space<vmem>>, vector<32x256xf32>,
    return
  }
  func.func @transform_0(%arg0: i32) -> (i32, i32, i32) {
    %c0_i32 = arith.constant 0 : i32
    %c0_i32_0 = arith.constant 0 : i32
    %c0_i32_1 = arith.constant 0 : i32
    return %arg0, %c0_i32, %c0_i32_0 : i32, i32, i32
  }
  func.func @transform_1(%arg0: i32) -> (i32, i32) {
    %c0_i32 = arith.constant 0 : i32
    %c0_i32_0 = arith.constant 0 : i32
    return %arg0, %c0_i32 : i32, i32
  }
}

</mosaic_0001>

<sc_bundles>
// kernel: kernel.6.cloned.1.call-start
scs
__scs_entry_jumppad:
0x0: {  	(pc) =	sbr.rel $0x88, $3  }
0x1: {  	(tag) =	ssettag $0x0;
	lr =	simm.s32 $0x1  }
0x2: {  	[smem:$0x3F9A] =	sst lr;
	_ =	strace $0xD0000000  }
0x3: {  	_ = 	snop  }
0x4: {  	_ = 	snop  }
0x5: {  	_ = 	snop  }
0x6: {  	_ = 	snop  }
0x7: {  	_ = 	snop  }
__scs_overlays_trampoline_lowered:
0x8: {  	[smem:$0x3FA9] =	sst s0  }
0x9: {  	[smem:$0x3FAA] =	sst s1  }
0xa: {  	[smem:$0x3FAB] =	sst s2  }
0xb: {  	[smem:$0x3FAC] =	sst s3  }
0xc: {  	[smem:$0x3FAD] =	sst s4  }
0xd: {  	[smem:$0x3FAE] =	sst s5  }
0xe: {  	[smem:$0x3FAF] =	sst s6  }
0xf: {  	[smem:$0x3FB0] =	sst s7  }
0x10: {  	[smem:$0x3FB1] =	sst s8  }
0x11: {  	[smem:$0x3FB2] =	sst s9;
	s0 =	simm.s32 @!p0 $0x0  }
0x12: {  	s1 =	sld [smem:$0x3F98];
	s0 =	simm.s32 @p0 $0x1  }
0x13: {  	[smem:$0x3FB3] =	sst s0;
	s0 =	simm.s32 @!p1 $0x0  }
0x14: {  	s2 =	sld [smem:$0x3F97];
	s0 =	simm.s32 @p1 $0x1  }
0x15: {  	[smem:$0x3FB4] =	sst s0;
	s0 =	simm.s32 @!p2 $0x0  }
0x16: {  	s3 =	sld [smem:$0x3FDB];
	s0 =	simm.s32 @p2 $0x1  }
0x17: {  	s4 =	simm.s32 $0x1BF5;
	[smem:$0x3FB6] =	sst s0  }
0x18: {  	s0 =	sld [smem:$0x3F99];
	_ =	swait.ge [sflag:s4], $0x0  }
0x19: {  	s7 =	sld [smem:$0x3F9A]  }
0x1a: {  	s8 =	sadd.s32 $0xFFFFE003, lr  }
0x1b: {  	s9 =	sadd.s32 $0xFFFFFEF7, lr;
	s5 =	simm.s32 $0xFFFFFFFF;
	p2 =	slt.u32 s8, $0xFFFFF086  }
0x1c: {  	p1 =	slt.u32 s9, $0xF7A;
	s5 =	simm.s32 @!p2 $0x0  }
0x1d: {  	s5 =	simm.s32 @p1 $0x1;
	p0 =	seq.s32 s7, s2  }
0x1e: {  	s7 =	smul.u32 @!p0 $0xF7A, s2;
	p2 =	seq.s32 @!p0 s5, $0x0  }
0x1f: {  	s9 =	smul.u32 $0xF7A, s1;
	s8 =	simm.s32 @!p0 $0x1BF5;
	p2 =	por !p2, p0  }
0x20: {  	[sflag:s8] =	ssyncset.s32 @!p0 $0xFFFFF086;
	s6 =	sadd.s32 @!p0 s3, s7;
	s7 =	simm.s32 @!p0 $0x108  }
0x21: {  	s3 =	sadd.s32 s3, s9;
	s6 =	sadd.s32 @!p0 $0x88, s6;
	s7 =	simm.s32 @p2 $0x1082  }
0x22: {  	[simem:s7], [sflag:s8] =	dma.local @!p0 [hbm:s6], $0xF7A  }
0x23: {  	s9 =	sor.u32 $0xD0000000, s2;
	s6 =	simm.s32 $0x108;
	_ =	swait.ge @!p0 [sflag:s8], $0x0  }
0x24: {  	s3 =	sadd.s32 $0x88, s3;
	s6 =	simm.s32 @!p1 $0x1082;
	[sflag:s4] =	ssyncset.s32 $0xFFFFF086  }
0x25: {  	[simem:s6], [sflag:s4] =	dma.local [hbm:s3], $0xF7A  }
0x26: {  	[smem:$0x3F9A] =	sst s1;
	(tag) =	ssettag s2;
	_ =	strace s9  }
0x27: {  	s1 =	sld [smem:$0x3FAA]  }
0x28: {  	s2 =	sld [smem:$0x3FAB]  }
0x29: {  	s4 =	sld [smem:$0x3FAD]  }
0x2a: {  	p0 =	seq.s32 s5, $0x0;
	s5 =	sld [smem:$0x3FAE]  }
0x2b: {  	s6 =	sld [smem:$0x3FAF]  }
0x2c: {  	s7 =	sld [smem:$0x3FB0]  }
0x2d: {  	s3 =	simm.s32 $0x108;
	s8 =	sld [smem:$0x3FB1]  }
0x2e: {  	s3 =	simm.s32 @!p0 $0x1082;
	s9 =	sld [smem:$0x3FB2]  }
0x2f: {  	lr =	sadd.s32 s0, s3;
	s0 =	sld [smem:$0x3FA9]  }
0x30: {  	s3 =	sld [smem:$0x3FAC]  }
0x31: {  	[smem:$0x3FB5] =	sst s10  }
0x32: {  	s10 =	sld [smem:$0x3FB3];
	_ =	sdelay $0x3  }
0x33: {  	p0 =	seq.s32 s10, $0x1;
	s10 =	sld [smem:$0x3FB5];
	_ =	sdelay $0x3  }
0x34: {  	[smem:$0x3FB5] =	sst s10  }
0x35: {  	s10 =	sld [smem:$0x3FB4];
	_ =	sdelay $0x3  }
0x36: {  	p1 =	seq.s32 s10, $0x1;
	s10 =	sld [smem:$0x3FB5];
	_ =	sdelay $0x3  }
0x37: {  	[smem:$0x3FB5] =	sst s10  }
0x38: {  	s10 =	sld [smem:$0x3FB6]  }
0x39: {  	_ = 	snop;
	(pc) =	sbr.ind lr, $3  }
0x3a: {  	_ = 	snop  }
0x3b: {  	_ = 	snop  }
0x3c: {  	p2 =	seq.s32 s10, $0x1;
	s10 =	sld [smem:$0x3FB5]  }
0x3d: {  	_ =	shalt  }
0x3e: {  	_ =	shalt  }
0x3f: {  	_ =	shalt  }
0x40: {  	_ =	shalt  }
0x41: {  	_ =	shalt  }
0x42: {  	_ =	shalt  }
0x43: {  	_ =	shalt  }
0x44: {  	_ =	shalt  }
0x45: {  	_ =	shalt  }
0x46: {  	_ =	shalt  }
0x47: {  	_ =	shalt  }
0x48: {  	_ =	shalt  }
0x49: {  	_ =	shalt  }
0x4a: {  	_ =	shalt  }
0x4b: {  	_ =	shalt  }
0x4c: {  	_ =	shalt  }
0x4d: {  	_ =	shalt  }
0x4e: {  	_ =	shalt  }
0x4f: {  	_ =	shalt  }
0x50: {  	_ =	shalt  }
0x51: {  	_ =	shalt  }
0x52: {  	_ =	shalt  }
0x53: {  	_ =	shalt  }
0x54: {  	_ =	shalt  }
0x55: {  	_ =	shalt  }
0x56: {  	_ =	shalt  }
0x57: {  	_ =	shalt  }
0x58: {  	_ =	shalt  }
0x59: {  	_ =	shalt  }
0x5a: {  	_ =	shalt  }
0x5b: {  	_ =	shalt  }
0x5c: {  	_ =	shalt  }
0x5d: {  	_ =	shalt  }
0x5e: {  	_ =	shalt  }
0x5f: {  	_ =	shalt  }
0x60: {  	_ =	shalt  }
0x61: {  	_ =	shalt  }
0x62: {  	_ =	shalt  }
0x63: {  	_ =	shalt  }
0x64: {  	_ =	shalt  }
0x65: {  	_ =	shalt  }
0x66: {  	_ =	shalt  }
0x67: {  	_ =	shalt  }
0x68: {  	_ =	shalt  }
0x69: {  	_ =	shalt  }
0x6a: {  	_ =	shalt  }
0x6b: {  	_ =	shalt  }
0x6c: {  	_ =	shalt  }
0x6d: {  	_ =	shalt  }
0x6e: {  	_ =	shalt  }
0x6f: {  	_ =	shalt  }
0x70: {  	_ =	shalt  }
0x71: {  	_ =	shalt  }
0x72: {  	_ =	shalt  }
0x73: {  	_ =	shalt  }
0x74: {  	_ =	shalt  }
0x75: {  	_ =	shalt  }
0x76: {  	_ =	shalt  }
0x77: {  	_ =	shalt  }
0x78: {  	_ =	shalt  }
0x79: {  	_ =	shalt  }
0x7a: {  	_ =	shalt  }
0x7b: {  	_ =	shalt  }
0x7c: {  	_ =	shalt  }
0x7d: {  	_ =	shalt  }
0x7e: {  	_ =	shalt  }
0x7f: {  	_ =	shalt  }
0x80: {  	_ =	shalt  }
0x81: {  	_ =	shalt  }
0x82: {  	_ =	shalt  }
0x83: {  	_ =	shalt  }
0x84: {  	_ =	shalt  }
0x85: {  	_ =	shalt  }
0x86: {  	_ =	shalt  }
0x87: {  	_ =	shalt  }
.Lfunc_end0:
.L_simem_size_0:
called_computation_lowered:
.L_overlay_start_0:
0x88: {  	s2 =	sld [smem:$0x3FD9]  }
0x89: {  	s3 =	sld [smem:$0x3FFE];
	_ =	sdelay $0x1  }
0x8a: {  	s1 =	srdreg.scid  }
0x8b: {  	s0 =	sand.u32 $0x1, s1  }
0x8c: {  	s14 =	sshll.u32 s0, $0xA;
	s2 =	sadd.s32 s3, s2  }
0x8d: {  	s2 =	sadd.s32 s2, s14  }
0x8e: {  	[smem:$0x3FC1] =	sst s2  }
0x8f: {  	_ = 	snop  }
0x90: {  	s2 =	sld [smem:$0x3FD0];
	_ =	sdelay $0x2  }
0x91: {  	s4 =	simm.s32 $0xA;
	s5 =	simm.s32 $0x10;
	s15 =	sld [smem:$0x3FC9]  }
0x92: {  	[smem:s5], [sflag:s4] =	dma.local [hbm:s2], $0x1  }
0x93: {  	_ =	swait.eq [sflag:s4], $0x1  }
0x94: {  	[sflag:s4] =	ssyncset.done $0x0  }
0x95: {  	[sflag:s4] =	ssyncadd.s32 $0xFFFFFFFF  }
0x96: {  	s16 =	sld [smem:$0x11];
	(tm) =	ssettm $0x1  }
0x97: {  	s17 =	sld [smem:$0x3FFB];
	_ =	sdelay $0x3  }
0x98: {  	_ =	strace s17  }
0x99: {  	s4 =	sld [smem:$0x3FFC];
	_ =	sdelay $0x3  }
0x9a: {  	_ =	strace s4  }
0x9b: {  	s4 =	sld [smem:$0x3FFD];
	_ =	sdelay $0x3  }
0x9c: {  	_ =	strace s4  }
0x9d: {  	_ =	strace $0x8FFFFFFF  }
0x9e: {  	s18 =	sld [smem:$0x3FDB];
	_ =	sdelay $0x1  }
0x9f: {  	s19 =	simm.s32 $_scs_section_size  }
0xa0: {  	s6 =	simm.s32 $_size__tile_overlayer_lowered;
	s7 =	simm.s32 $_tile_overlayer_lowered  }
0xa1: {  	s22 =	simm.s32 $0x1BFF;
	s21 =	sshll.u32 s7, $0x1;
	s4 =	sadd.s32 s19, s18  }
0xa2: {  	s8 =	simm.s32 $0x0;
	s20 =	sshll.u32 s6, $0x1;
	s6 =	sadd.s32 s21, s4  }
0xa3: {  	[timem:s8], [sflag:s22] =	dma.local [hbm:s6], s20  }
0xa4: {  	_ =	swait.ge [sflag:s22], s20  }
0xa5: {  	s5 =	ssub.s32 $0x0, s20;
	[sflag:s22] =	ssyncset.done $0x0  }
0xa6: {  	[sflag:s22] =	ssyncadd.s32 s5;
	_ =	sdelay $0x1  }
0xa7: {  	s23 =	simm.s32 $0x1B8B  }
0xa8: {  	_ =	swait.ge [sflag:s23], $0x1  }
0xa9: {  	[sflag:s23] =	ssyncset.done $0x0  }
0xaa: {  	s25 =	simm.s32 $0x1B8E;
	s24 =	sld [smem:$0x3FFE];
	[sflag:s23] =	ssyncadd.s32 $0xFFFFFFFF  }
0xab: {  	s26 =	simm.s32 $execute0_lowered;
	[smem:$0x3FD2] =	sst s25  }
0xac: {  	s6 =	sshll.u32 s26, $0x1;
	_ =	strace $0x80000046;
	[dreg:$0x1] =	wrdreg $0xFFFFFFFF  }
0xad: {  	s28 =	simm.s32 $_size_execute0_lowered;
	s4 =	sadd.s32 s4, s6;
	[dreg:$0x0] =	wrdreg $0x0  }
0xae: {  	s6 =	sshll.u32 s28, $0x1;
	[dreg:$0x2] =	wrdreg s4  }
0xaf: {  	[dreg:$0x3] =	wrdreg s6  }
0xb0: {  	[dreg:$0x4] =	wrdreg $0xC0  }
0xb1: {  	_ =	task [dreg:s8], $0x5FFFF  }
0xb2: {  	[dreg:$0x1] =	wrdreg $0xFFFFFFFF  }
0xb3: {  	[dreg:$0x0] =	wrdreg $0x60  }
0xb4: {  	[dreg:$0x2] =	wrdreg s15  }
0xb5: {  	[dreg:$0x3] =	wrdreg s24  }
0xb6: {  	[dreg:$0x4] =	wrdreg s16  }
0xb7: {  	[dreg:$0x5] =	wrdreg $0x9  }
0xb8: {  	_ =	task.clear_ibuf [dreg:s8], $0x6FFFF;
	_ =	strace $0x90000046  }
0xb9: {  	s29 =	simm.s32 $0x9;
	_ =	strace $0x80000048  }
0xba: {  	_ =	swait.ge [sflag:s29], $0x1  }
0xbb: {  	[sflag:s29] =	ssyncadd.s32 $0xFFFFFFFF  }
0xbc: {  	_ =	strace $0x90000048  }
0xbd: {  	_ =	sfence  }
0xbe: {  	s30 =	sld [smem:$0x0];
	_ =	sdelay $0x2  }
0xbf: {  	s31 =	sshll.u32 s1, $0xD;
	s1 =	sshrl.u32 s1, $0x2  }
0xc0: {  	s3 =	sand.u32 $0x4000, s31;
	s1 =	sadd.s32 s1, s30  }
0xc1: {  	s0 =	sor.u32 s3, s0;
	s1 =	sshll.u32 s1, $0x11  }
0xc2: {  	s0 =	sor.u32 s1, s0  }
0xc3: {  	s0 =	sadd.s32 $0x8F2B, s0  }
0xc4: {  	[sflag:s0] =	ssyncadd.remote.s32 $0x1  }
0xc5: {  	_ =	sfence.sel $0xFFFF  }
0xc6: {  	[dreg:$0x0] =	wrdreg $0xFFFFFFFF;
	(pc) =	sbr.abs _section_cstart, $3  }
0xc7: {  	[dreg:$0x1] =	wrdreg $0xFFFFFFFF  }
0xc8: {  	_ =	task.clear_ibuf [dreg:s8], $0x2FFFF;
	_ =	strace $0x9FFFFFFF  }
0xc9: {  	(tm) =	ssettm $0x7FFFFFFF  }
tec
execute0_lowered:
.L_overlay_start_1:
0x0: {  	(tag) =	ssettag $0x1  }
0x1: {  	s1 =	rddreg [dreg:$0x0]  }
0x2: {  	s0 =	rddreg [dreg:$0x1]  }
0x3: {  	s2 =	rddreg [dreg:$0x2];
	s4 =	srdreg.scid  }
0x4: {  	s5 =	stileid.u32;
	s3 =	simm.s32 $0x0;
	s9 =	simm.s32 $0x1  }
0x5: {  	s10 =	simm.s32 $0x2;
	s30 =	simm.s32 $0xA200;
	s31 =	simm.s32 $0xAA00  }
0x6: {  	s8 =	simm.s32 $0xC200;
	s11 =	simm.s32 $0xCA00;
	s12 =	simm.s32 $0xD200  }
0x7: {  	s13 =	simm.s32 $0xDA00;
	s14 =	simm.s32 $0xE200;
	s15 =	simm.s32 $0xEA00  }
0x8: {  	s16 =	simm.s32 $0xF200;
	s17 =	simm.s32 $0xFA00;
	s18 =	simm.s32 $0x10200  }
0x9: {  	s19 =	simm.s32 $0x10A00;
	s20 =	simm.s32 $0x11200;
	s21 =	simm.s32 $0x3  }
0xa: {  	s22 =	simm.s32 $0x0;
	s4 =	sand.u32 $0x1, s4;
	s5 =	sshll.u32 s5, $0x1  }
0xb: {  	[smem:$0x7FF] =	sst s3;
	s5 =	sor.u32 s4, s5;
	s4 =	ssub.s32 $0x2, s4  }
0xc: {  	_ =	strace $0x80000047;
	s6 =	sshll.u32 s5, $0x8;
	s7 =	sshrl.u32 s4, $0x1  }
0xd: {  	v2 =	vlaneseq.u32;
	s29 =	sshll.u32 s5, $0x9;
	s0 =	sadd.s32 s6, s0;
	s7 =	ssub.s32 s4, s7  }
0xe: {  	vm0 =	vmmov $0xffff;
	v1 =	vshrl.u32 v2, $0x3;
	s6 =	sadd.s32 s2, s29;
	s2 =	simm.s32 $0xBA00;
	s4 =	sadd.s32 $0x1800, s0  }
0xf: {  	v0 =	vand.u32 $0x7, v2;
	v2 =	vor.u32 $0x8, v2;
	v1 =	vmul.u32 $0x8, v1;
	s5 =	sadd.s32 $0x3800, s0;
	s7 =	smax.u32 s7, $0x1;
	s0 =	simm.s32 $0xB200  }
.LBB2_1:
0x10: {  	[tilespmem:s3], [sflag:$0x1] =	stream.linear.gather [hbm4b:s4+s3], $0x800, $0x38;
	[tilespmem:$0x12200] =	vst v63  }
0x11: {  	s23 =	simm.s32 $0x800  }
0x12: {  	[tilespmem:s23], [sflag:$0x2] =	stream.linear.gather [hbm4b:s5+s3], $0x800, $0x38;
	[tilespmem:$0x12200] =	vst v63  }
0x13: {  	_ =	swait.ge [sflag:s9], $0x800  }
0x14: {  	[sflag:s9] =	ssyncset.done $0x0  }
0x15: {  	[sflag:s9] =	ssyncadd.s32 $0xFFFFF800  }
0x16: {  	_ =	swait.ge [sflag:s10], $0x800  }
0x17: {  	[sflag:s10] =	ssyncset.done $0x0  }
0x18: {  	[sflag:s10] =	ssyncadd.s32 $0xFFFFF800  }
0x19: {  	v3 =	vld [tilespmem:$0x0]  }
0x1a: {  	v4 =	vld [tilespmem:$0x800]  }
0x1b: {  	v5 =	vld [tilespmem:$0x80]  }
0x1c: {  	v6 =	vld [tilespmem:$0x880]  }
0x1d: {  	v7 =	vld [tilespmem:$0x100]  }
0x1e: {  	v8 =	vld [tilespmem:$0x900]  }
0x1f: {  	v26 =	vld [tilespmem:$0x980];
	[tilespmem:$0x1000] =	vst v3  }
0x20: {  	v27 =	vld [tilespmem:$0x200];
	[tilespmem:$0x1100] =	vst v4  }
0x21: {  	v28 =	vld [tilespmem:$0xA00];
	[tilespmem:$0x1010] =	vst v5  }
0x22: {  	v29 =	vld [tilespmem:$0x280];
	[tilespmem:$0x1110] =	vst v6  }
0x23: {  	v3 =	vld [tilespmem:$0x180];
	[tilespmem:$0x1020] =	vst v7  }
0x24: {  	v30 =	vld [tilespmem:$0xA80];
	[tilespmem:$0x1120] =	vst v8  }
0x25: {  	v31 =	vld [tilespmem:$0xB00];
	[tilespmem:$0x1130] =	vst v26  }
0x26: {  	v32 =	vld [tilespmem:$0x380];
	[tilespmem:$0x1040] =	vst v27  }
0x27: {  	v33 =	vld [tilespmem:$0xB80];
	[tilespmem:$0x1140] =	vst v28  }
0x28: {  	[tilespmem:$0x1030] =	vst v3;
	v3 =	vld [tilespmem:$0x300]  }
0x29: {  	v34 =	vld [tilespmem:$0x400];
	[tilespmem:$0x1050] =	vst v29  }
0x2a: {  	v35 =	vld [tilespmem:$0xC00];
	[tilespmem:$0x1150] =	vst v30  }
0x2b: {  	v36 =	vld [tilespmem:$0xC80];
	[tilespmem:$0x1160] =	vst v31  }
0x2c: {  	v37 =	vld [tilespmem:$0x500];
	[tilespmem:$0x1070] =	vst v32  }
0x2d: {  	[tilespmem:$0x1060] =	vst v3;
	v3 =	vld [tilespmem:$0x480]  }
0x2e: {  	v38 =	vld [tilespmem:$0xD00];
	[tilespmem:$0x1170] =	vst v33  }
0x2f: {  	v39 =	vld [tilespmem:$0x580];
	[tilespmem:$0x1080] =	vst v34  }
0x30: {  	[tilespmem:$0x1180] =	vst v35;
	v40 =	vld [tilespmem:$0x1000]  }
0x31: {  	v41 =	vld [tilespmem:$0x600];
	[tilespmem:$0x1190] =	vst v36  }
0x32: {  	[tilespmem:$0x1090] =	vst v3;
	v3 =	vld [tilespmem:$0xD80]  }
0x33: {  	v42 =	vld [tilespmem:$0xE00];
	[tilespmem:$0x10A0] =	vst v37  }
0x34: {  	v43 =	vld [tilespmem:$0x680];
	[tilespmem:$0x11A0] =	vst v38  }
0x35: {  	v44 =	vld [tilespmem:$0xE80];
	[tilespmem:$0x10B0] =	vst v39;
	v9 =	vshll.u32 v40, $0x1  }
0x36: {  	v45 =	vld [tilespmem:$0xF00];
	[tilespmem:$0x10C0] =	vst v41;
	v8 =	vand.u32 $0x7, v40;
	v9 =	vand.u32 $0xFFFFFFF0, v9  }
0x37: {  	v8 =	vor.u32 v8, v9;
	[tilespmem:$0x11B0] =	vst v3;
	v3 =	vld [tilespmem:$0x700]  }
0x38: {  	v46 =	vld [tilespmem:$0x780];
	[tilespmem:$0x11C0] =	vst v42;
	v9 =	vperm.xlane v8, v0  }
0x39: {  	v47 =	vld [tilespmem:$0xF80];
	[tilespmem:$0x10D0] =	vst v43  }
0x3a: {  	[tilespmem:$0x11D0] =	vst v44;
	v8 =	vperm.xlane v8, v2;
	v48 =	vadd.s32 v1, v9  }
0x3b: {  	[tilespmem:$0x11E0] =	vst v45  }
0x3c: {  	[tilespmem:$0x10E0] =	vst v3;
	v3 =	vadd.s32 v1, v8  }
0x3d: {  	[tilespmem:$0x10F0] =	vst v46  }
0x3e: {  	s26 =	simm.s32 $0x1200;
	[tilespmem:$0x11F0] =	vst v47  }
0x3f: {  	[tilespmem:s26], [sflag:$0x1] =	stream.indirect_vreg.gather [hbm4b:s1+s3], $0x80, v48, vm0, $0xb8;
	[tilespmem:$0x12200] =	vst v63  }
0x40: {  	s28 =	simm.s32 $0x1A00  }
0x41: {  	[tilespmem:s28], [sflag:$0x1] =	stream.indirect_vreg.gather [hbm4b:s1+s3], $0x80, v3, vm0, $0xb8;
	[tilespmem:$0x12200] =	vst v63  }
0x42: {  	v3 =	vld [tilespmem:$0x1010];
	_ =	sdelay $0x4  }
0x43: {  	v49 =	vshll.u32 v3, $0x1  }
0x44: {  	v3 =	vand.u32 $0x7, v3;
	v4 =	vand.u32 $0xFFFFFFF0, v49  }
0x45: {  	v3 =	vor.u32 v3, v4  }
0x46: {  	v4 =	vperm.xlane v3, v0;
	_ =	sdelay $0x1  }
0x47: {  	v3 =	vperm.xlane v3, v2;
	v4 =	vadd.s32 v1, v4;
	_ =	sdelay $0x1  }
0x48: {  	v3 =	vadd.s32 v1, v3;
	_ =	sdelay $0x1  }
0x49: {  	s29 =	simm.s32 $0x2200  }
0x4a: {  	[tilespmem:s29], [sflag:$0x1] =	stream.indirect_vreg.gather [hbm4b:s1+s3], $0x80, v4, vm0, $0xb8;
	[tilespmem:$0x12200] =	vst v63  }
0x4b: {  	s24 =	simm.s32 $0x2A00  }
0x4c: {  	[tilespmem:s24], [sflag:$0x1] =	stream.indirect_vreg.gather [hbm4b:s1+s3], $0x80, v3, vm0, $0xb8;
	[tilespmem:$0x12200] =	vst v63  }
0x4d: {  	v3 =	vld [tilespmem:$0x1020];
	_ =	sdelay $0x4  }
0x4e: {  	v50 =	vshll.u32 v3, $0x1  }
0x4f: {  	v3 =	vand.u32 $0x7, v3;
	v4 =	vand.u32 $0xFFFFFFF0, v50  }
0x50: {  	v3 =	vor.u32 v3, v4  }
0x51: {  	v4 =	vperm.xlane v3, v0;
	_ =	sdelay $0x1  }
0x52: {  	v3 =	vperm.xlane v3, v2;
	v4 =	vadd.s32 v1, v4;
	_ =	sdelay $0x1  }
0x53: {  	v3 =	vadd.s32 v1, v3;
	_ =	sdelay $0x1  }
0x54: {  	s25 =	simm.s32 $0x3200  }
0x55: {  	[tilespmem:s25], [sflag:$0x1] =	stream.indirect_vreg.gather [hbm4b:s1+s3], $0x80, v4, vm0, $0xb8;
	[tilespmem:$0x12200] =	vst v63  }
0x56: {  	s26 =	simm.s32 $0x3A00  }
0x57: {  	[tilespmem:s26], [sflag:$0x1] =	stream.indirect_vreg.gather [hbm4b:s1+s3], $0x80, v3, vm0, $0xb8;
	[tilespmem:$0x12200] =	vst v63  }
0x58: {  	v3 =	vld [tilespmem:$0x1030];
	_ =	sdelay $0x4  }
0x59: {  	v51 =	vshll.u32 v3, $0x1  }
0x5a: {  	v3 =	vand.u32 $0x7, v3;
	v4 =	vand.u32 $0xFFFFFFF0, v51  }
0x5b: {  	v3 =	vor.u32 v3, v4  }
0x5c: {  	v4 =	vperm.xlane v3, v0;
	_ =	sdelay $0x1  }
0x5d: {  	v3 =	vperm.xlane v3, v2;
	v4 =	vadd.s32 v1, v4;
	_ =	sdelay $0x1  }
0x5e: {  	v3 =	vadd.s32 v1, v3;
	_ =	sdelay $0x1  }
0x5f: {  	s28 =	simm.s32 $0x4200  }
0x60: {  	[tilespmem:s28], [sflag:$0x1] =	stream.indirect_vreg.gather [hbm4b:s1+s3], $0x80, v4, vm0, $0xb8;
	[tilespmem:$0x12200] =	vst v63  }
0x61: {  	s29 =	simm.s32 $0x4A00  }
0x62: {  	[tilespmem:s29], [sflag:$0x1] =	stream.indirect_vreg.gather [hbm4b:s1+s3], $0x80, v3, vm0, $0xb8;
	[tilespmem:$0x12200] =	vst v63  }
0x63: {  	v3 =	vld [tilespmem:$0x1040];
	_ =	sdelay $0x4  }
0x64: {  	v52 =	vshll.u32 v3, $0x1  }
0x65: {  	v3 =	vand.u32 $0x7, v3;
	v4 =	vand.u32 $0xFFFFFFF0, v52  }
0x66: {  	v3 =	vor.u32 v3, v4  }
0x67: {  	v4 =	vperm.xlane v3, v0;
	_ =	sdelay $0x1  }
0x68: {  	v3 =	vperm.xlane v3, v2;
	v4 =	vadd.s32 v1, v4;
	_ =	sdelay $0x1  }
0x69: {  	v3 =	vadd.s32 v1, v3;
	_ =	sdelay $0x1  }
0x6a: {  	s24 =	simm.s32 $0x5200  }
0x6b: {  	[tilespmem:s24], [sflag:$0x1] =	stream.indirect_vreg.gather [hbm4b:s1+s3], $0x80, v4, vm0, $0xb8;
	[tilespmem:$0x12200] =	vst v63  }
0x6c: {  	s25 =	simm.s32 $0x5A00  }
0x6d: {  	[tilespmem:s25], [sflag:$0x1] =	stream.indirect_vreg.gather [hbm4b:s1+s3], $0x80, v3, vm0, $0xb8;
	[tilespmem:$0x12200] =	vst v63  }
0x6e: {  	v3 =	vld [tilespmem:$0x1050];
	_ =	sdelay $0x4  }
0x6f: {  	v53 =	vshll.u32 v3, $0x1  }
0x70: {  	v3 =	vand.u32 $0x7, v3;
	v4 =	vand.u32 $0xFFFFFFF0, v53  }
0x71: {  	v3 =	vor.u32 v3, v4  }
0x72: {  	v4 =	vperm.xlane v3, v0;
	_ =	sdelay $0x1  }
0x73: {  	v3 =	vperm.xlane v3, v2;
	v4 =	vadd.s32 v1, v4;
	_ =	sdelay $0x1  }
0x74: {  	v3 =	vadd.s32 v1, v3;
	_ =	sdelay $0x1  }
0x75: {  	s26 =	simm.s32 $0x6200  }
0x76: {  	[tilespmem:s26], [sflag:$0x1] =	stream.indirect_vreg.gather [hbm4b:s1+s3], $0x80, v4, vm0, $0xb8;
	[tilespmem:$0x12200] =	vst v63  }
0x77: {  	s28 =	simm.s32 $0x6A00  }
0x78: {  	[tilespmem:s28], [sflag:$0x1] =	stream.indirect_vreg.gather [hbm4b:s1+s3], $0x80, v3, vm0, $0xb8;
	[tilespmem:$0x12200] =	vst v63  }
0x79: {  	v3 =	vld [tilespmem:$0x1060];
	_ =	sdelay $0x4  }
0x7a: {  	v54 =	vshll.u32 v3, $0x1  }
0x7b: {  	v3 =	vand.u32 $0x7, v3;
	v4 =	vand.u32 $0xFFFFFFF0, v54  }
0x7c: {  	v3 =	vor.u32 v3, v4  }
0x7d: {  	v4 =	vperm.xlane v3, v0;
	_ =	sdelay $0x1  }
0x7e: {  	v3 =	vperm.xlane v3, v2;
	v4 =	vadd.s32 v1, v4;
	_ =	sdelay $0x1  }
0x7f: {  	v3 =	vadd.s32 v1, v3;
	_ =	sdelay $0x1  }
0x80: {  	s29 =	simm.s32 $0x7200  }
0x81: {  	[tilespmem:s29], [sflag:$0x1] =	stream.indirect_vreg.gather [hbm4b:s1+s3], $0x80, v4, vm0, $0xb8;
	[tilespmem:$0x12200] =	vst v63  }
0x82: {  	s24 =	simm.s32 $0x7A00  }
0x83: {  	[tilespmem:s24], [sflag:$0x1] =	stream.indirect_vreg.gather [hbm4b:s1+s3], $0x80, v3, vm0, $0xb8;
	[tilespmem:$0x12200] =	vst v63  }
0x84: {  	v3 =	vld [tilespmem:$0x1070];
	_ =	sdelay $0x4  }
0x85: {  	v55 =	vshll.u32 v3, $0x1  }
0x86: {  	v3 =	vand.u32 $0x7, v3;
	v4 =	vand.u32 $0xFFFFFFF0, v55  }
0x87: {  	v3 =	vor.u32 v3, v4  }
0x88: {  	v4 =	vperm.xlane v3, v0;
	_ =	sdelay $0x1  }
0x89: {  	v3 =	vperm.xlane v3, v2;
	v4 =	vadd.s32 v1, v4;
	_ =	sdelay $0x1  }
0x8a: {  	v3 =	vadd.s32 v1, v3;
	_ =	sdelay $0x1  }
0x8b: {  	s25 =	simm.s32 $0x8200  }
0x8c: {  	[tilespmem:s25], [sflag:$0x1] =	stream.indirect_vreg.gather [hbm4b:s1+s3], $0x80, v4, vm0, $0xb8;
	[tilespmem:$0x12200] =	vst v63  }
0x8d: {  	s26 =	simm.s32 $0x8A00  }
0x8e: {  	[tilespmem:s26], [sflag:$0x1] =	stream.indirect_vreg.gather [hbm4b:s1+s3], $0x80, v3, vm0, $0xb8;
	[tilespmem:$0x12200] =	vst v63  }
0x8f: {  	v3 =	vld [tilespmem:$0x1080];
	_ =	sdelay $0x4  }
0x90: {  	v56 =	vshll.u32 v3, $0x1  }
0x91: {  	v3 =	vand.u32 $0x7, v3;
	v4 =	vand.u32 $0xFFFFFFF0, v56  }
0x92: {  	v3 =	vor.u32 v3, v4  }
0x93: {  	v4 =	vperm.xlane v3, v0;
	_ =	sdelay $0x1  }
0x94: {  	v3 =	vperm.xlane v3, v2;
	v4 =	vadd.s32 v1, v4;
	_ =	sdelay $0x1  }
0x95: {  	v3 =	vadd.s32 v1, v3;
	_ =	sdelay $0x1  }
0x96: {  	s28 =	simm.s32 $0x9200  }
0x97: {  	[tilespmem:s28], [sflag:$0x2] =	stream.indirect_vreg.gather [hbm4b:s1+s3], $0x80, v4, vm0, $0xb8;
	[tilespmem:$0x12200] =	vst v63  }
0x98: {  	s29 =	simm.s32 $0x9A00  }
0x99: {  	[tilespmem:s29], [sflag:$0x2] =	stream.indirect_vreg.gather [hbm4b:s1+s3], $0x80, v3, vm0, $0xb8;
	[tilespmem:$0x12200] =	vst v63  }
0x9a: {  	v3 =	vld [tilespmem:$0x1090];
	_ =	sdelay $0x4  }
0x9b: {  	v57 =	vshll.u32 v3, $0x1  }
0x9c: {  	v3 =	vand.u32 $0x7, v3;
	v4 =	vand.u32 $0xFFFFFFF0, v57  }
0x9d: {  	v3 =	vor.u32 v3, v4  }
0x9e: {  	v4 =	vperm.xlane v3, v0;
	_ =	sdelay $0x1  }
0x9f: {  	v3 =	vperm.xlane v3, v2;
	v4 =	vadd.s32 v1, v4;
	_ =	sdelay $0x1  }
0xa0: {  	v3 =	vadd.s32 v1, v3;
	_ =	sdelay $0x2  }
0xa1: {  	[tilespmem:s30], [sflag:$0x2] =	stream.indirect_vreg.gather [hbm4b:s1+s3], $0x80, v4, vm0, $0xb8;
	[tilespmem:$0x12200] =	vst v63  }
0xa2: {  	_ = 	snop  }
0xa3: {  	[tilespmem:s31], [sflag:$0x2] =	stream.indirect_vreg.gather [hbm4b:s1+s3], $0x80, v3, vm0, $0xb8;
	[tilespmem:$0x12200] =	vst v63  }
0xa4: {  	v3 =	vld [tilespmem:$0x10A0];
	_ =	sdelay $0x4  }
0xa5: {  	v58 =	vshll.u32 v3, $0x1  }
0xa6: {  	v3 =	vand.u32 $0x7, v3;
	v4 =	vand.u32 $0xFFFFFFF0, v58  }
0xa7: {  	v3 =	vor.u32 v3, v4  }
0xa8: {  	v4 =	vperm.xlane v3, v0;
	_ =	sdelay $0x1  }
0xa9: {  	v3 =	vperm.xlane v3, v2;
	v4 =	vadd.s32 v1, v4;
	_ =	sdelay $0x1  }
0xaa: {  	v3 =	vadd.s32 v1, v3;
	_ =	sdelay $0x2  }
0xab: {  	[tilespmem:s0], [sflag:$0x2] =	stream.indirect_vreg.gather [hbm4b:s1+s3], $0x80, v4, vm0, $0xb8;
	[tilespmem:$0x12200] =	vst v63  }
0xac: {  	_ = 	snop  }
0xad: {  	[tilespmem:s2], [sflag:$0x2] =	stream.indirect_vreg.gather [hbm4b:s1+s3], $0x80, v3, vm0, $0xb8;
	[tilespmem:$0x12200] =	vst v63  }
0xae: {  	v3 =	vld [tilespmem:$0x10B0];
	_ =	sdelay $0x4  }
0xaf: {  	v59 =	vshll.u32 v3, $0x1  }
0xb0: {  	v3 =	vand.u32 $0x7, v3;
	v4 =	vand.u32 $0xFFFFFFF0, v59  }
0xb1: {  	v3 =	vor.u32 v3, v4  }
0xb2: {  	v4 =	vperm.xlane v3, v0;
	_ =	sdelay $0x1  }
0xb3: {  	v3 =	vperm.xlane v3, v2;
	v4 =	vadd.s32 v1, v4;
	_ =	sdelay $0x1  }
0xb4: {  	v3 =	vadd.s32 v1, v3;
	_ =	sdelay $0x2  }
0xb5: {  	[tilespmem:s8], [sflag:$0x2] =	stream.indirect_vreg.gather [hbm4b:s1+s3], $0x80, v4, vm0, $0xb8;
	[tilespmem:$0x12200] =	vst v63  }
0xb6: {  	_ = 	snop  }
0xb7: {  	[tilespmem:s11], [sflag:$0x2] =	stream.indirect_vreg.gather [hbm4b:s1+s3], $0x80, v3, vm0, $0xb8;
	[tilespmem:$0x12200] =	vst v63  }
0xb8: {  	v3 =	vld [tilespmem:$0x10C0];
	_ =	sdelay $0x4  }
0xb9: {  	v60 =	vshll.u32 v3, $0x1  }
0xba: {  	v3 =	vand.u32 $0x7, v3;
	v4 =	vand.u32 $0xFFFFFFF0, v60  }
0xbb: {  	v3 =	vor.u32 v3, v4  }
0xbc: {  	v4 =	vperm.xlane v3, v0;
	_ =	sdelay $0x1  }
0xbd: {  	v3 =	vperm.xlane v3, v2;
	v4 =	vadd.s32 v1, v4;
	_ =	sdelay $0x1  }
0xbe: {  	v3 =	vadd.s32 v1, v3;
	_ =	sdelay $0x2  }
0xbf: {  	[tilespmem:s12], [sflag:$0x2] =	stream.indirect_vreg.gather [hbm4b:s1+s3], $0x80, v4, vm0, $0xb8;
	[tilespmem:$0x12200] =	vst v63  }
0xc0: {  	_ = 	snop  }
0xc1: {  	[tilespmem:s13], [sflag:$0x2] =	stream.indirect_vreg.gather [hbm4b:s1+s3], $0x80, v3, vm0, $0xb8;
	[tilespmem:$0x12200] =	vst v63  }
0xc2: {  	v3 =	vld [tilespmem:$0x10D0];
	_ =	sdelay $0x4  }
0xc3: {  	v61 =	vshll.u32 v3, $0x1  }
0xc4: {  	v3 =	vand.u32 $0x7, v3;
	v4 =	vand.u32 $0xFFFFFFF0, v61  }
0xc5: {  	v3 =	vor.u32 v3, v4  }
0xc6: {  	v4 =	vperm.xlane v3, v0;
	_ =	sdelay $0x1  }
0xc7: {  	v3 =	vperm.xlane v3, v2;
	v4 =	vadd.s32 v1, v4;
	_ =	sdelay $0x1  }
0xc8: {  	v3 =	vadd.s32 v1, v3;
	_ =	sdelay $0x2  }
0xc9: {  	[tilespmem:s14], [sflag:$0x2] =	stream.indirect_vreg.gather [hbm4b:s1+s3], $0x80, v4, vm0, $0xb8;
	[tilespmem:$0x12200] =	vst v63  }
0xca: {  	_ = 	snop  }
0xcb: {  	[tilespmem:s15], [sflag:$0x2] =	stream.indirect_vreg.gather [hbm4b:s1+s3], $0x80, v3, vm0, $0xb8;
	[tilespmem:$0x12200] =	vst v63  }
0xcc: {  	v3 =	vld [tilespmem:$0x10E0];
	_ =	sdelay $0x4  }
0xcd: {  	v62 =	vshll.u32 v3, $0x1  }
0xce: {  	v3 =	vand.u32 $0x7, v3;
	v4 =	vand.u32 $0xFFFFFFF0, v62  }
0xcf: {  	v3 =	vor.u32 v3, v4  }
0xd0: {  	v4 =	vperm.xlane v3, v0;
	_ =	sdelay $0x1  }
0xd1: {  	v3 =	vperm.xlane v3, v2;
	v4 =	vadd.s32 v1, v4;
	_ =	sdelay $0x1  }
0xd2: {  	v3 =	vadd.s32 v1, v3;
	_ =	sdelay $0x2  }
0xd3: {  	[tilespmem:s16], [sflag:$0x2] =	stream.indirect_vreg.gather [hbm4b:s1+s3], $0x80, v4, vm0, $0xb8;
	[tilespmem:$0x12200] =	vst v63  }
0xd4: {  	_ = 	snop  }
0xd5: {  	[tilespmem:s17], [sflag:$0x2] =	stream.indirect_vreg.gather [hbm4b:s1+s3], $0x80, v3, vm0, $0xb8;
	[tilespmem:$0x12200] =	vst v63  }
0xd6: {  	v3 =	vld [tilespmem:$0x10F0];
	_ =	sdelay $0x4  }
0xd7: {  	v63 =	vshll.u32 v3, $0x1  }
0xd8: {  	v3 =	vand.u32 $0x7, v3;
	v4 =	vand.u32 $0xFFFFFFF0, v63  }
0xd9: {  	v3 =	vor.u32 v3, v4  }
0xda: {  	v4 =	vperm.xlane v3, v0;
	_ =	sdelay $0x1  }
0xdb: {  	v3 =	vperm.xlane v3, v2;
	v4 =	vadd.s32 v1, v4;
	_ =	sdelay $0x1  }
0xdc: {  	v3 =	vadd.s32 v1, v3;
	_ =	sdelay $0x2  }
0xdd: {  	[tilespmem:s18], [sflag:$0x2] =	stream.indirect_vreg.gather [hbm4b:s1+s3], $0x80, v4, vm0, $0xb8;
	[tilespmem:$0x12200] =	vst v63  }
0xde: {  	_ = 	snop  }
0xdf: {  	[tilespmem:s19], [sflag:$0x2] =	stream.indirect_vreg.gather [hbm4b:s1+s3], $0x80, v3, vm0, $0xb8;
	[tilespmem:$0x12200] =	vst v63  }
0xe0: {  	_ =	swait.ge [sflag:s9], $0x8000  }
0xe1: {  	[sflag:s9] =	ssyncset.done $0x0  }
0xe2: {  	[sflag:s9] =	ssyncadd.s32 $0xFFFF8000  }
0xe3: {  	_ =	swait.ge [sflag:s10], $0x8000  }
0xe4: {  	s23 =	simm.s32 $0x1100;
	s24 =	simm.s32 $0x1880;
	[sflag:s10] =	ssyncset.done $0x0  }
0xe5: {  	s25 =	simm.s32 $0x0;
	s26 =	simm.s32 $0x0;
	[sflag:s10] =	ssyncadd.s32 $0xFFFF8000  }
.LBB2_2:
0xe6: {  	v12 =	vld [tilespmem:s23+$0x0];
	_ =	sdelay $0x1  }
0xe7: {  	v5 =	vld [tilespmem:s24+$0xFFFFF980]  }
0xe8: {  	v6 =	vld [tilespmem:s24+$0xFFFFFA00];
	_ =	sdelay $0x1  }
0xe9: {  	v7 =	vld [tilespmem:s24+$0xFFFFFA80];
	v3 =	vbroadcast v12, $0x0  }
0xea: {  	v4 =	vbroadcast v12, $0x1  }
0xeb: {  	v9 =	vld [tilespmem:s24+$0xFFFFFB00];
	v8 =	vmul.f32 v3, v5  }
0xec: {  	v6 =	vmul.f32 v6, v4;
	v5 =	vbroadcast v12, $0x2  }
0xed: {  	v10 =	vld [tilespmem:s24+$0xFFFFFB80]  }
0xee: {  	v8 =	vadd.f32 v6, v8;
	v7 =	vmul.f32 v7, v5;
	v6 =	vbroadcast v12, $0x3  }
0xef: {  	v11 =	vld [tilespmem:s24+$0xFFFFFC00]  }
0xf0: {  	v8 =	vadd.f32 v7, v8;
	v9 =	vmul.f32 v9, v6;
	v7 =	vbroadcast v12, $0x4  }
0xf1: {  	v13 =	vld [tilespmem:s24+$0xFFFFFC80]  }
0xf2: {  	v9 =	vadd.f32 v9, v8;
	v10 =	vmul.f32 v10, v7;
	v8 =	vbroadcast v12, $0x5  }
0xf3: {  	v14 =	vld [tilespmem:s24+$0xFFFFFD00]  }
0xf4: {  	v10 =	vadd.f32 v10, v9;
	v11 =	vmul.f32 v11, v8;
	v9 =	vbroadcast v12, $0x6  }
0xf5: {  	v15 =	vld [tilespmem:s24+$0x180]  }
0xf6: {  	v11 =	vadd.f32 v11, v10;
	v13 =	vmul.f32 v13, v9;
	v10 =	vbroadcast v12, $0x7  }
0xf7: {  	v16 =	vld [tilespmem:s24+$0x200]  }
0xf8: {  	v13 =	vadd.f32 v13, v11;
	v14 =	vmul.f32 v14, v10;
	v11 =	vbroadcast v12, $0x8;
	_ =	sdelay $0x1  }
0xf9: {  	v12 =	vbroadcast v12, $0x9;
	v13 =	vadd.f32 v14, v13;
	v32 =	vmul.f32 v15, v11;
	_ =	sdelay $0x1  }
0xfa: {  	v33 =	vmul.f32 v16, v12;
	v13 =	vadd.f32 v32, v13;
	_ =	sdelay $0x1  }
0xfb: {  	s28 =	sand.u32 $0x800, s26;
	s29 =	sand.u32 $0x380, s25;
	v13 =	vadd.f32 v33, v13  }
0xfc: {  	s28 =	sor.u32 s29, s28  }
0xfd: {  	[tilespmem:s28+$0x11200] =	vst v13  }
0xfe: {  	v13 =	vld [tilespmem:s24+$0xFFFFF990]  }
0xff: {  	v34 =	vld [tilespmem:s24+$0xFFFFFA10];
	_ =	sdelay $0x1  }
0x100: {  	v35 =	vld [tilespmem:s24+$0xFFFFFA90];
	_ =	sdelay $0x1  }
0x101: {  	v36 =	vld [tilespmem:s24+$0xFFFFFB10]  }
0x102: {  	v13 =	vmul.f32 v13, v3;
	v14 =	vmul.f32 v34, v4  }
0x103: {  	v17 =	vld [tilespmem:s24+$0xFFFFFB90]  }
0x104: {  	v37 =	vmul.f32 v35, v5;
	v13 =	vadd.f32 v14, v13  }
0x105: {  	v38 =	vld [tilespmem:s24+$0xFFFFFC10]  }
0x106: {  	v39 =	vmul.f32 v36, v6;
	v13 =	vadd.f32 v37, v13  }
0x107: {  	v40 =	vld [tilespmem:s24+$0xFFFFFC90]  }
0x108: {  	v41 =	vmul.f32 v17, v7;
	v13 =	vadd.f32 v39, v13  }
0x109: {  	v42 =	vld [tilespmem:s24+$0xFFFFFD10]  }
0x10a: {  	v43 =	vmul.f32 v38, v8;
	v13 =	vadd.f32 v41, v13  }
0x10b: {  	v44 =	vld [tilespmem:s24+$0x190]  }
0x10c: {  	v45 =	vmul.f32 v40, v9;
	v13 =	vadd.f32 v43, v13  }
0x10d: {  	v46 =	vld [tilespmem:s24+$0x210]  }
0x10e: {  	v47 =	vmul.f32 v42, v10;
	v13 =	vadd.f32 v45, v13;
	_ =	sdelay $0x1  }
0x10f: {  	v48 =	vmul.f32 v44, v11;
	v13 =	vadd.f32 v47, v13;
	_ =	sdelay $0x1  }
0x110: {  	v49 =	vmul.f32 v46, v12;
	v13 =	vadd.f32 v48, v13;
	_ =	sdelay $0x1  }
0x111: {  	v13 =	vadd.f32 v49, v13  }
0x112: {  	s28 =	sadd.s32 $0x11200, s28  }
0x113: {  	[tilespmem:s28+$0x10] =	vst v13  }
0x114: {  	v13 =	vld [tilespmem:s24+$0xFFFFF9A0]  }
0x115: {  	v50 =	vld [tilespmem:s24+$0xFFFFFA20];
	_ =	sdelay $0x1  }
0x116: {  	v51 =	vld [tilespmem:s24+$0xFFFFFAA0];
	_ =	sdelay $0x1  }
0x117: {  	v52 =	vld [tilespmem:s24+$0xFFFFFB20]  }
0x118: {  	v13 =	vmul.f32 v13, v3;
	v14 =	vmul.f32 v50, v4  }
0x119: {  	v53 =	vld [tilespmem:s24+$0xFFFFFBA0]  }
0x11a: {  	v54 =	vmul.f32 v51, v5;
	v13 =	vadd.f32 v14, v13  }
0x11b: {  	v55 =	vld [tilespmem:s24+$0xFFFFFC20]  }
0x11c: {  	v56 =	vmul.f32 v52, v6;
	v13 =	vadd.f32 v54, v13  }
0x11d: {  	v57 =	vld [tilespmem:s24+$0xFFFFFCA0]  }
0x11e: {  	v58 =	vmul.f32 v53, v7;
	v13 =	vadd.f32 v56, v13  }
0x11f: {  	v59 =	vld [tilespmem:s24+$0xFFFFFD20]  }
0x120: {  	v60 =	vmul.f32 v55, v8;
	v13 =	vadd.f32 v58, v13  }
0x121: {  	v61 =	vld [tilespmem:s24+$0x1A0]  }
0x122: {  	v62 =	vmul.f32 v57, v9;
	v13 =	vadd.f32 v60, v13  }
0x123: {  	v63 =	vld [tilespmem:s24+$0x220]  }
0x124: {  	v17 =	vmul.f32 v59, v10;
	v13 =	vadd.f32 v62, v13;
	_ =	sdelay $0x1  }
0x125: {  	v18 =	vmul.f32 v61, v11;
	v13 =	vadd.f32 v17, v13;
	_ =	sdelay $0x1  }
0x126: {  	v19 =	vmul.f32 v63, v12;
	v13 =	vadd.f32 v18, v13;
	_ =	sdelay $0x1  }
0x127: {  	v13 =	vadd.f32 v19, v13;
	_ =	sdelay $0x1  }
0x128: {  	[tilespmem:s28+$0x20] =	vst v13  }
0x129: {  	v13 =	vld [tilespmem:s24+$0xFFFFF9B0]  }
0x12a: {  	v20 =	vld [tilespmem:s24+$0xFFFFFA30];
	_ =	sdelay $0x1  }
0x12b: {  	v21 =	vld [tilespmem:s24+$0xFFFFFAB0];
	_ =	sdelay $0x1  }
0x12c: {  	v22 =	vld [tilespmem:s24+$0xFFFFFB30]  }
0x12d: {  	v13 =	vmul.f32 v13, v3;
	v14 =	vmul.f32 v20, v4  }
0x12e: {  	v23 =	vld [tilespmem:s24+$0xFFFFFBB0]  }
0x12f: {  	v24 =	vmul.f32 v21, v5;
	v13 =	vadd.f32 v14, v13  }
0x130: {  	v25 =	vld [tilespmem:s24+$0xFFFFFC30]  }
0x131: {  	v26 =	vmul.f32 v22, v6;
	v13 =	vadd.f32 v24, v13  }
0x132: {  	v27 =	vld [tilespmem:s24+$0xFFFFFCB0]  }
0x133: {  	v28 =	vmul.f32 v23, v7;
	v13 =	vadd.f32 v26, v13  }
0x134: {  	v29 =	vld [tilespmem:s24+$0xFFFFFD30]  }
0x135: {  	v30 =	vmul.f32 v25, v8;
	v13 =	vadd.f32 v28, v13  }
0x136: {  	v31 =	vld [tilespmem:s24+$0x1B0]  }
0x137: {  	v32 =	vmul.f32 v27, v9;
	v13 =	vadd.f32 v30, v13  }
0x138: {  	v33 =	vld [tilespmem:s24+$0x230]  }
0x139: {  	v34 =	vmul.f32 v29, v10;
	v13 =	vadd.f32 v32, v13;
	_ =	sdelay $0x1  }
0x13a: {  	v35 =	vmul.f32 v31, v11;
	v13 =	vadd.f32 v34, v13;
	_ =	sdelay $0x1  }
0x13b: {  	v36 =	vmul.f32 v33, v12;
	v13 =	vadd.f32 v35, v13;
	_ =	sdelay $0x1  }
0x13c: {  	v13 =	vadd.f32 v36, v13;
	_ =	sdelay $0x1  }
0x13d: {  	[tilespmem:s28+$0x30] =	vst v13  }
0x13e: {  	v13 =	vld [tilespmem:s24+$0xFFFFF9C0]  }
0x13f: {  	v37 =	vld [tilespmem:s24+$0xFFFFFA40];
	_ =	sdelay $0x1  }
0x140: {  	v38 =	vld [tilespmem:s24+$0xFFFFFAC0];
	_ =	sdelay $0x1  }
0x141: {  	v39 =	vld [tilespmem:s24+$0xFFFFFB40]  }
0x142: {  	v13 =	vmul.f32 v13, v3;
	v14 =	vmul.f32 v37, v4  }
0x143: {  	v40 =	vld [tilespmem:s24+$0xFFFFFBC0]  }
0x144: {  	v41 =	vmul.f32 v38, v5;
	v13 =	vadd.f32 v14, v13  }
0x145: {  	v42 =	vld [tilespmem:s24+$0xFFFFFC40]  }
0x146: {  	v43 =	vmul.f32 v39, v6;
	v13 =	vadd.f32 v41, v13  }
0x147: {  	v44 =	vld [tilespmem:s24+$0xFFFFFCC0]  }
0x148: {  	v45 =	vmul.f32 v40, v7;
	v13 =	vadd.f32 v43, v13  }
0x149: {  	v46 =	vld [tilespmem:s24+$0xFFFFFD40]  }
0x14a: {  	v47 =	vmul.f32 v42, v8;
	v13 =	vadd.f32 v45, v13  }
0x14b: {  	v48 =	vld [tilespmem:s24+$0x1C0]  }
0x14c: {  	v49 =	vmul.f32 v44, v9;
	v13 =	vadd.f32 v47, v13  }
0x14d: {  	v50 =	vld [tilespmem:s24+$0x240]  }
0x14e: {  	v51 =	vmul.f32 v46, v10;
	v13 =	vadd.f32 v49, v13;
	_ =	sdelay $0x1  }
0x14f: {  	v52 =	vmul.f32 v48, v11;
	v13 =	vadd.f32 v51, v13;
	_ =	sdelay $0x1  }
0x150: {  	v53 =	vmul.f32 v50, v12;
	v13 =	vadd.f32 v52, v13;
	_ =	sdelay $0x1  }
0x151: {  	v13 =	vadd.f32 v53, v13;
	_ =	sdelay $0x1  }
0x152: {  	[tilespmem:s28+$0x40] =	vst v13  }
0x153: {  	v13 =	vld [tilespmem:s24+$0xFFFFF9D0]  }
0x154: {  	v54 =	vld [tilespmem:s24+$0xFFFFFA50];
	_ =	sdelay $0x1  }
0x155: {  	v55 =	vld [tilespmem:s24+$0xFFFFFAD0];
	_ =	sdelay $0x1  }
0x156: {  	v56 =	vld [tilespmem:s24+$0xFFFFFB50]  }
0x157: {  	v13 =	vmul.f32 v13, v3;
	v14 =	vmul.f32 v54, v4  }
0x158: {  	v57 =	vld [tilespmem:s24+$0xFFFFFBD0]  }
0x159: {  	v58 =	vmul.f32 v55, v5;
	v13 =	vadd.f32 v14, v13  }
0x15a: {  	v59 =	vld [tilespmem:s24+$0xFFFFFC50]  }
0x15b: {  	v60 =	vmul.f32 v56, v6;
	v13 =	vadd.f32 v58, v13  }
0x15c: {  	v61 =	vld [tilespmem:s24+$0xFFFFFCD0]  }
0x15d: {  	v62 =	vmul.f32 v57, v7;
	v13 =	vadd.f32 v60, v13  }
0x15e: {  	v63 =	vld [tilespmem:s24+$0xFFFFFD50]  }
0x15f: {  	v19 =	vmul.f32 v59, v8;
	v13 =	vadd.f32 v62, v13  }
0x160: {  	v20 =	vld [tilespmem:s24+$0x1D0]  }
0x161: {  	v21 =	vmul.f32 v61, v9;
	v13 =	vadd.f32 v19, v13  }
0x162: {  	v22 =	vld [tilespmem:s24+$0x250]  }
0x163: {  	v23 =	vmul.f32 v63, v10;
	v13 =	vadd.f32 v21, v13;
	_ =	sdelay $0x1  }
0x164: {  	v24 =	vmul.f32 v20, v11;
	v13 =	vadd.f32 v23, v13;
	_ =	sdelay $0x1  }
0x165: {  	v25 =	vmul.f32 v22, v12;
	v13 =	vadd.f32 v24, v13;
	_ =	sdelay $0x1  }
0x166: {  	v13 =	vadd.f32 v25, v13;
	_ =	sdelay $0x1  }
0x167: {  	[tilespmem:s28+$0x50] =	vst v13  }
0x168: {  	v13 =	vld [tilespmem:s24+$0xFFFFF9E0]  }
0x169: {  	v26 =	vld [tilespmem:s24+$0xFFFFFA60];
	_ =	sdelay $0x1  }
0x16a: {  	v27 =	vld [tilespmem:s24+$0xFFFFFAE0];
	_ =	sdelay $0x1  }
0x16b: {  	v28 =	vld [tilespmem:s24+$0xFFFFFB60]  }
0x16c: {  	v13 =	vmul.f32 v13, v3;
	v14 =	vmul.f32 v26, v4  }
0x16d: {  	v29 =	vld [tilespmem:s24+$0xFFFFFBE0]  }
0x16e: {  	v30 =	vmul.f32 v27, v5;
	v13 =	vadd.f32 v14, v13  }
0x16f: {  	v31 =	vld [tilespmem:s24+$0xFFFFFC60]  }
0x170: {  	v32 =	vmul.f32 v28, v6;
	v13 =	vadd.f32 v30, v13  }
0x171: {  	v33 =	vld [tilespmem:s24+$0xFFFFFCE0]  }
0x172: {  	v34 =	vmul.f32 v29, v7;
	v13 =	vadd.f32 v32, v13  }
0x173: {  	v35 =	vld [tilespmem:s24+$0xFFFFFD60]  }
0x174: {  	v36 =	vmul.f32 v31, v8;
	v13 =	vadd.f32 v34, v13  }
0x175: {  	v37 =	vld [tilespmem:s24+$0x1E0]  }
0x176: {  	v38 =	vmul.f32 v33, v9;
	v13 =	vadd.f32 v36, v13  }
0x177: {  	v39 =	vld [tilespmem:s24+$0x260]  }
0x178: {  	v40 =	vmul.f32 v35, v10;
	v13 =	vadd.f32 v38, v13;
	_ =	sdelay $0x1  }
0x179: {  	v41 =	vmul.f32 v37, v11;
	v13 =	vadd.f32 v40, v13;
	_ =	sdelay $0x1  }
0x17a: {  	v42 =	vmul.f32 v39, v12;
	v13 =	vadd.f32 v41, v13;
	_ =	sdelay $0x1  }
0x17b: {  	v13 =	vadd.f32 v42, v13;
	_ =	sdelay $0x1  }
0x17c: {  	[tilespmem:s28+$0x60] =	vst v13  }
0x17d: {  	v13 =	vld [tilespmem:s24+$0xFFFFF9F0]  }
0x17e: {  	v43 =	vld [tilespmem:s24+$0xFFFFFA70];
	_ =	sdelay $0x1  }
0x17f: {  	v44 =	vld [tilespmem:s24+$0xFFFFFAF0];
	_ =	sdelay $0x1  }
0x180: {  	v45 =	vld [tilespmem:s24+$0xFFFFFB70]  }
0x181: {  	v13 =	vmul.f32 v13, v3;
	v14 =	vmul.f32 v43, v4  }
0x182: {  	v46 =	vld [tilespmem:s24+$0xFFFFFBF0]  }
0x183: {  	v47 =	vmul.f32 v44, v5;
	v13 =	vadd.f32 v14, v13  }
0x184: {  	v48 =	vld [tilespmem:s24+$0xFFFFFC70]  }
0x185: {  	v49 =	vmul.f32 v45, v6;
	v13 =	vadd.f32 v47, v13  }
0x186: {  	v50 =	vld [tilespmem:s24+$0xFFFFFCF0]  }
0x187: {  	v51 =	vmul.f32 v46, v7;
	v13 =	vadd.f32 v49, v13  }
0x188: {  	v52 =	vld [tilespmem:s24+$0xFFFFFD70]  }
0x189: {  	v53 =	vmul.f32 v48, v8;
	v13 =	vadd.f32 v51, v13  }
0x18a: {  	v54 =	vld [tilespmem:s24+$0x1F0]  }
0x18b: {  	v55 =	vmul.f32 v50, v9;
	v13 =	vadd.f32 v53, v13  }
0x18c: {  	v56 =	vld [tilespmem:s24+$0x270]  }
0x18d: {  	v57 =	vmul.f32 v52, v10;
	v13 =	vadd.f32 v55, v13;
	_ =	sdelay $0x1  }
0x18e: {  	v58 =	vmul.f32 v54, v11;
	v13 =	vadd.f32 v57, v13;
	_ =	sdelay $0x1  }
0x18f: {  	v59 =	vmul.f32 v56, v12;
	v13 =	vadd.f32 v58, v13;
	_ =	sdelay $0x1  }
0x190: {  	v13 =	vadd.f32 v59, v13;
	_ =	sdelay $0x1  }
0x191: {  	[tilespmem:s28+$0x70] =	vst v13  }
0x192: {  	v13 =	vld [tilespmem:s24+$0xFFFFFD80]  }
0x193: {  	v60 =	vld [tilespmem:s24+$0xFFFFFE00];
	_ =	sdelay $0x1  }
0x194: {  	v61 =	vld [tilespmem:s24+$0xFFFFFE80];
	_ =	sdelay $0x1  }
0x195: {  	v62 =	vld [tilespmem:s24+$0xFFFFFF00]  }
0x196: {  	v13 =	vmul.f32 v13, v3;
	v14 =	vmul.f32 v60, v4  }
0x197: {  	v63 =	vld [tilespmem:s24+$0xFFFFFF80]  }
0x198: {  	v20 =	vmul.f32 v61, v5;
	v13 =	vadd.f32 v14, v13  }
0x199: {  	v21 =	vld [tilespmem:s24+$0x0]  }
0x19a: {  	v22 =	vmul.f32 v62, v6;
	v13 =	vadd.f32 v20, v13  }
0x19b: {  	v23 =	vld [tilespmem:s24+$0x80]  }
0x19c: {  	v24 =	vmul.f32 v63, v7;
	v13 =	vadd.f32 v22, v13  }
0x19d: {  	v25 =	vld [tilespmem:s24+$0x100]  }
0x19e: {  	v26 =	vmul.f32 v21, v8;
	v13 =	vadd.f32 v24, v13  }
0x19f: {  	v27 =	vld [tilespmem:s24+$0x580]  }
0x1a0: {  	v28 =	vmul.f32 v23, v9;
	v13 =	vadd.f32 v26, v13  }
0x1a1: {  	v29 =	vld [tilespmem:s24+$0x600]  }
0x1a2: {  	v30 =	vmul.f32 v25, v10;
	v13 =	vadd.f32 v28, v13;
	_ =	sdelay $0x1  }
0x1a3: {  	v31 =	vmul.f32 v27, v11;
	v13 =	vadd.f32 v30, v13;
	_ =	sdelay $0x1  }
0x1a4: {  	v32 =	vmul.f32 v29, v12;
	v13 =	vadd.f32 v31, v13;
	_ =	sdelay $0x1  }
0x1a5: {  	v13 =	vadd.f32 v32, v13;
	_ =	sdelay $0x1  }
0x1a6: {  	[tilespmem:s28+$0x400] =	vst v13  }
0x1a7: {  	v13 =	vld [tilespmem:s24+$0xFFFFFD90]  }
0x1a8: {  	v33 =	vld [tilespmem:s24+$0xFFFFFE10];
	_ =	sdelay $0x1  }
0x1a9: {  	v34 =	vld [tilespmem:s24+$0xFFFFFE90];
	_ =	sdelay $0x1  }
0x1aa: {  	v35 =	vld [tilespmem:s24+$0xFFFFFF10]  }
0x1ab: {  	v13 =	vmul.f32 v13, v3;
	v14 =	vmul.f32 v33, v4  }
0x1ac: {  	v36 =	vld [tilespmem:s24+$0xFFFFFF90]  }
0x1ad: {  	v37 =	vmul.f32 v34, v5;
	v13 =	vadd.f32 v14, v13  }
0x1ae: {  	v38 =	vld [tilespmem:s24+$0x10]  }
0x1af: {  	v39 =	vmul.f32 v35, v6;
	v13 =	vadd.f32 v37, v13  }
0x1b0: {  	v40 =	vld [tilespmem:s24+$0x90]  }
0x1b1: {  	v41 =	vmul.f32 v36, v7;
	v13 =	vadd.f32 v39, v13  }
0x1b2: {  	v42 =	vld [tilespmem:s24+$0x110]  }
0x1b3: {  	v43 =	vmul.f32 v38, v8;
	v13 =	vadd.f32 v41, v13  }
0x1b4: {  	v44 =	vld [tilespmem:s24+$0x590]  }
0x1b5: {  	v45 =	vmul.f32 v40, v9;
	v13 =	vadd.f32 v43, v13  }
0x1b6: {  	v46 =	vld [tilespmem:s24+$0x610]  }
0x1b7: {  	v47 =	vmul.f32 v42, v10;
	v13 =	vadd.f32 v45, v13;
	_ =	sdelay $0x1  }
0x1b8: {  	v48 =	vmul.f32 v44, v11;
	v13 =	vadd.f32 v47, v13;
	_ =	sdelay $0x1  }
0x1b9: {  	v49 =	vmul.f32 v46, v12;
	v13 =	vadd.f32 v48, v13;
	_ =	sdelay $0x1  }
0x1ba: {  	v13 =	vadd.f32 v49, v13;
	_ =	sdelay $0x1  }
0x1bb: {  	[tilespmem:s28+$0x410] =	vst v13  }
0x1bc: {  	v13 =	vld [tilespmem:s24+$0xFFFFFDA0]  }
0x1bd: {  	v50 =	vld [tilespmem:s24+$0xFFFFFE20];
	_ =	sdelay $0x1  }
0x1be: {  	v51 =	vld [tilespmem:s24+$0xFFFFFEA0];
	_ =	sdelay $0x1  }
0x1bf: {  	v52 =	vld [tilespmem:s24+$0xFFFFFF20]  }
0x1c0: {  	v13 =	vmul.f32 v13, v3;
	v14 =	vmul.f32 v50, v4  }
0x1c1: {  	v53 =	vld [tilespmem:s24+$0xFFFFFFA0]  }
0x1c2: {  	v54 =	vmul.f32 v51, v5;
	v13 =	vadd.f32 v14, v13  }
0x1c3: {  	v55 =	vld [tilespmem:s24+$0x20]  }
0x1c4: {  	v56 =	vmul.f32 v52, v6;
	v13 =	vadd.f32 v54, v13  }
0x1c5: {  	v57 =	vld [tilespmem:s24+$0xA0]  }
0x1c6: {  	v58 =	vmul.f32 v53, v7;
	v13 =	vadd.f32 v56, v13  }
0x1c7: {  	v59 =	vld [tilespmem:s24+$0x120]  }
0x1c8: {  	v60 =	vmul.f32 v55, v8;
	v13 =	vadd.f32 v58, v13  }
0x1c9: {  	v61 =	vld [tilespmem:s24+$0x5A0]  }
0x1ca: {  	v62 =	vmul.f32 v57, v9;
	v13 =	vadd.f32 v60, v13  }
0x1cb: {  	v63 =	vld [tilespmem:s24+$0x620]  }
0x1cc: {  	v20 =	vmul.f32 v59, v10;
	v13 =	vadd.f32 v62, v13;
	_ =	sdelay $0x1  }
0x1cd: {  	v21 =	vmul.f32 v61, v11;
	v13 =	vadd.f32 v20, v13;
	_ =	sdelay $0x1  }
0x1ce: {  	v22 =	vmul.f32 v63, v12;
	v13 =	vadd.f32 v21, v13;
	_ =	sdelay $0x1  }
0x1cf: {  	v13 =	vadd.f32 v22, v13;
	_ =	sdelay $0x1  }
0x1d0: {  	[tilespmem:s28+$0x420] =	vst v13  }
0x1d1: {  	v13 =	vld [tilespmem:s24+$0xFFFFFDB0]  }
0x1d2: {  	v23 =	vld [tilespmem:s24+$0xFFFFFE30];
	_ =	sdelay $0x1  }
0x1d3: {  	v24 =	vld [tilespmem:s24+$0xFFFFFEB0];
	_ =	sdelay $0x1  }
0x1d4: {  	v25 =	vld [tilespmem:s24+$0xFFFFFF30]  }
0x1d5: {  	v13 =	vmul.f32 v13, v3;
	v14 =	vmul.f32 v23, v4  }
0x1d6: {  	v26 =	vld [tilespmem:s24+$0xFFFFFFB0]  }
0x1d7: {  	v27 =	vmul.f32 v24, v5;
	v13 =	vadd.f32 v14, v13  }
0x1d8: {  	v28 =	vld [tilespmem:s24+$0x30]  }
0x1d9: {  	v29 =	vmul.f32 v25, v6;
	v13 =	vadd.f32 v27, v13  }
0x1da: {  	v30 =	vld [tilespmem:s24+$0xB0]  }
0x1db: {  	v31 =	vmul.f32 v26, v7;
	v13 =	vadd.f32 v29, v13  }
0x1dc: {  	v32 =	vld [tilespmem:s24+$0x130]  }
0x1dd: {  	v33 =	vmul.f32 v28, v8;
	v13 =	vadd.f32 v31, v13  }
0x1de: {  	v34 =	vld [tilespmem:s24+$0x5B0]  }
0x1df: {  	v35 =	vmul.f32 v30, v9;
	v13 =	vadd.f32 v33, v13  }
0x1e0: {  	v36 =	vld [tilespmem:s24+$0x630]  }
0x1e1: {  	v37 =	vmul.f32 v32, v10;
	v13 =	vadd.f32 v35, v13;
	_ =	sdelay $0x1  }
0x1e2: {  	v38 =	vmul.f32 v34, v11;
	v13 =	vadd.f32 v37, v13;
	_ =	sdelay $0x1  }
0x1e3: {  	v39 =	vmul.f32 v36, v12;
	v13 =	vadd.f32 v38, v13;
	_ =	sdelay $0x1  }
0x1e4: {  	v13 =	vadd.f32 v39, v13;
	_ =	sdelay $0x1  }
0x1e5: {  	[tilespmem:s28+$0x430] =	vst v13  }
0x1e6: {  	v13 =	vld [tilespmem:s24+$0xFFFFFDC0]  }
0x1e7: {  	v40 =	vld [tilespmem:s24+$0xFFFFFE40];
	_ =	sdelay $0x1  }
0x1e8: {  	v41 =	vld [tilespmem:s24+$0xFFFFFEC0];
	_ =	sdelay $0x1  }
0x1e9: {  	v42 =	vld [tilespmem:s24+$0xFFFFFF40]  }
0x1ea: {  	v13 =	vmul.f32 v13, v3;
	v14 =	vmul.f32 v40, v4  }
0x1eb: {  	v43 =	vld [tilespmem:s24+$0xFFFFFFC0]  }
0x1ec: {  	v44 =	vmul.f32 v41, v5;
	v13 =	vadd.f32 v14, v13  }
0x1ed: {  	v45 =	vld [tilespmem:s24+$0x40]  }
0x1ee: {  	v46 =	vmul.f32 v42, v6;
	v13 =	vadd.f32 v44, v13  }
0x1ef: {  	v47 =	vld [tilespmem:s24+$0xC0]  }
0x1f0: {  	v48 =	vmul.f32 v43, v7;
	v13 =	vadd.f32 v46, v13  }
0x1f1: {  	v49 =	vld [tilespmem:s24+$0x140]  }
0x1f2: {  	v50 =	vmul.f32 v45, v8;
	v13 =	vadd.f32 v48, v13  }
0x1f3: {  	v51 =	vld [tilespmem:s24+$0x5C0]  }
0x1f4: {  	v52 =	vmul.f32 v47, v9;
	v13 =	vadd.f32 v50, v13  }
0x1f5: {  	v53 =	vld [tilespmem:s24+$0x640]  }
0x1f6: {  	v54 =	vmul.f32 v49, v10;
	v13 =	vadd.f32 v52, v13;
	_ =	sdelay $0x1  }
0x1f7: {  	v55 =	vmul.f32 v51, v11;
	v13 =	vadd.f32 v54, v13;
	_ =	sdelay $0x1  }
0x1f8: {  	v56 =	vmul.f32 v53, v12;
	v13 =	vadd.f32 v55, v13;
	_ =	sdelay $0x1  }
0x1f9: {  	v13 =	vadd.f32 v56, v13;
	_ =	sdelay $0x1  }
0x1fa: {  	[tilespmem:s28+$0x440] =	vst v13  }
0x1fb: {  	v13 =	vld [tilespmem:s24+$0xFFFFFDD0]  }
0x1fc: {  	v57 =	vld [tilespmem:s24+$0xFFFFFE50];
	_ =	sdelay $0x1  }
0x1fd: {  	v58 =	vld [tilespmem:s24+$0xFFFFFED0];
	_ =	sdelay $0x1  }
0x1fe: {  	v59 =	vld [tilespmem:s24+$0xFFFFFF50]  }
0x1ff: {  	v13 =	vmul.f32 v13, v3;
	v14 =	vmul.f32 v57, v4  }
0x200: {  	v60 =	vld [tilespmem:s24+$0xFFFFFFD0]  }
0x201: {  	v61 =	vmul.f32 v58, v5;
	v13 =	vadd.f32 v14, v13  }
0x202: {  	v62 =	vld [tilespmem:s24+$0x50]  }
0x203: {  	v63 =	vmul.f32 v59, v6;
	v13 =	vadd.f32 v61, v13  }
0x204: {  	v20 =	vld [tilespmem:s24+$0xD0]  }
0x205: {  	v21 =	vmul.f32 v60, v7;
	v13 =	vadd.f32 v63, v13  }
0x206: {  	v22 =	vld [tilespmem:s24+$0x150]  }
0x207: {  	v23 =	vmul.f32 v62, v8;
	v13 =	vadd.f32 v21, v13  }
0x208: {  	v24 =	vld [tilespmem:s24+$0x5D0]  }
0x209: {  	v25 =	vmul.f32 v20, v9;
	v13 =	vadd.f32 v23, v13  }
0x20a: {  	v26 =	vld [tilespmem:s24+$0x650]  }
0x20b: {  	v27 =	vmul.f32 v22, v10;
	v13 =	vadd.f32 v25, v13;
	_ =	sdelay $0x1  }
0x20c: {  	v28 =	vmul.f32 v24, v11;
	v13 =	vadd.f32 v27, v13;
	_ =	sdelay $0x1  }
0x20d: {  	v29 =	vmul.f32 v26, v12;
	v13 =	vadd.f32 v28, v13;
	_ =	sdelay $0x1  }
0x20e: {  	v13 =	vadd.f32 v29, v13;
	_ =	sdelay $0x1  }
0x20f: {  	[tilespmem:s28+$0x450] =	vst v13  }
0x210: {  	v13 =	vld [tilespmem:s24+$0xFFFFFDE0]  }
0x211: {  	v30 =	vld [tilespmem:s24+$0xFFFFFE60];
	_ =	sdelay $0x1  }
0x212: {  	v31 =	vld [tilespmem:s24+$0xFFFFFEE0];
	_ =	sdelay $0x1  }
0x213: {  	v32 =	vld [tilespmem:s24+$0xFFFFFF60]  }
0x214: {  	v13 =	vmul.f32 v13, v3;
	v14 =	vmul.f32 v30, v4  }
0x215: {  	v33 =	vld [tilespmem:s24+$0xFFFFFFE0]  }
0x216: {  	v34 =	vmul.f32 v31, v5;
	v13 =	vadd.f32 v14, v13  }
0x217: {  	v35 =	vld [tilespmem:s24+$0x60]  }
0x218: {  	v36 =	vmul.f32 v32, v6;
	v13 =	vadd.f32 v34, v13  }
0x219: {  	v37 =	vld [tilespmem:s24+$0xE0]  }
0x21a: {  	v38 =	vmul.f32 v33, v7;
	v13 =	vadd.f32 v36, v13  }
0x21b: {  	v39 =	vld [tilespmem:s24+$0x160]  }
0x21c: {  	v40 =	vmul.f32 v35, v8;
	v13 =	vadd.f32 v38, v13  }
0x21d: {  	v41 =	vld [tilespmem:s24+$0x5E0]  }
0x21e: {  	v42 =	vmul.f32 v37, v9;
	v13 =	vadd.f32 v40, v13  }
0x21f: {  	v43 =	vld [tilespmem:s24+$0x660]  }
0x220: {  	v44 =	vmul.f32 v39, v10;
	v13 =	vadd.f32 v42, v13;
	_ =	sdelay $0x1  }
0x221: {  	v45 =	vmul.f32 v41, v11;
	v13 =	vadd.f32 v44, v13;
	_ =	sdelay $0x1  }
0x222: {  	v46 =	vmul.f32 v43, v12;
	v13 =	vadd.f32 v45, v13;
	_ =	sdelay $0x1  }
0x223: {  	v13 =	vadd.f32 v46, v13;
	_ =	sdelay $0x1  }
0x224: {  	[tilespmem:s28+$0x460] =	vst v13  }
0x225: {  	v13 =	vld [tilespmem:s24+$0xFFFFFDF0]  }
0x226: {  	v47 =	vld [tilespmem:s24+$0xFFFFFE70];
	_ =	sdelay $0x1  }
0x227: {  	v48 =	vld [tilespmem:s24+$0xFFFFFEF0];
	_ =	sdelay $0x1  }
0x228: {  	v49 =	vld [tilespmem:s24+$0xFFFFFF70]  }
0x229: {  	v3 =	vmul.f32 v13, v3;
	v4 =	vmul.f32 v47, v4  }
0x22a: {  	v50 =	vld [tilespmem:s24+$0xFFFFFFF0]  }
0x22b: {  	v51 =	vmul.f32 v48, v5;
	v3 =	vadd.f32 v4, v3  }
0x22c: {  	v52 =	vld [tilespmem:s24+$0x70]  }
0x22d: {  	v53 =	vmul.f32 v49, v6;
	v3 =	vadd.f32 v51, v3  }
0x22e: {  	v54 =	vld [tilespmem:s24+$0xF0]  }
0x22f: {  	v55 =	vmul.f32 v50, v7;
	v3 =	vadd.f32 v53, v3  }
0x230: {  	v56 =	vld [tilespmem:s24+$0x170]  }
0x231: {  	v57 =	vmul.f32 v52, v8;
	v3 =	vadd.f32 v55, v3  }
0x232: {  	v58 =	vld [tilespmem:s24+$0x5F0]  }
0x233: {  	v59 =	vmul.f32 v54, v9;
	v3 =	vadd.f32 v57, v3  }
0x234: {  	v60 =	vld [tilespmem:s24+$0x670]  }
0x235: {  	v61 =	vmul.f32 v56, v10;
	v3 =	vadd.f32 v59, v3;
	_ =	sdelay $0x1  }
0x236: {  	v62 =	vmul.f32 v58, v11;
	v3 =	vadd.f32 v61, v3  }
0x237: {  	p0 =	sne.s32 s26, $0xF00  }
.Ltmp0:
0x238: {  	v63 =	vmul.f32 v60, v12;
	v3 =	vadd.f32 v62, v3;
	(pc) =	sbr.rel @p0 .LBB2_2-.Ltmp0, $4  }
0x239: {  	_ = 	snop  }
0x23a: {  	v3 =	vadd.f32 v63, v3  }
0x23b: {  	s25 =	sadd.s32 $0x80, s25  }
0x23c: {  	s23 =	sadd.s32 $0x10, s23;
	s26 =	sadd.s32 $0x100, s26;
	s24 =	sadd.s32 $0x1000, s24;
	[tilespmem:s28+$0x470] =	vst v3  }
0x23d: {  	s22 =	sadd.s32 $0x1, s22  }
0x23e: {  	p0 =	sne.s32 s22, s7  }
.Ltmp1:
0x23f: {  	_ = 	snop;
	(pc) =	sbr.rel @p0 .LBB2_1-.Ltmp1, $4  }
0x240: {  	[hbm4b:s6+s3] =	stream.linear.scatter [tilespmem:s20], [sflag:$0x3], $0x1000, $0x38;
	[tilespmem:$0x12200] =	vst v63  }
0x241: {  	_ =	swait.ge [sflag:s21], $0x1000  }
0x242: {  	[sflag:s21] =	ssyncset.done $0x0  }
0x243: {  	[sflag:s21] =	ssyncadd.s32 $0xFFFFF000  }
0x244: {  	_ =	sfence.sel $0x180000  }
0x245: {  	[bflag:$0x0] =	sbarrier.arrive $0xFFFF  }
0x246: {  	_ =	strace $0x90000047  }
0x247: {  	s0 =	stileid.u32;
	[bflag:$0x2] =	sbarrier.arrive $0xFFFF  }
0x248: {  	p0 =	sne.s32 s0, $0x0;
	s0 =	rddreg [dreg:$0x3]  }
0x249: {  	s0 =	sadd.s32 @!p0 $0x100000, s0  }
0x24a: {  	[sflag:s0] =	ssyncadd.tile.s32 @!p0 $0x1;
	_ =	shalt  }
.Lfunc_end2:
_tile_overlayer_lowered:
.L_overlay_start_2:
0x24b: {  	(tag) =	ssettag $0x2  }
0x24c: {  	s0 =	rddreg [dreg:$0x0];
	s2 =	stileid.u32  }
0x24d: {  	s1 =	rddreg [dreg:$0x1];
	p0 =	sne.s32 s2, $0x0  }
0x24e: {  	s3 =	rddreg [dreg:$0x2];
	[bflag:$0x3] =	sbarrier.arrive $0xFFFF;
	s2 =	simm.s32 @!p0 $0x1C03  }
0x24f: {  	[timem:s3], [sflag:s2] =	dma.local @!p0 [hbm:s0], s1  }
0x250: {  	s0 =	simm.s32 @!p0 $0x3  }
0x251: {  	_ =	swait.ge @!p0 [sflag:s0], s1  }
0x252: {  	s1 =	ssub.s32 @!p0 $0x0, s1;
	[sflag:s0] =	ssyncset.done @!p0 $0x0  }
0x253: {  	[sflag:s0] =	ssyncadd.s32 @!p0 s1  }
0x254: {  	[bflag:$0x3] =	sbarrier.arrive $0xFFFF  }
0x255: {  	_ =	shalt  }

</sc_bundles>
